<compile_context>
chip_gen: v7x
topology: tpu7x:2x2x1
jax: 0.10.2.dev20260603
libtpu: 0.0.44.dev20260713+nightly
codegen_flags: <defaults>
</compile_context>

<pallas_src>
import functools

import jax
import jax.numpy as jnp
from jax import lax
from jax.experimental import pallas as pl
from jax.experimental.pallas import tpu as pltpu
from jax.experimental.pallas import tpu_sc as plsc

N, P3, W3, CKV = 8, 49, 64, 384
TOPK = 4
ROWS = N * P3
B = N * P3 * TOPK
NC, NS = 2, 16
NW = NC * NS
NQ = 4
WS = W3 // NQ
RPB = P3 * TOPK
PLPAD = 224
OFFPAD = 80
NBUF = 7
L = 16

_mesh = plsc.VectorSubcoreMesh(core_axis_name="c", subcore_axis_name="s")


@functools.partial(
    pl.kernel,
    mesh=_mesh,
    out_type=jax.ShapeDtypeStruct((B * NQ, WS, CKV), jnp.float32),
    scratch_types=[
        pltpu.VMEM((PLPAD,), jnp.int32),
        pltpu.VMEM((OFFPAD,), jnp.int32),
    ]
    + [pltpu.VMEM((1, WS, CKV), jnp.float32) for _ in range(NBUF)]
    + [pltpu.SemaphoreType.DMA for _ in range(2 * NBUF)],
)
def _sc_gather(plist_hbm, off_hbm, table_hbm, out_hbm, plv, offv, *scr):
    bufs = scr[:NBUF]
    gsems = scr[NBUF : 2 * NBUF]
    wsems = scr[2 * NBUF :]
    wid = lax.axis_index("s") * NC + lax.axis_index("c")
    b = wid // NQ
    q = wid % NQ
    sbase = b * RPB + q
    dbase = b * RPB * NQ + q

    def wait_one_write(u):
        pltpu.make_async_copy(bufs[u], out_hbm.at[pl.ds(0, 1)], wsems[u]).wait()

    def fire_gather(j, u):
        pltpu.async_copy(
            table_hbm.at[pl.ds(sbase + j * NQ, 1)], bufs[u], gsems[u]
        )

    def wait_gather(u):
        pltpu.make_async_copy(
            table_hbm.at[pl.ds(sbase, 1)], bufs[u], gsems[u]
        ).wait()

    def region(j, u, cnt_u2, last):
        o_j = offv[pl.ds(j, L)][0]
        c_j = offv[pl.ds(j + 1, L)][0] - o_j
        wait_gather(u)
        if not last:
            u2 = (u + 3) % NBUF
            lax.fori_loop(0, cnt_u2, lambda t, c: (wait_one_write(u2), c)[1], 0)
            fire_gather(j + 3, u2)

        def wbody(t, c):
            p = plv[pl.ds(o_j + t, L)][0]
            pltpu.async_copy(
                bufs[u], out_hbm.at[pl.ds(dbase + p * NQ, 1)], wsems[u]
            )
            return c

        lax.fori_loop(0, c_j, wbody, 0)
        return c_j

    fire_gather(0, 0)
    fire_gather(1, 1)
    fire_gather(2, 2)
    pltpu.sync_copy(plist_hbm.at[b], plv)
    pltpu.sync_copy(off_hbm.at[b], offv)

    def block(g, carry):
        cnts = list(carry)
        for u in range(NBUF):
            cnts[u] = region(NBUF * g + u, u, cnts[(u + 3) % NBUF], False)
        return tuple(cnts)

    carry = lax.fori_loop(0, P3 // NBUF - 1, block, (jnp.int32(0),) * NBUF)

    cnts = list(carry)
    for u in range(NBUF):
        j = P3 - NBUF + u
        cnts[u] = region(j, u, cnts[(u + 3) % NBUF], j >= P3 - 3)

    for u in range(NBUF):
        lax.fori_loop(0, cnts[u], lambda t, c, u=u: (wait_one_write(u), c)[1], 0)


def kernel(r_idx, qkv):
    ridx = r_idx.reshape(N, RPB).astype(jnp.int32)
    order = jnp.argsort(ridx, axis=1, stable=True).astype(jnp.int32)
    counts = jnp.sum(
        ridx[:, :, None] == jnp.arange(P3, dtype=jnp.int32)[None, None, :],
        axis=1,
        dtype=jnp.int32,
    )
    offsets = jnp.concatenate(
        [jnp.zeros((N, 1), jnp.int32), jnp.cumsum(counts, axis=1, dtype=jnp.int32)],
        axis=1,
    )
    plist = jnp.pad(order, ((0, 0), (0, PLPAD - RPB)))
    offs = jnp.pad(offsets, ((0, 0), (0, OFFPAD - (P3 + 1))))
    table = qkv.reshape(ROWS * NQ, WS, CKV)
    out = _sc_gather(plist, offs, table)
    return out.reshape(N, P3, TOPK, W3, CKV)

# --- scband reference (transcript-rebuilt; emitter-appended) ---
"""Pipeline reference for scband-qkvgather-16569983828343 (READ-ONLY COPY).

The authoritative reference and input builder live on the scoring server;
editing this copy changes nothing except your own understanding.
"""

import jax, jax.numpy as jnp
import numpy as np


def setup_inputs(seed: int = 0) -> dict:
    key = jax.random.key(seed)
    k1, k2 = jax.random.split(key)
    n, p3, w3, c_kv = 8, 49, 64, 384
    topk = 4
    r_idx = jax.random.randint(k1, (n, p3, topk), 0, p3, dtype=jnp.int64) if jax.config.jax_enable_x64 else jax.random.randint(k1, (n, p3, topk), 0, p3, dtype=jnp.int32)
    qkv = jax.random.normal(k2, (n, p3, w3, c_kv), dtype=jnp.float32)
    return {"r_idx": r_idx, "qkv": qkv}


def reference(r_idx, qkv):
    # torch: gather(qkv.view(n,1,p3,w3,c).expand(n,p3,p3,w3,c), dim=2,
    #               index=r_idx.view(n,p3,topk,1,1).expand(...,w3,c))
    # Equivalent: out[b, i, t, w, c] = qkv[b, r_idx[b, i, t], w, c]
    n = qkv.shape[0]
    batch_ix = jnp.arange(n)[:, None, None]  # [n,1,1] broadcasts against r_idx [n,p3,topk]
    topk_qkv = qkv[batch_ix, r_idx]  # [n, p3, topk, w3, c_kv]
    return topk_qkv

if __name__ == "__main__":
    import jax
    _d = setup_inputs()
    print(jax.jit(kernel)(*tuple(_d.values())))

</pallas_src>

<mosaic_0001>
#map = affine_map<(d0, d1) -> (0, 0)>
#map1 = affine_map<(d0, d1) -> (0, 0, 0)>
module attributes {stable_mosaic.version = 14 : i64} {
  func.func @_sc_gather(%arg0: i32, %arg1: i32, %arg2: memref<8x224xi32, #tpu.memory_space<hbm>>, %arg3: memref<8x80xi32, #tpu.memory_space<hbm>>, %arg4: memref<1568x16x384xf32, #tpu.memory_space<hbm>>, %arg5: memref<6272x16x384xf32, #tpu.memory_space<hbm>>, %arg6: memref<224xi32, #tpu.memory_space<vmem>>, %arg7: memref<80xi32, #tpu.memory_space<vmem>>, %arg8: memref<1x16x384xf32, #tpu.memory_space<vmem>>, %arg9: memref<1x16x384xf32, #tpu.memory_space<vmem>>, %arg10: memref<1x16x384xf32, #tpu.memory_space<vmem>>, %arg11: memref<1x16x384xf32, #tpu.memory_space<vmem>>, %arg12: memref<1x16x384xf32, #tpu.memory_space<vmem>>, %arg13: memref<1x16x384xf32, #tpu.memory_space<vmem>>, %arg14: memref<1x16x384xf32, #tpu.memory_space<vmem>>, %arg15: memref<!tpu.dma_semaphore, #tpu.memory_space<semaphore_mem>>, %arg16: memref<!tpu.dma_semaphore, #tpu.memory_space<semaphore_mem>>, %arg17: memref<!tpu.dma_semaphore, #tpu.memory_space<semaphore_mem>>, %arg18: memref<!tpu.dma_semaphore, #tpu.memory_space<semaphore_mem>>, %arg19: memref<!tpu.dma_semaphore, #tpu.memory_space<semaphore_mem>>, %arg20: memref<!tpu.dma_semaphore, #tpu.memory_space<semaphore_mem>>, %arg21: memref<!tpu.dma_semaphore, #tpu.memory_space<semaphore_mem>>, %arg22: memref<!tpu.dma_semaphore, #tpu.memory_space<semaphore_mem>>, %arg23: memref<!tpu.dma_semaphore, #tpu.memory_space<semaphore_mem>>, %arg24: memref<!tpu.dma_semaphore, #tpu.memory_space<semaphore_mem>>, %arg25: memref<!tpu.dma_semaphore, #tpu.memory_space<semaphore_mem>>, %arg26: memref<!tpu.dma_semaphore, #tpu.memory_space<semaphore_mem>>, %arg27: memref<!tpu.dma_semaphore, #tpu.memory_space<semaphore_mem>>, %arg28: memref<!tpu.dma_semaphore, #tpu.memory_space<semaphore_mem>>) attributes {dimension_semantics = [#tpu.dimension_semantics<core_parallel>, #tpu.dimension_semantics<subcore_parallel>], iteration_bounds = array<i64: 2, 16>, scalar_prefetch = 0 : i64, scratch_operands = 23 : i64, tpu.core_type = #tpu.core_type<sc_vector_subcore>, window_params = [{transform_indices = #map}, {transform_indices = #map}, {transform_indices = #map1}, {transform_indices = #map1}]} {
    %mul3A = arith.constant 2 : i32
    %mul3A_0 = arith.muli %arg1, %mul3A : i32
    %add3A = arith.addi %mul3A_0, %arg0 : i32
    %jit3A = arith.constant 4 : i32
    %div3A = arith.divsi %add3A, %jit3A : i32
    %sign3A = arith.constant 0 : i32
    %sign3A_1 = arith.cmpi sgt, %add3A, %sign3A : i32
    %sign3A_2 = arith.extui %sign3A_1 : i1 to i32
    %sign3A_3 = arith.constant 0 : i32
    %sign3A_4 = arith.cmpi slt, %add3A, %sign3A_3 : i32
    %sign3A_5 = arith.extui %sign3A_4 : i1 to i32
    %sign3A_6 = arith.subi %sign3A_2, %sign3A_5 : i32
    %sign3A_7 = arith.constant 0 : i32
    %sign3A_8 = arith.cmpi sgt, %jit3A, %sign3A_7 : i32
    %sign3A_9 = arith.extui %sign3A_8 : i1 to i32
    %sign3A_10 = arith.constant 0 : i32
    %sign3A_11 = arith.cmpi slt, %jit3A, %sign3A_10 : i32
    %sign3A_12 = arith.extui %sign3A_11 : i1 to i32
    %sign3A_13 = arith.subi %sign3A_9, %sign3A_12 : i32
    %ne3A = arith.cmpi ne, %sign3A_6, %sign3A_13 : i32
    %rem3A = arith.remsi %add3A, %jit3A : i32
    %ne3A_14 = arith.constant 0 : i32
    %ne3A_15 = arith.cmpi ne, %rem3A, %ne3A_14 : i32
    %and3A = arith.andi %ne3A, %ne3A_15 : i1
    %sub3A = arith.constant 1 : i32
    %sub3A_16 = arith.subi %div3A, %sub3A : i32
    %select_n3A = arith.select %and3A, %sub3A_16, %div3A : i32
    %jit3A_17 = arith.constant 4 : i32
    %eq3A = arith.constant 0 : i32
    %eq3A_18 = arith.cmpi eq, %jit3A_17, %eq3A : i32
    %jit3A_19 = arith.constant 1 : i32
    %select_n3A_20 = arith.select %eq3A_18, %jit3A_19, %jit3A_17 : i32
    %rem3A_21 = arith.remsi %add3A, %select_n3A_20 : i32
    %ne3A_22 = arith.constant 0 : i32
    %ne3A_23 = arith.cmpi ne, %rem3A_21, %ne3A_22 : i32
    %lt3A = arith.constant 0 : i32
    %lt3A_24 = arith.cmpi slt, %rem3A_21, %lt3A : i32
    %lt3A_25 = arith.constant 0 : i32
    %lt3A_26 = arith.cmpi slt, %select_n3A_20, %lt3A_25 : i32
    %ne3A_27 = arith.xori %lt3A_24, %lt3A_26 : i1
    %and3A_28 = arith.andi %ne3A_27, %ne3A_23 : i1
    %add3A_29 = arith.addi %rem3A_21, %select_n3A_20 : i32
    %select_n3A_30 = arith.select %and3A_28, %add3A_29, %rem3A_21 : i32
    %mul3A_31 = arith.constant 196 : i32
    %mul3A_32 = arith.muli %select_n3A, %mul3A_31 : i32
    %add3A_33 = arith.addi %mul3A_32, %select_n3A_30 : i32
    %mul3A_34 = arith.constant 196 : i32
    %mul3A_35 = arith.muli %select_n3A, %mul3A_34 : i32
    %mul3A_36 = arith.constant 4 : i32
    %mul3A_37 = arith.muli %mul3A_35, %mul3A_36 : i32
    %add3A_38 = arith.addi %mul3A_37, %select_n3A_30 : i32
    %add3A_39 = arith.constant 0 : i32
    %add3A_40 = arith.addi %add3A_33, %add3A_39 : i32
    %dma_start3A = arith.constant 0 : i32
    %dma_start3A_41 = arith.constant 0 : i32
    %dma_start3A_42 = tpu.memref_slice %arg4[%add3A_40, %dma_start3A, %dma_start3A_41] : memref<1568x16x384xf32, #tpu.memory_space<hbm>> -> memref<1x16x384xf32, #tpu.memory_space<hbm>>
    %dma_start3A_43 = arith.constant 0 : i32
    %dma_start3A_44 = arith.constant 0 : i32
    %dma_start3A_45 = tpu.memref_slice %arg4[%add3A_40, %dma_start3A_43, %dma_start3A_44] : memref<1568x16x384xf32, #tpu.memory_space<hbm>> -> memref<1x16x384xf32, #tpu.memory_space<hbm>>
    tpu.enqueue_dma source(%dma_start3A_45 : memref<1x16x384xf32, #tpu.memory_space<hbm>>) target(%arg8 : memref<1x16x384xf32, #tpu.memory_space<vmem>>) target_semaphore(%arg15 : memref<!tpu.dma_semaphore, #tpu.memory_space<semaphore_mem>>)
    %add3A_46 = arith.constant 4 : i32
    %add3A_47 = arith.addi %add3A_33, %add3A_46 : i32
    %dma_start3A_48 = arith.constant 0 : i32
    %dma_start3A_49 = arith.constant 0 : i32
    %dma_start3A_50 = tpu.memref_slice %arg4[%add3A_47, %dma_start3A_48, %dma_start3A_49] : memref<1568x16x384xf32, #tpu.memory_space<hbm>> -> memref<1x16x384xf32, #tpu.memory_space<hbm>>
    %dma_start3A_51 = arith.constant 0 : i32
    %dma_start3A_52 = arith.constant 0 : i32
    %dma_start3A_53 = tpu.memref_slice %arg4[%add3A_47, %dma_start3A_51, %dma_start3A_52] : memref<1568x16x384xf32, #tpu.memory_space<hbm>> -> memref<1x16x384xf32, #tpu.memory_space<hbm>>
    tpu.enqueue_dma source(%dma_start3A_53 : memref<1x16x384xf32, #tpu.memory_space<hbm>>) target(%arg9 : memref<1x16x384xf32, #tpu.memory_space<vmem>>) target_semaphore(%arg16 : memref<!tpu.dma_semaphore, #tpu.memory_space<semaphore_mem>>)
    %add3A_54 = arith.constant 8 : i32
    %add3A_55 = arith.addi %add3A_33, %add3A_54 : i32
    %dma_start3A_56 = arith.constant 0 : i32
    %dma_start3A_57 = arith.constant 0 : i32
    %dma_start3A_58 = tpu.memref_slice %arg4[%add3A_55, %dma_start3A_56, %dma_start3A_57] : memref<1568x16x384xf32, #tpu.memory_space<hbm>> -> memref<1x16x384xf32, #tpu.memory_space<hbm>>
    %dma_start3A_59 = arith.constant 0 : i32
    %dma_start3A_60 = arith.constant 0 : i32
    %dma_start3A_61 = tpu.memref_slice %arg4[%add3A_55, %dma_start3A_59, %dma_start3A_60] : memref<1568x16x384xf32, #tpu.memory_space<hbm>> -> memref<1x16x384xf32, #tpu.memory_space<hbm>>
    tpu.enqueue_dma source(%dma_start3A_61 : memref<1x16x384xf32, #tpu.memory_space<hbm>>) target(%arg10 : memref<1x16x384xf32, #tpu.memory_space<vmem>>) target_semaphore(%arg17 : memref<!tpu.dma_semaphore, #tpu.memory_space<semaphore_mem>>)
    "tpu.region"() ({
      %run_scoped3A = tpu.sem_alloc : memref<!tpu.dma_semaphore, #tpu.memory_space<semaphore_mem>>
      %dma_start3A_400 = arith.constant 0 : i32
      %dma_start3A_401 = tpu.memref_slice %arg2[%select_n3A, %dma_start3A_400] : memref<8x224xi32, #tpu.memory_space<hbm>> -> memref<1x224xi32, #tpu.memory_space<hbm>>
      %dma_start3A_402 = tpu.memref_squeeze %dma_start3A_401 : memref<1x224xi32, #tpu.memory_space<hbm>> -> memref<224xi32, #tpu.memory_space<hbm>>
      %dma_start3A_403 = arith.constant 0 : i32
      %dma_start3A_404 = tpu.memref_slice %arg2[%select_n3A, %dma_start3A_403] : memref<8x224xi32, #tpu.memory_space<hbm>> -> memref<1x224xi32, #tpu.memory_space<hbm>>
      %dma_start3A_405 = tpu.memref_squeeze %dma_start3A_404 : memref<1x224xi32, #tpu.memory_space<hbm>> -> memref<224xi32, #tpu.memory_space<hbm>>
      tpu.enqueue_dma source(%dma_start3A_405 : memref<224xi32, #tpu.memory_space<hbm>>) target(%arg6 : memref<224xi32, #tpu.memory_space<vmem>>) target_semaphore(%run_scoped3A : memref<!tpu.dma_semaphore, #tpu.memory_space<semaphore_mem>>)
      %dma_wait3A_406 = arith.constant 0 : i32
      %dma_wait3A_407 = tpu.memref_slice %arg2[%select_n3A, %dma_wait3A_406] : memref<8x224xi32, #tpu.memory_space<hbm>> -> memref<1x224xi32, #tpu.memory_space<hbm>>
      %dma_wait3A_408 = tpu.memref_squeeze %dma_wait3A_407 : memref<1x224xi32, #tpu.memory_space<hbm>> -> memref<224xi32, #tpu.memory_space<hbm>>
      %dma_wait3A_409 = arith.constant 0 : i32
      %dma_wait3A_410 = tpu.memref_slice %arg2[%select_n3A, %dma_wait3A_409] : memref<8x224xi32, #tpu.memory_space<hbm>> -> memref<1x224xi32, #tpu.memory_space<hbm>>
      %dma_wait3A_411 = tpu.memref_squeeze %dma_wait3A_410 : memref<1x224xi32, #tpu.memory_space<hbm>> -> memref<224xi32, #tpu.memory_space<hbm>>
      tpu.wait_dma2 semaphore(%run_scoped3A : memref<!tpu.dma_semaphore, #tpu.memory_space<semaphore_mem>>) src(%dma_wait3A_411 : memref<224xi32, #tpu.memory_space<hbm>>) dst(%arg6 : memref<224xi32, #tpu.memory_space<vmem>>)
      tpu.yield
    }) : () -> ()
    "tpu.region"() ({
      %run_scoped3A = tpu.sem_alloc : memref<!tpu.dma_semaphore, #tpu.memory_space<semaphore_mem>>
      %dma_start3A_400 = arith.constant 0 : i32
      %dma_start3A_401 = tpu.memref_slice %arg3[%select_n3A, %dma_start3A_400] : memref<8x80xi32, #tpu.memory_space<hbm>> -> memref<1x80xi32, #tpu.memory_space<hbm>>
      %dma_start3A_402 = tpu.memref_squeeze %dma_start3A_401 : memref<1x80xi32, #tpu.memory_space<hbm>> -> memref<80xi32, #tpu.memory_space<hbm>>
      %dma_start3A_403 = arith.constant 0 : i32
      %dma_start3A_404 = tpu.memref_slice %arg3[%select_n3A, %dma_start3A_403] : memref<8x80xi32, #tpu.memory_space<hbm>> -> memref<1x80xi32, #tpu.memory_space<hbm>>
      %dma_start3A_405 = tpu.memref_squeeze %dma_start3A_404 : memref<1x80xi32, #tpu.memory_space<hbm>> -> memref<80xi32, #tpu.memory_space<hbm>>
      tpu.enqueue_dma source(%dma_start3A_405 : memref<80xi32, #tpu.memory_space<hbm>>) target(%arg7 : memref<80xi32, #tpu.memory_space<vmem>>) target_semaphore(%run_scoped3A : memref<!tpu.dma_semaphore, #tpu.memory_space<semaphore_mem>>)
      %dma_wait3A_406 = arith.constant 0 : i32
      %dma_wait3A_407 = tpu.memref_slice %arg3[%select_n3A, %dma_wait3A_406] : memref<8x80xi32, #tpu.memory_space<hbm>> -> memref<1x80xi32, #tpu.memory_space<hbm>>
      %dma_wait3A_408 = tpu.memref_squeeze %dma_wait3A_407 : memref<1x80xi32, #tpu.memory_space<hbm>> -> memref<80xi32, #tpu.memory_space<hbm>>
      %dma_wait3A_409 = arith.constant 0 : i32
      %dma_wait3A_410 = tpu.memref_slice %arg3[%select_n3A, %dma_wait3A_409] : memref<8x80xi32, #tpu.memory_space<hbm>> -> memref<1x80xi32, #tpu.memory_space<hbm>>
      %dma_wait3A_411 = tpu.memref_squeeze %dma_wait3A_410 : memref<1x80xi32, #tpu.memory_space<hbm>> -> memref<80xi32, #tpu.memory_space<hbm>>
      tpu.wait_dma2 semaphore(%run_scoped3A : memref<!tpu.dma_semaphore, #tpu.memory_space<semaphore_mem>>) src(%dma_wait3A_411 : memref<80xi32, #tpu.memory_space<hbm>>) dst(%arg7 : memref<80xi32, #tpu.memory_space<vmem>>)
      tpu.yield
    }) : () -> ()
    %scan3A = arith.constant 0 : i32
    %scan3A_62 = arith.constant 0 : i32
    %scan3A_63 = arith.constant 0 : i32
    %scan3A_64 = arith.constant 0 : i32
    %scan3A_65 = arith.constant 0 : i32
    %scan3A_66 = arith.constant 0 : i32
    %scan3A_67 = arith.constant 0 : i32
    %scan3A_68 = arith.constant 0 : i32
    %scan3A_69 = arith.constant 6 : i32
    %scan3A_70 = arith.addi %scan3A_68, %scan3A_69 : i32
    %scan3A_71 = arith.constant 1 : i32
    %scan3A_72:7 = scf.for %scan3A_400 = %scan3A_68 to %scan3A_70 step %scan3A_71 iter_args(%scan3A_401 = %scan3A, %scan3A_402 = %scan3A_62, %scan3A_403 = %scan3A_63, %scan3A_404 = %scan3A_64, %scan3A_405 = %scan3A_65, %scan3A_406 = %scan3A_66, %scan3A_407 = %scan3A_67) -> (i32, i32, i32, i32, i32, i32, i32)  : i32 {
      %mul3A_408 = arith.constant 7 : i32
      %mul3A_409 = arith.muli %mul3A_408, %scan3A_400 : i32
      %add3A_410 = arith.constant 0 : i32
      %add3A_411 = arith.addi %mul3A_409, %add3A_410 : i32
      %get3A_412 = arith.index_cast %add3A_411 : i32 to index
      %get3A_413 = tpu.vector_load %arg7[%get3A_412] {strides = array<i32>} : memref<80xi32, #tpu.memory_space<vmem>>, vector<16xi32>,
      %get3A_414 = vector.shape_cast %get3A_413 : vector<16xi32> to vector<16xi32>
      %slice3A_415 = vector.extract_strided_slice %get3A_414 {offsets = [0], sizes = [1], strides = [1]} : vector<16xi32> to vector<1xi32>
      %squeeze3A_416 = vector.extract %slice3A_415[0] : i32 from vector<1xi32>
      %add3A_417 = arith.constant 1 : i32
      %add3A_418 = arith.addi %add3A_411, %add3A_417 : i32
      %get3A_419 = arith.index_cast %add3A_418 : i32 to index
      %get3A_420 = tpu.vector_load %arg7[%get3A_419] {strides = array<i32>} : memref<80xi32, #tpu.memory_space<vmem>>, vector<16xi32>,
      %get3A_421 = vector.shape_cast %get3A_420 : vector<16xi32> to vector<16xi32>
      %slice3A_422 = vector.extract_strided_slice %get3A_421 {offsets = [0], sizes = [1], strides = [1]} : vector<16xi32> to vector<1xi32>
      %squeeze3A_423 = vector.extract %slice3A_422[0] : i32 from vector<1xi32>
      %sub3A_424 = arith.subi %squeeze3A_423, %squeeze3A_416 : i32
      %dma_wait3A_425 = arith.constant 0 : i32
      %dma_wait3A_426 = arith.constant 0 : i32
      %dma_wait3A_427 = tpu.memref_slice %arg4[%add3A_33, %dma_wait3A_425, %dma_wait3A_426] : memref<1568x16x384xf32, #tpu.memory_space<hbm>> -> memref<1x16x384xf32, #tpu.memory_space<hbm>>
      %dma_wait3A_428 = arith.constant 0 : i32
      %dma_wait3A_429 = arith.constant 0 : i32
      %dma_wait3A_430 = tpu.memref_slice %arg4[%add3A_33, %dma_wait3A_428, %dma_wait3A_429] : memref<1568x16x384xf32, #tpu.memory_space<hbm>> -> memref<1x16x384xf32, #tpu.memory_space<hbm>>
      tpu.wait_dma2 semaphore(%arg15 : memref<!tpu.dma_semaphore, #tpu.memory_space<semaphore_mem>>) src(%dma_wait3A_430 : memref<1x16x384xf32, #tpu.memory_space<hbm>>) dst(%arg8 : memref<1x16x384xf32, #tpu.memory_space<vmem>>)
      %while3A_431 = arith.constant 0 : i32
      %while3A_432 = arith.constant 0 : i32
      %while3A_433 = arith.subi %scan3A_404, %while3A_432 : i32
      %while3A_434 = arith.addi %while3A_432, %while3A_433 : i32
      %while3A_435 = arith.constant 1 : i32
      %while3A_436 = arith.divsi %while3A_433, %while3A_435 : i32
      %while3A_437 = arith.muli %while3A_436, %while3A_435 : i32
      %while3A_438 = arith.addi %while3A_432, %while3A_437 : i32
      %while3A_439 = arith.constant 1 : i32
      scf.for %while3A_786 = %while3A_432 to %while3A_438 step %while3A_439  : i32 {
        %dma_wait3A_787 = arith.constant 0 : i32
        %dma_wait3A_788 = arith.constant 0 : i32
        %dma_wait3A_789 = arith.constant 0 : i32
        %dma_wait3A_790 = tpu.memref_slice %arg5[%dma_wait3A_787, %dma_wait3A_788, %dma_wait3A_789] : memref<6272x16x384xf32, #tpu.memory_space<hbm>> -> memref<1x16x384xf32, #tpu.memory_space<hbm>>
        %dma_wait3A_791 = arith.constant 0 : i32
        %dma_wait3A_792 = arith.constant 0 : i32
        %dma_wait3A_793 = arith.constant 0 : i32
        %dma_wait3A_794 = tpu.memref_slice %arg5[%dma_wait3A_791, %dma_wait3A_792, %dma_wait3A_793] : memref<6272x16x384xf32, #tpu.memory_space<hbm>> -> memref<1x16x384xf32, #tpu.memory_space<hbm>>
        tpu.wait_dma2 semaphore(%arg25 : memref<!tpu.dma_semaphore, #tpu.memory_space<semaphore_mem>>) src(%arg11 : memref<1x16x384xf32, #tpu.memory_space<vmem>>) dst(%dma_wait3A_794 : memref<1x16x384xf32, #tpu.memory_space<hbm>>)
      }
      %while3A_440 = arith.constant 1 : i32
      scf.for %while3A_786 = %while3A_438 to %while3A_434 step %while3A_440  : i32 {
        %dma_wait3A_787 = arith.constant 0 : i32
        %dma_wait3A_788 = arith.constant 0 : i32
        %dma_wait3A_789 = arith.constant 0 : i32
        %dma_wait3A_790 = tpu.memref_slice %arg5[%dma_wait3A_787, %dma_wait3A_788, %dma_wait3A_789] : memref<6272x16x384xf32, #tpu.memory_space<hbm>> -> memref<1x16x384xf32, #tpu.memory_space<hbm>>
        %dma_wait3A_791 = arith.constant 0 : i32
        %dma_wait3A_792 = arith.constant 0 : i32
        %dma_wait3A_793 = arith.constant 0 : i32
        %dma_wait3A_794 = tpu.memref_slice %arg5[%dma_wait3A_791, %dma_wait3A_792, %dma_wait3A_793] : memref<6272x16x384xf32, #tpu.memory_space<hbm>> -> memref<1x16x384xf32, #tpu.memory_space<hbm>>
        tpu.wait_dma2 semaphore(%arg25 : memref<!tpu.dma_semaphore, #tpu.memory_space<semaphore_mem>>) src(%arg11 : memref<1x16x384xf32, #tpu.memory_space<vmem>>) dst(%dma_wait3A_794 : memref<1x16x384xf32, #tpu.memory_space<hbm>>)
      }
      %add3A_441 = arith.constant 3 : i32
      %add3A_442 = arith.addi %add3A_411, %add3A_441 : i32
      %mul3A_443 = arith.constant 4 : i32
      %mul3A_444 = arith.muli %add3A_442, %mul3A_443 : i32
      %add3A_445 = arith.addi %add3A_33, %mul3A_444 : i32
      %dma_start3A_446 = arith.constant 0 : i32
      %dma_start3A_447 = arith.constant 0 : i32
      %dma_start3A_448 = tpu.memref_slice %arg4[%add3A_445, %dma_start3A_446, %dma_start3A_447] : memref<1568x16x384xf32, #tpu.memory_space<hbm>> -> memref<1x16x384xf32, #tpu.memory_space<hbm>>
      %dma_start3A_449 = arith.constant 0 : i32
      %dma_start3A_450 = arith.constant 0 : i32
      %dma_start3A_451 = tpu.memref_slice %arg4[%add3A_445, %dma_start3A_449, %dma_start3A_450] : memref<1568x16x384xf32, #tpu.memory_space<hbm>> -> memref<1x16x384xf32, #tpu.memory_space<hbm>>
      tpu.enqueue_dma source(%dma_start3A_451 : memref<1x16x384xf32, #tpu.memory_space<hbm>>) target(%arg11 : memref<1x16x384xf32, #tpu.memory_space<vmem>>) target_semaphore(%arg18 : memref<!tpu.dma_semaphore, #tpu.memory_space<semaphore_mem>>)
      %while3A_452 = arith.constant 0 : i32
      %while3A_453 = arith.constant 0 : i32
      %while3A_454 = arith.subi %sub3A_424, %while3A_453 : i32
      %while3A_455 = arith.addi %while3A_453, %while3A_454 : i32
      %while3A_456 = arith.constant 1 : i32
      %while3A_457 = arith.divsi %while3A_454, %while3A_456 : i32
      %while3A_458 = arith.muli %while3A_457, %while3A_456 : i32
      %while3A_459 = arith.addi %while3A_453, %while3A_458 : i32
      %while3A_460 = arith.constant 1 : i32
      scf.for %while3A_786 = %while3A_453 to %while3A_459 step %while3A_460  : i32 {
        %add3A_787 = arith.addi %squeeze3A_416, %while3A_786 : i32
        %get3A_788 = arith.index_cast %add3A_787 : i32 to index
        %get3A_789 = tpu.vector_load %arg6[%get3A_788] {strides = array<i32>} : memref<224xi32, #tpu.memory_space<vmem>>, vector<16xi32>,
        %get3A_790 = vector.shape_cast %get3A_789 : vector<16xi32> to vector<16xi32>
        %slice3A_791 = vector.extract_strided_slice %get3A_790 {offsets = [0], sizes = [1], strides = [1]} : vector<16xi32> to vector<1xi32>
        %squeeze3A_792 = vector.extract %slice3A_791[0] : i32 from vector<1xi32>
        %mul3A_793 = arith.constant 4 : i32
        %mul3A_794 = arith.muli %squeeze3A_792, %mul3A_793 : i32
        %add3A_795 = arith.addi %add3A_38, %mul3A_794 : i32
        %dma_start3A_796 = arith.constant 0 : i32
        %dma_start3A_797 = arith.constant 0 : i32
        %dma_start3A_798 = tpu.memref_slice %arg5[%add3A_795, %dma_start3A_796, %dma_start3A_797] : memref<6272x16x384xf32, #tpu.memory_space<hbm>> -> memref<1x16x384xf32, #tpu.memory_space<hbm>>
        %dma_start3A_799 = arith.constant 0 : i32
        %dma_start3A_800 = arith.constant 0 : i32
        %dma_start3A_801 = tpu.memref_slice %arg5[%add3A_795, %dma_start3A_799, %dma_start3A_800] : memref<6272x16x384xf32, #tpu.memory_space<hbm>> -> memref<1x16x384xf32, #tpu.memory_space<hbm>>
        tpu.enqueue_dma source(%arg8 : memref<1x16x384xf32, #tpu.memory_space<vmem>>) target(%dma_start3A_801 : memref<1x16x384xf32, #tpu.memory_space<hbm>>) target_semaphore(%arg22 : memref<!tpu.dma_semaphore, #tpu.memory_space<semaphore_mem>>)
      }
      %while3A_461 = arith.constant 1 : i32
      scf.for %while3A_786 = %while3A_459 to %while3A_455 step %while3A_461  : i32 {
        %add3A_787 = arith.addi %squeeze3A_416, %while3A_786 : i32
        %get3A_788 = arith.index_cast %add3A_787 : i32 to index
        %get3A_789 = tpu.vector_load %arg6[%get3A_788] {strides = array<i32>} : memref<224xi32, #tpu.memory_space<vmem>>, vector<16xi32>,
        %get3A_790 = vector.shape_cast %get3A_789 : vector<16xi32> to vector<16xi32>
        %slice3A_791 = vector.extract_strided_slice %get3A_790 {offsets = [0], sizes = [1], strides = [1]} : vector<16xi32> to vector<1xi32>
        %squeeze3A_792 = vector.extract %slice3A_791[0] : i32 from vector<1xi32>
        %mul3A_793 = arith.constant 4 : i32
        %mul3A_794 = arith.muli %squeeze3A_792, %mul3A_793 : i32
        %add3A_795 = arith.addi %add3A_38, %mul3A_794 : i32
        %dma_start3A_796 = arith.constant 0 : i32
        %dma_start3A_797 = arith.constant 0 : i32
        %dma_start3A_798 = tpu.memref_slice %arg5[%add3A_795, %dma_start3A_796, %dma_start3A_797] : memref<6272x16x384xf32, #tpu.memory_space<hbm>> -> memref<1x16x384xf32, #tpu.memory_space<hbm>>
        %dma_start3A_799 = arith.constant 0 : i32
        %dma_start3A_800 = arith.constant 0 : i32
        %dma_start3A_801 = tpu.memref_slice %arg5[%add3A_795, %dma_start3A_799, %dma_start3A_800] : memref<6272x16x384xf32, #tpu.memory_space<hbm>> -> memref<1x16x384xf32, #tpu.memory_space<hbm>>
        tpu.enqueue_dma source(%arg8 : memref<1x16x384xf32, #tpu.memory_space<vmem>>) target(%dma_start3A_801 : memref<1x16x384xf32, #tpu.memory_space<hbm>>) target_semaphore(%arg22 : memref<!tpu.dma_semaphore, #tpu.memory_space<semaphore_mem>>)
      }
      %mul3A_462 = arith.constant 7 : i32
      %mul3A_463 = arith.muli %mul3A_462, %scan3A_400 : i32
      %add3A_464 = arith.constant 1 : i32
      %add3A_465 = arith.addi %mul3A_463, %add3A_464 : i32
      %get3A_466 = arith.index_cast %add3A_465 : i32 to index
      %get3A_467 = tpu.vector_load %arg7[%get3A_466] {strides = array<i32>} : memref<80xi32, #tpu.memory_space<vmem>>, vector<16xi32>,
      %get3A_468 = vector.shape_cast %get3A_467 : vector<16xi32> to vector<16xi32>
      %slice3A_469 = vector.extract_strided_slice %get3A_468 {offsets = [0], sizes = [1], strides = [1]} : vector<16xi32> to vector<1xi32>
      %squeeze3A_470 = vector.extract %slice3A_469[0] : i32 from vector<1xi32>
      %add3A_471 = arith.constant 1 : i32
      %add3A_472 = arith.addi %add3A_465, %add3A_471 : i32
      %get3A_473 = arith.index_cast %add3A_472 : i32 to index
      %get3A_474 = tpu.vector_load %arg7[%get3A_473] {strides = array<i32>} : memref<80xi32, #tpu.memory_space<vmem>>, vector<16xi32>,
      %get3A_475 = vector.shape_cast %get3A_474 : vector<16xi32> to vector<16xi32>
      %slice3A_476 = vector.extract_strided_slice %get3A_475 {offsets = [0], sizes = [1], strides = [1]} : vector<16xi32> to vector<1xi32>
      %squeeze3A_477 = vector.extract %slice3A_476[0] : i32 from vector<1xi32>
      %sub3A_478 = arith.subi %squeeze3A_477, %squeeze3A_470 : i32
      %dma_wait3A_479 = arith.constant 0 : i32
      %dma_wait3A_480 = arith.constant 0 : i32
      %dma_wait3A_481 = tpu.memref_slice %arg4[%add3A_33, %dma_wait3A_479, %dma_wait3A_480] : memref<1568x16x384xf32, #tpu.memory_space<hbm>> -> memref<1x16x384xf32, #tpu.memory_space<hbm>>
      %dma_wait3A_482 = arith.constant 0 : i32
      %dma_wait3A_483 = arith.constant 0 : i32
      %dma_wait3A_484 = tpu.memref_slice %arg4[%add3A_33, %dma_wait3A_482, %dma_wait3A_483] : memref<1568x16x384xf32, #tpu.memory_space<hbm>> -> memref<1x16x384xf32, #tpu.memory_space<hbm>>
      tpu.wait_dma2 semaphore(%arg16 : memref<!tpu.dma_semaphore, #tpu.memory_space<semaphore_mem>>) src(%dma_wait3A_484 : memref<1x16x384xf32, #tpu.memory_space<hbm>>) dst(%arg9 : memref<1x16x384xf32, #tpu.memory_space<vmem>>)
      %while3A_485 = arith.constant 0 : i32
      %while3A_486 = arith.constant 0 : i32
      %while3A_487 = arith.subi %scan3A_405, %while3A_486 : i32
      %while3A_488 = arith.addi %while3A_486, %while3A_487 : i32
      %while3A_489 = arith.constant 1 : i32
      %while3A_490 = arith.divsi %while3A_487, %while3A_489 : i32
      %while3A_491 = arith.muli %while3A_490, %while3A_489 : i32
      %while3A_492 = arith.addi %while3A_486, %while3A_491 : i32
      %while3A_493 = arith.constant 1 : i32
      scf.for %while3A_786 = %while3A_486 to %while3A_492 step %while3A_493  : i32 {
        %dma_wait3A_787 = arith.constant 0 : i32
        %dma_wait3A_788 = arith.constant 0 : i32
        %dma_wait3A_789 = arith.constant 0 : i32
        %dma_wait3A_790 = tpu.memref_slice %arg5[%dma_wait3A_787, %dma_wait3A_788, %dma_wait3A_789] : memref<6272x16x384xf32, #tpu.memory_space<hbm>> -> memref<1x16x384xf32, #tpu.memory_space<hbm>>
        %dma_wait3A_791 = arith.constant 0 : i32
        %dma_wait3A_792 = arith.constant 0 : i32
        %dma_wait3A_793 = arith.constant 0 : i32
        %dma_wait3A_794 = tpu.memref_slice %arg5[%dma_wait3A_791, %dma_wait3A_792, %dma_wait3A_793] : memref<6272x16x384xf32, #tpu.memory_space<hbm>> -> memref<1x16x384xf32, #tpu.memory_space<hbm>>
        tpu.wait_dma2 semaphore(%arg26 : memref<!tpu.dma_semaphore, #tpu.memory_space<semaphore_mem>>) src(%arg12 : memref<1x16x384xf32, #tpu.memory_space<vmem>>) dst(%dma_wait3A_794 : memref<1x16x384xf32, #tpu.memory_space<hbm>>)
      }
      %while3A_494 = arith.constant 1 : i32
      scf.for %while3A_786 = %while3A_492 to %while3A_488 step %while3A_494  : i32 {
        %dma_wait3A_787 = arith.constant 0 : i32
        %dma_wait3A_788 = arith.constant 0 : i32
        %dma_wait3A_789 = arith.constant 0 : i32
        %dma_wait3A_790 = tpu.memref_slice %arg5[%dma_wait3A_787, %dma_wait3A_788, %dma_wait3A_789] : memref<6272x16x384xf32, #tpu.memory_space<hbm>> -> memref<1x16x384xf32, #tpu.memory_space<hbm>>
        %dma_wait3A_791 = arith.constant 0 : i32
        %dma_wait3A_792 = arith.constant 0 : i32
        %dma_wait3A_793 = arith.constant 0 : i32
        %dma_wait3A_794 = tpu.memref_slice %arg5[%dma_wait3A_791, %dma_wait3A_792, %dma_wait3A_793] : memref<6272x16x384xf32, #tpu.memory_space<hbm>> -> memref<1x16x384xf32, #tpu.memory_space<hbm>>
        tpu.wait_dma2 semaphore(%arg26 : memref<!tpu.dma_semaphore, #tpu.memory_space<semaphore_mem>>) src(%arg12 : memref<1x16x384xf32, #tpu.memory_space<vmem>>) dst(%dma_wait3A_794 : memref<1x16x384xf32, #tpu.memory_space<hbm>>)
      }
      %add3A_495 = arith.constant 3 : i32
      %add3A_496 = arith.addi %add3A_465, %add3A_495 : i32
      %mul3A_497 = arith.constant 4 : i32
      %mul3A_498 = arith.muli %add3A_496, %mul3A_497 : i32
      %add3A_499 = arith.addi %add3A_33, %mul3A_498 : i32
      %dma_start3A_500 = arith.constant 0 : i32
      %dma_start3A_501 = arith.constant 0 : i32
      %dma_start3A_502 = tpu.memref_slice %arg4[%add3A_499, %dma_start3A_500, %dma_start3A_501] : memref<1568x16x384xf32, #tpu.memory_space<hbm>> -> memref<1x16x384xf32, #tpu.memory_space<hbm>>
      %dma_start3A_503 = arith.constant 0 : i32
      %dma_start3A_504 = arith.constant 0 : i32
      %dma_start3A_505 = tpu.memref_slice %arg4[%add3A_499, %dma_start3A_503, %dma_start3A_504] : memref<1568x16x384xf32, #tpu.memory_space<hbm>> -> memref<1x16x384xf32, #tpu.memory_space<hbm>>
      tpu.enqueue_dma source(%dma_start3A_505 : memref<1x16x384xf32, #tpu.memory_space<hbm>>) target(%arg12 : memref<1x16x384xf32, #tpu.memory_space<vmem>>) target_semaphore(%arg19 : memref<!tpu.dma_semaphore, #tpu.memory_space<semaphore_mem>>)
      %while3A_506 = arith.constant 0 : i32
      %while3A_507 = arith.constant 0 : i32
      %while3A_508 = arith.subi %sub3A_478, %while3A_507 : i32
      %while3A_509 = arith.addi %while3A_507, %while3A_508 : i32
      %while3A_510 = arith.constant 1 : i32
      %while3A_511 = arith.divsi %while3A_508, %while3A_510 : i32
      %while3A_512 = arith.muli %while3A_511, %while3A_510 : i32
      %while3A_513 = arith.addi %while3A_507, %while3A_512 : i32
      %while3A_514 = arith.constant 1 : i32
      scf.for %while3A_786 = %while3A_507 to %while3A_513 step %while3A_514  : i32 {
        %add3A_787 = arith.addi %squeeze3A_470, %while3A_786 : i32
        %get3A_788 = arith.index_cast %add3A_787 : i32 to index
        %get3A_789 = tpu.vector_load %arg6[%get3A_788] {strides = array<i32>} : memref<224xi32, #tpu.memory_space<vmem>>, vector<16xi32>,
        %get3A_790 = vector.shape_cast %get3A_789 : vector<16xi32> to vector<16xi32>
        %slice3A_791 = vector.extract_strided_slice %get3A_790 {offsets = [0], sizes = [1], strides = [1]} : vector<16xi32> to vector<1xi32>
        %squeeze3A_792 = vector.extract %slice3A_791[0] : i32 from vector<1xi32>
        %mul3A_793 = arith.constant 4 : i32
        %mul3A_794 = arith.muli %squeeze3A_792, %mul3A_793 : i32
        %add3A_795 = arith.addi %add3A_38, %mul3A_794 : i32
        %dma_start3A_796 = arith.constant 0 : i32
        %dma_start3A_797 = arith.constant 0 : i32
        %dma_start3A_798 = tpu.memref_slice %arg5[%add3A_795, %dma_start3A_796, %dma_start3A_797] : memref<6272x16x384xf32, #tpu.memory_space<hbm>> -> memref<1x16x384xf32, #tpu.memory_space<hbm>>
        %dma_start3A_799 = arith.constant 0 : i32
        %dma_start3A_800 = arith.constant 0 : i32
        %dma_start3A_801 = tpu.memref_slice %arg5[%add3A_795, %dma_start3A_799, %dma_start3A_800] : memref<6272x16x384xf32, #tpu.memory_space<hbm>> -> memref<1x16x384xf32, #tpu.memory_space<hbm>>
        tpu.enqueue_dma source(%arg9 : memref<1x16x384xf32, #tpu.memory_space<vmem>>) target(%dma_start3A_801 : memref<1x16x384xf32, #tpu.memory_space<hbm>>) target_semaphore(%arg23 : memref<!tpu.dma_semaphore, #tpu.memory_space<semaphore_mem>>)
      }
      %while3A_515 = arith.constant 1 : i32
      scf.for %while3A_786 = %while3A_513 to %while3A_509 step %while3A_515  : i32 {
        %add3A_787 = arith.addi %squeeze3A_470, %while3A_786 : i32
        %get3A_788 = arith.index_cast %add3A_787 : i32 to index
        %get3A_789 = tpu.vector_load %arg6[%get3A_788] {strides = array<i32>} : memref<224xi32, #tpu.memory_space<vmem>>, vector<16xi32>,
        %get3A_790 = vector.shape_cast %get3A_789 : vector<16xi32> to vector<16xi32>
        %slice3A_791 = vector.extract_strided_slice %get3A_790 {offsets = [0], sizes = [1], strides = [1]} : vector<16xi32> to vector<1xi32>
        %squeeze3A_792 = vector.extract %slice3A_791[0] : i32 from vector<1xi32>
        %mul3A_793 = arith.constant 4 : i32
        %mul3A_794 = arith.muli %squeeze3A_792, %mul3A_793 : i32
        %add3A_795 = arith.addi %add3A_38, %mul3A_794 : i32
        %dma_start3A_796 = arith.constant 0 : i32
        %dma_start3A_797 = arith.constant 0 : i32
        %dma_start3A_798 = tpu.memref_slice %arg5[%add3A_795, %dma_start3A_796, %dma_start3A_797] : memref<6272x16x384xf32, #tpu.memory_space<hbm>> -> memref<1x16x384xf32, #tpu.memory_space<hbm>>
        %dma_start3A_799 = arith.constant 0 : i32
        %dma_start3A_800 = arith.constant 0 : i32
        %dma_start3A_801 = tpu.memref_slice %arg5[%add3A_795, %dma_start3A_799, %dma_start3A_800] : memref<6272x16x384xf32, #tpu.memory_space<hbm>> -> memref<1x16x384xf32, #tpu.memory_space<hbm>>
        tpu.enqueue_dma source(%arg9 : memref<1x16x384xf32, #tpu.memory_space<vmem>>) target(%dma_start3A_801 : memref<1x16x384xf32, #tpu.memory_space<hbm>>) target_semaphore(%arg23 : memref<!tpu.dma_semaphore, #tpu.memory_space<semaphore_mem>>)
      }
      %mul3A_516 = arith.constant 7 : i32
      %mul3A_517 = arith.muli %mul3A_516, %scan3A_400 : i32
      %add3A_518 = arith.constant 2 : i32
      %add3A_519 = arith.addi %mul3A_517, %add3A_518 : i32
      %get3A_520 = arith.index_cast %add3A_519 : i32 to index
      %get3A_521 = tpu.vector_load %arg7[%get3A_520] {strides = array<i32>} : memref<80xi32, #tpu.memory_space<vmem>>, vector<16xi32>,
      %get3A_522 = vector.shape_cast %get3A_521 : vector<16xi32> to vector<16xi32>
      %slice3A_523 = vector.extract_strided_slice %get3A_522 {offsets = [0], sizes = [1], strides = [1]} : vector<16xi32> to vector<1xi32>
      %squeeze3A_524 = vector.extract %slice3A_523[0] : i32 from vector<1xi32>
      %add3A_525 = arith.constant 1 : i32
      %add3A_526 = arith.addi %add3A_519, %add3A_525 : i32
      %get3A_527 = arith.index_cast %add3A_526 : i32 to index
      %get3A_528 = tpu.vector_load %arg7[%get3A_527] {strides = array<i32>} : memref<80xi32, #tpu.memory_space<vmem>>, vector<16xi32>,
      %get3A_529 = vector.shape_cast %get3A_528 : vector<16xi32> to vector<16xi32>
      %slice3A_530 = vector.extract_strided_slice %get3A_529 {offsets = [0], sizes = [1], strides = [1]} : vector<16xi32> to vector<1xi32>
      %squeeze3A_531 = vector.extract %slice3A_530[0] : i32 from vector<1xi32>
      %sub3A_532 = arith.subi %squeeze3A_531, %squeeze3A_524 : i32
      %dma_wait3A_533 = arith.constant 0 : i32
      %dma_wait3A_534 = arith.constant 0 : i32
      %dma_wait3A_535 = tpu.memref_slice %arg4[%add3A_33, %dma_wait3A_533, %dma_wait3A_534] : memref<1568x16x384xf32, #tpu.memory_space<hbm>> -> memref<1x16x384xf32, #tpu.memory_space<hbm>>
      %dma_wait3A_536 = arith.constant 0 : i32
      %dma_wait3A_537 = arith.constant 0 : i32
      %dma_wait3A_538 = tpu.memref_slice %arg4[%add3A_33, %dma_wait3A_536, %dma_wait3A_537] : memref<1568x16x384xf32, #tpu.memory_space<hbm>> -> memref<1x16x384xf32, #tpu.memory_space<hbm>>
      tpu.wait_dma2 semaphore(%arg17 : memref<!tpu.dma_semaphore, #tpu.memory_space<semaphore_mem>>) src(%dma_wait3A_538 : memref<1x16x384xf32, #tpu.memory_space<hbm>>) dst(%arg10 : memref<1x16x384xf32, #tpu.memory_space<vmem>>)
      %while3A_539 = arith.constant 0 : i32
      %while3A_540 = arith.constant 0 : i32
      %while3A_541 = arith.subi %scan3A_406, %while3A_540 : i32
      %while3A_542 = arith.addi %while3A_540, %while3A_541 : i32
      %while3A_543 = arith.constant 1 : i32
      %while3A_544 = arith.divsi %while3A_541, %while3A_543 : i32
      %while3A_545 = arith.muli %while3A_544, %while3A_543 : i32
      %while3A_546 = arith.addi %while3A_540, %while3A_545 : i32
      %while3A_547 = arith.constant 1 : i32
      scf.for %while3A_786 = %while3A_540 to %while3A_546 step %while3A_547  : i32 {
        %dma_wait3A_787 = arith.constant 0 : i32
        %dma_wait3A_788 = arith.constant 0 : i32
        %dma_wait3A_789 = arith.constant 0 : i32
        %dma_wait3A_790 = tpu.memref_slice %arg5[%dma_wait3A_787, %dma_wait3A_788, %dma_wait3A_789] : memref<6272x16x384xf32, #tpu.memory_space<hbm>> -> memref<1x16x384xf32, #tpu.memory_space<hbm>>
        %dma_wait3A_791 = arith.constant 0 : i32
        %dma_wait3A_792 = arith.constant 0 : i32
        %dma_wait3A_793 = arith.constant 0 : i32
        %dma_wait3A_794 = tpu.memref_slice %arg5[%dma_wait3A_791, %dma_wait3A_792, %dma_wait3A_793] : memref<6272x16x384xf32, #tpu.memory_space<hbm>> -> memref<1x16x384xf32, #tpu.memory_space<hbm>>
        tpu.wait_dma2 semaphore(%arg27 : memref<!tpu.dma_semaphore, #tpu.memory_space<semaphore_mem>>) src(%arg13 : memref<1x16x384xf32, #tpu.memory_space<vmem>>) dst(%dma_wait3A_794 : memref<1x16x384xf32, #tpu.memory_space<hbm>>)
      }
      %while3A_548 = arith.constant 1 : i32
      scf.for %while3A_786 = %while3A_546 to %while3A_542 step %while3A_548  : i32 {
        %dma_wait3A_787 = arith.constant 0 : i32
        %dma_wait3A_788 = arith.constant 0 : i32
        %dma_wait3A_789 = arith.constant 0 : i32
        %dma_wait3A_790 = tpu.memref_slice %arg5[%dma_wait3A_787, %dma_wait3A_788, %dma_wait3A_789] : memref<6272x16x384xf32, #tpu.memory_space<hbm>> -> memref<1x16x384xf32, #tpu.memory_space<hbm>>
        %dma_wait3A_791 = arith.constant 0 : i32
        %dma_wait3A_792 = arith.constant 0 : i32
        %dma_wait3A_793 = arith.constant 0 : i32
        %dma_wait3A_794 = tpu.memref_slice %arg5[%dma_wait3A_791, %dma_wait3A_792, %dma_wait3A_793] : memref<6272x16x384xf32, #tpu.memory_space<hbm>> -> memref<1x16x384xf32, #tpu.memory_space<hbm>>
        tpu.wait_dma2 semaphore(%arg27 : memref<!tpu.dma_semaphore, #tpu.memory_space<semaphore_mem>>) src(%arg13 : memref<1x16x384xf32, #tpu.memory_space<vmem>>) dst(%dma_wait3A_794 : memref<1x16x384xf32, #tpu.memory_space<hbm>>)
      }
      %add3A_549 = arith.constant 3 : i32
      %add3A_550 = arith.addi %add3A_519, %add3A_549 : i32
      %mul3A_551 = arith.constant 4 : i32
      %mul3A_552 = arith.muli %add3A_550, %mul3A_551 : i32
      %add3A_553 = arith.addi %add3A_33, %mul3A_552 : i32
      %dma_start3A_554 = arith.constant 0 : i32
      %dma_start3A_555 = arith.constant 0 : i32
      %dma_start3A_556 = tpu.memref_slice %arg4[%add3A_553, %dma_start3A_554, %dma_start3A_555] : memref<1568x16x384xf32, #tpu.memory_space<hbm>> -> memref<1x16x384xf32, #tpu.memory_space<hbm>>
      %dma_start3A_557 = arith.constant 0 : i32
      %dma_start3A_558 = arith.constant 0 : i32
      %dma_start3A_559 = tpu.memref_slice %arg4[%add3A_553, %dma_start3A_557, %dma_start3A_558] : memref<1568x16x384xf32, #tpu.memory_space<hbm>> -> memref<1x16x384xf32, #tpu.memory_space<hbm>>
      tpu.enqueue_dma source(%dma_start3A_559 : memref<1x16x384xf32, #tpu.memory_space<hbm>>) target(%arg13 : memref<1x16x384xf32, #tpu.memory_space<vmem>>) target_semaphore(%arg20 : memref<!tpu.dma_semaphore, #tpu.memory_space<semaphore_mem>>)
      %while3A_560 = arith.constant 0 : i32
      %while3A_561 = arith.constant 0 : i32
      %while3A_562 = arith.subi %sub3A_532, %while3A_561 : i32
      %while3A_563 = arith.addi %while3A_561, %while3A_562 : i32
      %while3A_564 = arith.constant 1 : i32
      %while3A_565 = arith.divsi %while3A_562, %while3A_564 : i32
      %while3A_566 = arith.muli %while3A_565, %while3A_564 : i32
      %while3A_567 = arith.addi %while3A_561, %while3A_566 : i32
      %while3A_568 = arith.constant 1 : i32
      scf.for %while3A_786 = %while3A_561 to %while3A_567 step %while3A_568  : i32 {
        %add3A_787 = arith.addi %squeeze3A_524, %while3A_786 : i32
        %get3A_788 = arith.index_cast %add3A_787 : i32 to index
        %get3A_789 = tpu.vector_load %arg6[%get3A_788] {strides = array<i32>} : memref<224xi32, #tpu.memory_space<vmem>>, vector<16xi32>,
        %get3A_790 = vector.shape_cast %get3A_789 : vector<16xi32> to vector<16xi32>
        %slice3A_791 = vector.extract_strided_slice %get3A_790 {offsets = [0], sizes = [1], strides = [1]} : vector<16xi32> to vector<1xi32>
        %squeeze3A_792 = vector.extract %slice3A_791[0] : i32 from vector<1xi32>
        %mul3A_793 = arith.constant 4 : i32
        %mul3A_794 = arith.muli %squeeze3A_792, %mul3A_793 : i32
        %add3A_795 = arith.addi %add3A_38, %mul3A_794 : i32
        %dma_start3A_796 = arith.constant 0 : i32
        %dma_start3A_797 = arith.constant 0 : i32
        %dma_start3A_798 = tpu.memref_slice %arg5[%add3A_795, %dma_start3A_796, %dma_start3A_797] : memref<6272x16x384xf32, #tpu.memory_space<hbm>> -> memref<1x16x384xf32, #tpu.memory_space<hbm>>
        %dma_start3A_799 = arith.constant 0 : i32
        %dma_start3A_800 = arith.constant 0 : i32
        %dma_start3A_801 = tpu.memref_slice %arg5[%add3A_795, %dma_start3A_799, %dma_start3A_800] : memref<6272x16x384xf32, #tpu.memory_space<hbm>> -> memref<1x16x384xf32, #tpu.memory_space<hbm>>
        tpu.enqueue_dma source(%arg10 : memref<1x16x384xf32, #tpu.memory_space<vmem>>) target(%dma_start3A_801 : memref<1x16x384xf32, #tpu.memory_space<hbm>>) target_semaphore(%arg24 : memref<!tpu.dma_semaphore, #tpu.memory_space<semaphore_mem>>)
      }
      %while3A_569 = arith.constant 1 : i32
      scf.for %while3A_786 = %while3A_567 to %while3A_563 step %while3A_569  : i32 {
        %add3A_787 = arith.addi %squeeze3A_524, %while3A_786 : i32
        %get3A_788 = arith.index_cast %add3A_787 : i32 to index
        %get3A_789 = tpu.vector_load %arg6[%get3A_788] {strides = array<i32>} : memref<224xi32, #tpu.memory_space<vmem>>, vector<16xi32>,
        %get3A_790 = vector.shape_cast %get3A_789 : vector<16xi32> to vector<16xi32>
        %slice3A_791 = vector.extract_strided_slice %get3A_790 {offsets = [0], sizes = [1], strides = [1]} : vector<16xi32> to vector<1xi32>
        %squeeze3A_792 = vector.extract %slice3A_791[0] : i32 from vector<1xi32>
        %mul3A_793 = arith.constant 4 : i32
        %mul3A_794 = arith.muli %squeeze3A_792, %mul3A_793 : i32
        %add3A_795 = arith.addi %add3A_38, %mul3A_794 : i32
        %dma_start3A_796 = arith.constant 0 : i32
        %dma_start3A_797 = arith.constant 0 : i32
        %dma_start3A_798 = tpu.memref_slice %arg5[%add3A_795, %dma_start3A_796, %dma_start3A_797] : memref<6272x16x384xf32, #tpu.memory_space<hbm>> -> memref<1x16x384xf32, #tpu.memory_space<hbm>>
        %dma_start3A_799 = arith.constant 0 : i32
        %dma_start3A_800 = arith.constant 0 : i32
        %dma_start3A_801 = tpu.memref_slice %arg5[%add3A_795, %dma_start3A_799, %dma_start3A_800] : memref<6272x16x384xf32, #tpu.memory_space<hbm>> -> memref<1x16x384xf32, #tpu.memory_space<hbm>>
        tpu.enqueue_dma source(%arg10 : memref<1x16x384xf32, #tpu.memory_space<vmem>>) target(%dma_start3A_801 : memref<1x16x384xf32, #tpu.memory_space<hbm>>) target_semaphore(%arg24 : memref<!tpu.dma_semaphore, #tpu.memory_space<semaphore_mem>>)
      }
      %mul3A_570 = arith.constant 7 : i32
      %mul3A_571 = arith.muli %mul3A_570, %scan3A_400 : i32
      %add3A_572 = arith.constant 3 : i32
      %add3A_573 = arith.addi %mul3A_571, %add3A_572 : i32
      %get3A_574 = arith.index_cast %add3A_573 : i32 to index
      %get3A_575 = tpu.vector_load %arg7[%get3A_574] {strides = array<i32>} : memref<80xi32, #tpu.memory_space<vmem>>, vector<16xi32>,
      %get3A_576 = vector.shape_cast %get3A_575 : vector<16xi32> to vector<16xi32>
      %slice3A_577 = vector.extract_strided_slice %get3A_576 {offsets = [0], sizes = [1], strides = [1]} : vector<16xi32> to vector<1xi32>
      %squeeze3A_578 = vector.extract %slice3A_577[0] : i32 from vector<1xi32>
      %add3A_579 = arith.constant 1 : i32
      %add3A_580 = arith.addi %add3A_573, %add3A_579 : i32
      %get3A_581 = arith.index_cast %add3A_580 : i32 to index
      %get3A_582 = tpu.vector_load %arg7[%get3A_581] {strides = array<i32>} : memref<80xi32, #tpu.memory_space<vmem>>, vector<16xi32>,
      %get3A_583 = vector.shape_cast %get3A_582 : vector<16xi32> to vector<16xi32>
      %slice3A_584 = vector.extract_strided_slice %get3A_583 {offsets = [0], sizes = [1], strides = [1]} : vector<16xi32> to vector<1xi32>
      %squeeze3A_585 = vector.extract %slice3A_584[0] : i32 from vector<1xi32>
      %sub3A_586 = arith.subi %squeeze3A_585, %squeeze3A_578 : i32
      %dma_wait3A_587 = arith.constant 0 : i32
      %dma_wait3A_588 = arith.constant 0 : i32
      %dma_wait3A_589 = tpu.memref_slice %arg4[%add3A_33, %dma_wait3A_587, %dma_wait3A_588] : memref<1568x16x384xf32, #tpu.memory_space<hbm>> -> memref<1x16x384xf32, #tpu.memory_space<hbm>>
      %dma_wait3A_590 = arith.constant 0 : i32
      %dma_wait3A_591 = arith.constant 0 : i32
      %dma_wait3A_592 = tpu.memref_slice %arg4[%add3A_33, %dma_wait3A_590, %dma_wait3A_591] : memref<1568x16x384xf32, #tpu.memory_space<hbm>> -> memref<1x16x384xf32, #tpu.memory_space<hbm>>
      tpu.wait_dma2 semaphore(%arg18 : memref<!tpu.dma_semaphore, #tpu.memory_space<semaphore_mem>>) src(%dma_wait3A_592 : memref<1x16x384xf32, #tpu.memory_space<hbm>>) dst(%arg11 : memref<1x16x384xf32, #tpu.memory_space<vmem>>)
      %while3A_593 = arith.constant 0 : i32
      %while3A_594 = arith.constant 0 : i32
      %while3A_595 = arith.subi %scan3A_407, %while3A_594 : i32
      %while3A_596 = arith.addi %while3A_594, %while3A_595 : i32
      %while3A_597 = arith.constant 1 : i32
      %while3A_598 = arith.divsi %while3A_595, %while3A_597 : i32
      %while3A_599 = arith.muli %while3A_598, %while3A_597 : i32
      %while3A_600 = arith.addi %while3A_594, %while3A_599 : i32
      %while3A_601 = arith.constant 1 : i32
      scf.for %while3A_786 = %while3A_594 to %while3A_600 step %while3A_601  : i32 {
        %dma_wait3A_787 = arith.constant 0 : i32
        %dma_wait3A_788 = arith.constant 0 : i32
        %dma_wait3A_789 = arith.constant 0 : i32
        %dma_wait3A_790 = tpu.memref_slice %arg5[%dma_wait3A_787, %dma_wait3A_788, %dma_wait3A_789] : memref<6272x16x384xf32, #tpu.memory_space<hbm>> -> memref<1x16x384xf32, #tpu.memory_space<hbm>>
        %dma_wait3A_791 = arith.constant 0 : i32
        %dma_wait3A_792 = arith.constant 0 : i32
        %dma_wait3A_793 = arith.constant 0 : i32
        %dma_wait3A_794 = tpu.memref_slice %arg5[%dma_wait3A_791, %dma_wait3A_792, %dma_wait3A_793] : memref<6272x16x384xf32, #tpu.memory_space<hbm>> -> memref<1x16x384xf32, #tpu.memory_space<hbm>>
        tpu.wait_dma2 semaphore(%arg28 : memref<!tpu.dma_semaphore, #tpu.memory_space<semaphore_mem>>) src(%arg14 : memref<1x16x384xf32, #tpu.memory_space<vmem>>) dst(%dma_wait3A_794 : memref<1x16x384xf32, #tpu.memory_space<hbm>>)
      }
      %while3A_602 = arith.constant 1 : i32
      scf.for %while3A_786 = %while3A_600 to %while3A_596 step %while3A_602  : i32 {
        %dma_wait3A_787 = arith.constant 0 : i32
        %dma_wait3A_788 = arith.constant 0 : i32
        %dma_wait3A_789 = arith.constant 0 : i32
        %dma_wait3A_790 = tpu.memref_slice %arg5[%dma_wait3A_787, %dma_wait3A_788, %dma_wait3A_789] : memref<6272x16x384xf32, #tpu.memory_space<hbm>> -> memref<1x16x384xf32, #tpu.memory_space<hbm>>
        %dma_wait3A_791 = arith.constant 0 : i32
        %dma_wait3A_792 = arith.constant 0 : i32
        %dma_wait3A_793 = arith.constant 0 : i32
        %dma_wait3A_794 = tpu.memref_slice %arg5[%dma_wait3A_791, %dma_wait3A_792, %dma_wait3A_793] : memref<6272x16x384xf32, #tpu.memory_space<hbm>> -> memref<1x16x384xf32, #tpu.memory_space<hbm>>
        tpu.wait_dma2 semaphore(%arg28 : memref<!tpu.dma_semaphore, #tpu.memory_space<semaphore_mem>>) src(%arg14 : memref<1x16x384xf32, #tpu.memory_space<vmem>>) dst(%dma_wait3A_794 : memref<1x16x384xf32, #tpu.memory_space<hbm>>)
      }
      %add3A_603 = arith.constant 3 : i32
      %add3A_604 = arith.addi %add3A_573, %add3A_603 : i32
      %mul3A_605 = arith.constant 4 : i32
      %mul3A_606 = arith.muli %add3A_604, %mul3A_605 : i32
      %add3A_607 = arith.addi %add3A_33, %mul3A_606 : i32
      %dma_start3A_608 = arith.constant 0 : i32
      %dma_start3A_609 = arith.constant 0 : i32
      %dma_start3A_610 = tpu.memref_slice %arg4[%add3A_607, %dma_start3A_608, %dma_start3A_609] : memref<1568x16x384xf32, #tpu.memory_space<hbm>> -> memref<1x16x384xf32, #tpu.memory_space<hbm>>
      %dma_start3A_611 = arith.constant 0 : i32
      %dma_start3A_612 = arith.constant 0 : i32
      %dma_start3A_613 = tpu.memref_slice %arg4[%add3A_607, %dma_start3A_611, %dma_start3A_612] : memref<1568x16x384xf32, #tpu.memory_space<hbm>> -> memref<1x16x384xf32, #tpu.memory_space<hbm>>
      tpu.enqueue_dma source(%dma_start3A_613 : memref<1x16x384xf32, #tpu.memory_space<hbm>>) target(%arg14 : memref<1x16x384xf32, #tpu.memory_space<vmem>>) target_semaphore(%arg21 : memref<!tpu.dma_semaphore, #tpu.memory_space<semaphore_mem>>)
      %while3A_614 = arith.constant 0 : i32
      %while3A_615 = arith.constant 0 : i32
      %while3A_616 = arith.subi %sub3A_586, %while3A_615 : i32
      %while3A_617 = arith.addi %while3A_615, %while3A_616 : i32
      %while3A_618 = arith.constant 1 : i32
      %while3A_619 = arith.divsi %while3A_616, %while3A_618 : i32
      %while3A_620 = arith.muli %while3A_619, %while3A_618 : i32
      %while3A_621 = arith.addi %while3A_615, %while3A_620 : i32
      %while3A_622 = arith.constant 1 : i32
      scf.for %while3A_786 = %while3A_615 to %while3A_621 step %while3A_622  : i32 {
        %add3A_787 = arith.addi %squeeze3A_578, %while3A_786 : i32
        %get3A_788 = arith.index_cast %add3A_787 : i32 to index
        %get3A_789 = tpu.vector_load %arg6[%get3A_788] {strides = array<i32>} : memref<224xi32, #tpu.memory_space<vmem>>, vector<16xi32>,
        %get3A_790 = vector.shape_cast %get3A_789 : vector<16xi32> to vector<16xi32>
        %slice3A_791 = vector.extract_strided_slice %get3A_790 {offsets = [0], sizes = [1], strides = [1]} : vector<16xi32> to vector<1xi32>
        %squeeze3A_792 = vector.extract %slice3A_791[0] : i32 from vector<1xi32>
        %mul3A_793 = arith.constant 4 : i32
        %mul3A_794 = arith.muli %squeeze3A_792, %mul3A_793 : i32
        %add3A_795 = arith.addi %add3A_38, %mul3A_794 : i32
        %dma_start3A_796 = arith.constant 0 : i32
        %dma_start3A_797 = arith.constant 0 : i32
        %dma_start3A_798 = tpu.memref_slice %arg5[%add3A_795, %dma_start3A_796, %dma_start3A_797] : memref<6272x16x384xf32, #tpu.memory_space<hbm>> -> memref<1x16x384xf32, #tpu.memory_space<hbm>>
        %dma_start3A_799 = arith.constant 0 : i32
        %dma_start3A_800 = arith.constant 0 : i32
        %dma_start3A_801 = tpu.memref_slice %arg5[%add3A_795, %dma_start3A_799, %dma_start3A_800] : memref<6272x16x384xf32, #tpu.memory_space<hbm>> -> memref<1x16x384xf32, #tpu.memory_space<hbm>>
        tpu.enqueue_dma source(%arg11 : memref<1x16x384xf32, #tpu.memory_space<vmem>>) target(%dma_start3A_801 : memref<1x16x384xf32, #tpu.memory_space<hbm>>) target_semaphore(%arg25 : memref<!tpu.dma_semaphore, #tpu.memory_space<semaphore_mem>>)
      }
      %while3A_623 = arith.constant 1 : i32
      scf.for %while3A_786 = %while3A_621 to %while3A_617 step %while3A_623  : i32 {
        %add3A_787 = arith.addi %squeeze3A_578, %while3A_786 : i32
        %get3A_788 = arith.index_cast %add3A_787 : i32 to index
        %get3A_789 = tpu.vector_load %arg6[%get3A_788] {strides = array<i32>} : memref<224xi32, #tpu.memory_space<vmem>>, vector<16xi32>,
        %get3A_790 = vector.shape_cast %get3A_789 : vector<16xi32> to vector<16xi32>
        %slice3A_791 = vector.extract_strided_slice %get3A_790 {offsets = [0], sizes = [1], strides = [1]} : vector<16xi32> to vector<1xi32>
        %squeeze3A_792 = vector.extract %slice3A_791[0] : i32 from vector<1xi32>
        %mul3A_793 = arith.constant 4 : i32
        %mul3A_794 = arith.muli %squeeze3A_792, %mul3A_793 : i32
        %add3A_795 = arith.addi %add3A_38, %mul3A_794 : i32
        %dma_start3A_796 = arith.constant 0 : i32
        %dma_start3A_797 = arith.constant 0 : i32
        %dma_start3A_798 = tpu.memref_slice %arg5[%add3A_795, %dma_start3A_796, %dma_start3A_797] : memref<6272x16x384xf32, #tpu.memory_space<hbm>> -> memref<1x16x384xf32, #tpu.memory_space<hbm>>
        %dma_start3A_799 = arith.constant 0 : i32
        %dma_start3A_800 = arith.constant 0 : i32
        %dma_start3A_801 = tpu.memref_slice %arg5[%add3A_795, %dma_start3A_799, %dma_start3A_800] : memref<6272x16x384xf32, #tpu.memory_space<hbm>> -> memref<1x16x384xf32, #tpu.memory_space<hbm>>
        tpu.enqueue_dma source(%arg11 : memref<1x16x384xf32, #tpu.memory_space<vmem>>) target(%dma_start3A_801 : memref<1x16x384xf32, #tpu.memory_space<hbm>>) target_semaphore(%arg25 : memref<!tpu.dma_semaphore, #tpu.memory_space<semaphore_mem>>)
      }
      %mul3A_624 = arith.constant 7 : i32
      %mul3A_625 = arith.muli %mul3A_624, %scan3A_400 : i32
      %add3A_626 = arith.constant 4 : i32
      %add3A_627 = arith.addi %mul3A_625, %add3A_626 : i32
      %get3A_628 = arith.index_cast %add3A_627 : i32 to index
      %get3A_629 = tpu.vector_load %arg7[%get3A_628] {strides = array<i32>} : memref<80xi32, #tpu.memory_space<vmem>>, vector<16xi32>,
      %get3A_630 = vector.shape_cast %get3A_629 : vector<16xi32> to vector<16xi32>
      %slice3A_631 = vector.extract_strided_slice %get3A_630 {offsets = [0], sizes = [1], strides = [1]} : vector<16xi32> to vector<1xi32>
      %squeeze3A_632 = vector.extract %slice3A_631[0] : i32 from vector<1xi32>
      %add3A_633 = arith.constant 1 : i32
      %add3A_634 = arith.addi %add3A_627, %add3A_633 : i32
      %get3A_635 = arith.index_cast %add3A_634 : i32 to index
      %get3A_636 = tpu.vector_load %arg7[%get3A_635] {strides = array<i32>} : memref<80xi32, #tpu.memory_space<vmem>>, vector<16xi32>,
      %get3A_637 = vector.shape_cast %get3A_636 : vector<16xi32> to vector<16xi32>
      %slice3A_638 = vector.extract_strided_slice %get3A_637 {offsets = [0], sizes = [1], strides = [1]} : vector<16xi32> to vector<1xi32>
      %squeeze3A_639 = vector.extract %slice3A_638[0] : i32 from vector<1xi32>
      %sub3A_640 = arith.subi %squeeze3A_639, %squeeze3A_632 : i32
      %dma_wait3A_641 = arith.constant 0 : i32
      %dma_wait3A_642 = arith.constant 0 : i32
      %dma_wait3A_643 = tpu.memref_slice %arg4[%add3A_33, %dma_wait3A_641, %dma_wait3A_642] : memref<1568x16x384xf32, #tpu.memory_space<hbm>> -> memref<1x16x384xf32, #tpu.memory_space<hbm>>
      %dma_wait3A_644 = arith.constant 0 : i32
      %dma_wait3A_645 = arith.constant 0 : i32
      %dma_wait3A_646 = tpu.memref_slice %arg4[%add3A_33, %dma_wait3A_644, %dma_wait3A_645] : memref<1568x16x384xf32, #tpu.memory_space<hbm>> -> memref<1x16x384xf32, #tpu.memory_space<hbm>>
      tpu.wait_dma2 semaphore(%arg19 : memref<!tpu.dma_semaphore, #tpu.memory_space<semaphore_mem>>) src(%dma_wait3A_646 : memref<1x16x384xf32, #tpu.memory_space<hbm>>) dst(%arg12 : memref<1x16x384xf32, #tpu.memory_space<vmem>>)
      %while3A_647 = arith.constant 0 : i32
      %while3A_648 = arith.constant 0 : i32
      %while3A_649 = arith.subi %sub3A_424, %while3A_648 : i32
      %while3A_650 = arith.addi %while3A_648, %while3A_649 : i32
      %while3A_651 = arith.constant 1 : i32
      %while3A_652 = arith.divsi %while3A_649, %while3A_651 : i32
      %while3A_653 = arith.muli %while3A_652, %while3A_651 : i32
      %while3A_654 = arith.addi %while3A_648, %while3A_653 : i32
      %while3A_655 = arith.constant 1 : i32
      scf.for %while3A_786 = %while3A_648 to %while3A_654 step %while3A_655  : i32 {
        %dma_wait3A_787 = arith.constant 0 : i32
        %dma_wait3A_788 = arith.constant 0 : i32
        %dma_wait3A_789 = arith.constant 0 : i32
        %dma_wait3A_790 = tpu.memref_slice %arg5[%dma_wait3A_787, %dma_wait3A_788, %dma_wait3A_789] : memref<6272x16x384xf32, #tpu.memory_space<hbm>> -> memref<1x16x384xf32, #tpu.memory_space<hbm>>
        %dma_wait3A_791 = arith.constant 0 : i32
        %dma_wait3A_792 = arith.constant 0 : i32
        %dma_wait3A_793 = arith.constant 0 : i32
        %dma_wait3A_794 = tpu.memref_slice %arg5[%dma_wait3A_791, %dma_wait3A_792, %dma_wait3A_793] : memref<6272x16x384xf32, #tpu.memory_space<hbm>> -> memref<1x16x384xf32, #tpu.memory_space<hbm>>
        tpu.wait_dma2 semaphore(%arg22 : memref<!tpu.dma_semaphore, #tpu.memory_space<semaphore_mem>>) src(%arg8 : memref<1x16x384xf32, #tpu.memory_space<vmem>>) dst(%dma_wait3A_794 : memref<1x16x384xf32, #tpu.memory_space<hbm>>)
      }
      %while3A_656 = arith.constant 1 : i32
      scf.for %while3A_786 = %while3A_654 to %while3A_650 step %while3A_656  : i32 {
        %dma_wait3A_787 = arith.constant 0 : i32
        %dma_wait3A_788 = arith.constant 0 : i32
        %dma_wait3A_789 = arith.constant 0 : i32
        %dma_wait3A_790 = tpu.memref_slice %arg5[%dma_wait3A_787, %dma_wait3A_788, %dma_wait3A_789] : memref<6272x16x384xf32, #tpu.memory_space<hbm>> -> memref<1x16x384xf32, #tpu.memory_space<hbm>>
        %dma_wait3A_791 = arith.constant 0 : i32
        %dma_wait3A_792 = arith.constant 0 : i32
        %dma_wait3A_793 = arith.constant 0 : i32
        %dma_wait3A_794 = tpu.memref_slice %arg5[%dma_wait3A_791, %dma_wait3A_792, %dma_wait3A_793] : memref<6272x16x384xf32, #tpu.memory_space<hbm>> -> memref<1x16x384xf32, #tpu.memory_space<hbm>>
        tpu.wait_dma2 semaphore(%arg22 : memref<!tpu.dma_semaphore, #tpu.memory_space<semaphore_mem>>) src(%arg8 : memref<1x16x384xf32, #tpu.memory_space<vmem>>) dst(%dma_wait3A_794 : memref<1x16x384xf32, #tpu.memory_space<hbm>>)
      }
      %add3A_657 = arith.constant 3 : i32
      %add3A_658 = arith.addi %add3A_627, %add3A_657 : i32
      %mul3A_659 = arith.constant 4 : i32
      %mul3A_660 = arith.muli %add3A_658, %mul3A_659 : i32
      %add3A_661 = arith.addi %add3A_33, %mul3A_660 : i32
      %dma_start3A_662 = arith.constant 0 : i32
      %dma_start3A_663 = arith.constant 0 : i32
      %dma_start3A_664 = tpu.memref_slice %arg4[%add3A_661, %dma_start3A_662, %dma_start3A_663] : memref<1568x16x384xf32, #tpu.memory_space<hbm>> -> memref<1x16x384xf32, #tpu.memory_space<hbm>>
      %dma_start3A_665 = arith.constant 0 : i32
      %dma_start3A_666 = arith.constant 0 : i32
      %dma_start3A_667 = tpu.memref_slice %arg4[%add3A_661, %dma_start3A_665, %dma_start3A_666] : memref<1568x16x384xf32, #tpu.memory_space<hbm>> -> memref<1x16x384xf32, #tpu.memory_space<hbm>>
      tpu.enqueue_dma source(%dma_start3A_667 : memref<1x16x384xf32, #tpu.memory_space<hbm>>) target(%arg8 : memref<1x16x384xf32, #tpu.memory_space<vmem>>) target_semaphore(%arg15 : memref<!tpu.dma_semaphore, #tpu.memory_space<semaphore_mem>>)
      %while3A_668 = arith.constant 0 : i32
      %while3A_669 = arith.constant 0 : i32
      %while3A_670 = arith.subi %sub3A_640, %while3A_669 : i32
      %while3A_671 = arith.addi %while3A_669, %while3A_670 : i32
      %while3A_672 = arith.constant 1 : i32
      %while3A_673 = arith.divsi %while3A_670, %while3A_672 : i32
      %while3A_674 = arith.muli %while3A_673, %while3A_672 : i32
      %while3A_675 = arith.addi %while3A_669, %while3A_674 : i32
      %while3A_676 = arith.constant 1 : i32
      scf.for %while3A_786 = %while3A_669 to %while3A_675 step %while3A_676  : i32 {
        %add3A_787 = arith.addi %squeeze3A_632, %while3A_786 : i32
        %get3A_788 = arith.index_cast %add3A_787 : i32 to index
        %get3A_789 = tpu.vector_load %arg6[%get3A_788] {strides = array<i32>} : memref<224xi32, #tpu.memory_space<vmem>>, vector<16xi32>,
        %get3A_790 = vector.shape_cast %get3A_789 : vector<16xi32> to vector<16xi32>
        %slice3A_791 = vector.extract_strided_slice %get3A_790 {offsets = [0], sizes = [1], strides = [1]} : vector<16xi32> to vector<1xi32>
        %squeeze3A_792 = vector.extract %slice3A_791[0] : i32 from vector<1xi32>
        %mul3A_793 = arith.constant 4 : i32
        %mul3A_794 = arith.muli %squeeze3A_792, %mul3A_793 : i32
        %add3A_795 = arith.addi %add3A_38, %mul3A_794 : i32
        %dma_start3A_796 = arith.constant 0 : i32
        %dma_start3A_797 = arith.constant 0 : i32
        %dma_start3A_798 = tpu.memref_slice %arg5[%add3A_795, %dma_start3A_796, %dma_start3A_797] : memref<6272x16x384xf32, #tpu.memory_space<hbm>> -> memref<1x16x384xf32, #tpu.memory_space<hbm>>
        %dma_start3A_799 = arith.constant 0 : i32
        %dma_start3A_800 = arith.constant 0 : i32
        %dma_start3A_801 = tpu.memref_slice %arg5[%add3A_795, %dma_start3A_799, %dma_start3A_800] : memref<6272x16x384xf32, #tpu.memory_space<hbm>> -> memref<1x16x384xf32, #tpu.memory_space<hbm>>
        tpu.enqueue_dma source(%arg12 : memref<1x16x384xf32, #tpu.memory_space<vmem>>) target(%dma_start3A_801 : memref<1x16x384xf32, #tpu.memory_space<hbm>>) target_semaphore(%arg26 : memref<!tpu.dma_semaphore, #tpu.memory_space<semaphore_mem>>)
      }
      %while3A_677 = arith.constant 1 : i32
      scf.for %while3A_786 = %while3A_675 to %while3A_671 step %while3A_677  : i32 {
        %add3A_787 = arith.addi %squeeze3A_632, %while3A_786 : i32
        %get3A_788 = arith.index_cast %add3A_787 : i32 to index
        %get3A_789 = tpu.vector_load %arg6[%get3A_788] {strides = array<i32>} : memref<224xi32, #tpu.memory_space<vmem>>, vector<16xi32>,
        %get3A_790 = vector.shape_cast %get3A_789 : vector<16xi32> to vector<16xi32>
        %slice3A_791 = vector.extract_strided_slice %get3A_790 {offsets = [0], sizes = [1], strides = [1]} : vector<16xi32> to vector<1xi32>
        %squeeze3A_792 = vector.extract %slice3A_791[0] : i32 from vector<1xi32>
        %mul3A_793 = arith.constant 4 : i32
        %mul3A_794 = arith.muli %squeeze3A_792, %mul3A_793 : i32
        %add3A_795 = arith.addi %add3A_38, %mul3A_794 : i32
        %dma_start3A_796 = arith.constant 0 : i32
        %dma_start3A_797 = arith.constant 0 : i32
        %dma_start3A_798 = tpu.memref_slice %arg5[%add3A_795, %dma_start3A_796, %dma_start3A_797] : memref<6272x16x384xf32, #tpu.memory_space<hbm>> -> memref<1x16x384xf32, #tpu.memory_space<hbm>>
        %dma_start3A_799 = arith.constant 0 : i32
        %dma_start3A_800 = arith.constant 0 : i32
        %dma_start3A_801 = tpu.memref_slice %arg5[%add3A_795, %dma_start3A_799, %dma_start3A_800] : memref<6272x16x384xf32, #tpu.memory_space<hbm>> -> memref<1x16x384xf32, #tpu.memory_space<hbm>>
        tpu.enqueue_dma source(%arg12 : memref<1x16x384xf32, #tpu.memory_space<vmem>>) target(%dma_start3A_801 : memref<1x16x384xf32, #tpu.memory_space<hbm>>) target_semaphore(%arg26 : memref<!tpu.dma_semaphore, #tpu.memory_space<semaphore_mem>>)
      }
      %mul3A_678 = arith.constant 7 : i32
      %mul3A_679 = arith.muli %mul3A_678, %scan3A_400 : i32
      %add3A_680 = arith.constant 5 : i32
      %add3A_681 = arith.addi %mul3A_679, %add3A_680 : i32
      %get3A_682 = arith.index_cast %add3A_681 : i32 to index
      %get3A_683 = tpu.vector_load %arg7[%get3A_682] {strides = array<i32>} : memref<80xi32, #tpu.memory_space<vmem>>, vector<16xi32>,
      %get3A_684 = vector.shape_cast %get3A_683 : vector<16xi32> to vector<16xi32>
      %slice3A_685 = vector.extract_strided_slice %get3A_684 {offsets = [0], sizes = [1], strides = [1]} : vector<16xi32> to vector<1xi32>
      %squeeze3A_686 = vector.extract %slice3A_685[0] : i32 from vector<1xi32>
      %add3A_687 = arith.constant 1 : i32
      %add3A_688 = arith.addi %add3A_681, %add3A_687 : i32
      %get3A_689 = arith.index_cast %add3A_688 : i32 to index
      %get3A_690 = tpu.vector_load %arg7[%get3A_689] {strides = array<i32>} : memref<80xi32, #tpu.memory_space<vmem>>, vector<16xi32>,
      %get3A_691 = vector.shape_cast %get3A_690 : vector<16xi32> to vector<16xi32>
      %slice3A_692 = vector.extract_strided_slice %get3A_691 {offsets = [0], sizes = [1], strides = [1]} : vector<16xi32> to vector<1xi32>
      %squeeze3A_693 = vector.extract %slice3A_692[0] : i32 from vector<1xi32>
      %sub3A_694 = arith.subi %squeeze3A_693, %squeeze3A_686 : i32
      %dma_wait3A_695 = arith.constant 0 : i32
      %dma_wait3A_696 = arith.constant 0 : i32
      %dma_wait3A_697 = tpu.memref_slice %arg4[%add3A_33, %dma_wait3A_695, %dma_wait3A_696] : memref<1568x16x384xf32, #tpu.memory_space<hbm>> -> memref<1x16x384xf32, #tpu.memory_space<hbm>>
      %dma_wait3A_698 = arith.constant 0 : i32
      %dma_wait3A_699 = arith.constant 0 : i32
      %dma_wait3A_700 = tpu.memref_slice %arg4[%add3A_33, %dma_wait3A_698, %dma_wait3A_699] : memref<1568x16x384xf32, #tpu.memory_space<hbm>> -> memref<1x16x384xf32, #tpu.memory_space<hbm>>
      tpu.wait_dma2 semaphore(%arg20 : memref<!tpu.dma_semaphore, #tpu.memory_space<semaphore_mem>>) src(%dma_wait3A_700 : memref<1x16x384xf32, #tpu.memory_space<hbm>>) dst(%arg13 : memref<1x16x384xf32, #tpu.memory_space<vmem>>)
      %while3A_701 = arith.constant 0 : i32
      %while3A_702 = arith.constant 0 : i32
      %while3A_703 = arith.subi %sub3A_478, %while3A_702 : i32
      %while3A_704 = arith.addi %while3A_702, %while3A_703 : i32
      %while3A_705 = arith.constant 1 : i32
      %while3A_706 = arith.divsi %while3A_703, %while3A_705 : i32
      %while3A_707 = arith.muli %while3A_706, %while3A_705 : i32
      %while3A_708 = arith.addi %while3A_702, %while3A_707 : i32
      %while3A_709 = arith.constant 1 : i32
      scf.for %while3A_786 = %while3A_702 to %while3A_708 step %while3A_709  : i32 {
        %dma_wait3A_787 = arith.constant 0 : i32
        %dma_wait3A_788 = arith.constant 0 : i32
        %dma_wait3A_789 = arith.constant 0 : i32
        %dma_wait3A_790 = tpu.memref_slice %arg5[%dma_wait3A_787, %dma_wait3A_788, %dma_wait3A_789] : memref<6272x16x384xf32, #tpu.memory_space<hbm>> -> memref<1x16x384xf32, #tpu.memory_space<hbm>>
        %dma_wait3A_791 = arith.constant 0 : i32
        %dma_wait3A_792 = arith.constant 0 : i32
        %dma_wait3A_793 = arith.constant 0 : i32
        %dma_wait3A_794 = tpu.memref_slice %arg5[%dma_wait3A_791, %dma_wait3A_792, %dma_wait3A_793] : memref<6272x16x384xf32, #tpu.memory_space<hbm>> -> memref<1x16x384xf32, #tpu.memory_space<hbm>>
        tpu.wait_dma2 semaphore(%arg23 : memref<!tpu.dma_semaphore, #tpu.memory_space<semaphore_mem>>) src(%arg9 : memref<1x16x384xf32, #tpu.memory_space<vmem>>) dst(%dma_wait3A_794 : memref<1x16x384xf32, #tpu.memory_space<hbm>>)
      }
      %while3A_710 = arith.constant 1 : i32
      scf.for %while3A_786 = %while3A_708 to %while3A_704 step %while3A_710  : i32 {
        %dma_wait3A_787 = arith.constant 0 : i32
        %dma_wait3A_788 = arith.constant 0 : i32
        %dma_wait3A_789 = arith.constant 0 : i32
        %dma_wait3A_790 = tpu.memref_slice %arg5[%dma_wait3A_787, %dma_wait3A_788, %dma_wait3A_789] : memref<6272x16x384xf32, #tpu.memory_space<hbm>> -> memref<1x16x384xf32, #tpu.memory_space<hbm>>
        %dma_wait3A_791 = arith.constant 0 : i32
        %dma_wait3A_792 = arith.constant 0 : i32
        %dma_wait3A_793 = arith.constant 0 : i32
        %dma_wait3A_794 = tpu.memref_slice %arg5[%dma_wait3A_791, %dma_wait3A_792, %dma_wait3A_793] : memref<6272x16x384xf32, #tpu.memory_space<hbm>> -> memref<1x16x384xf32, #tpu.memory_space<hbm>>
        tpu.wait_dma2 semaphore(%arg23 : memref<!tpu.dma_semaphore, #tpu.memory_space<semaphore_mem>>) src(%arg9 : memref<1x16x384xf32, #tpu.memory_space<vmem>>) dst(%dma_wait3A_794 : memref<1x16x384xf32, #tpu.memory_space<hbm>>)
      }
      %add3A_711 = arith.constant 3 : i32
      %add3A_712 = arith.addi %add3A_681, %add3A_711 : i32
      %mul3A_713 = arith.constant 4 : i32
      %mul3A_714 = arith.muli %add3A_712, %mul3A_713 : i32
      %add3A_715 = arith.addi %add3A_33, %mul3A_714 : i32
      %dma_start3A_716 = arith.constant 0 : i32
      %dma_start3A_717 = arith.constant 0 : i32
      %dma_start3A_718 = tpu.memref_slice %arg4[%add3A_715, %dma_start3A_716, %dma_start3A_717] : memref<1568x16x384xf32, #tpu.memory_space<hbm>> -> memref<1x16x384xf32, #tpu.memory_space<hbm>>
      %dma_start3A_719 = arith.constant 0 : i32
      %dma_start3A_720 = arith.constant 0 : i32
      %dma_start3A_721 = tpu.memref_slice %arg4[%add3A_715, %dma_start3A_719, %dma_start3A_720] : memref<1568x16x384xf32, #tpu.memory_space<hbm>> -> memref<1x16x384xf32, #tpu.memory_space<hbm>>
      tpu.enqueue_dma source(%dma_start3A_721 : memref<1x16x384xf32, #tpu.memory_space<hbm>>) target(%arg9 : memref<1x16x384xf32, #tpu.memory_space<vmem>>) target_semaphore(%arg16 : memref<!tpu.dma_semaphore, #tpu.memory_space<semaphore_mem>>)
      %while3A_722 = arith.constant 0 : i32
      %while3A_723 = arith.constant 0 : i32
      %while3A_724 = arith.subi %sub3A_694, %while3A_723 : i32
      %while3A_725 = arith.addi %while3A_723, %while3A_724 : i32
      %while3A_726 = arith.constant 1 : i32
      %while3A_727 = arith.divsi %while3A_724, %while3A_726 : i32
      %while3A_728 = arith.muli %while3A_727, %while3A_726 : i32
      %while3A_729 = arith.addi %while3A_723, %while3A_728 : i32
      %while3A_730 = arith.constant 1 : i32
      scf.for %while3A_786 = %while3A_723 to %while3A_729 step %while3A_730  : i32 {
        %add3A_787 = arith.addi %squeeze3A_686, %while3A_786 : i32
        %get3A_788 = arith.index_cast %add3A_787 : i32 to index
        %get3A_789 = tpu.vector_load %arg6[%get3A_788] {strides = array<i32>} : memref<224xi32, #tpu.memory_space<vmem>>, vector<16xi32>,
        %get3A_790 = vector.shape_cast %get3A_789 : vector<16xi32> to vector<16xi32>
        %slice3A_791 = vector.extract_strided_slice %get3A_790 {offsets = [0], sizes = [1], strides = [1]} : vector<16xi32> to vector<1xi32>
        %squeeze3A_792 = vector.extract %slice3A_791[0] : i32 from vector<1xi32>
        %mul3A_793 = arith.constant 4 : i32
        %mul3A_794 = arith.muli %squeeze3A_792, %mul3A_793 : i32
        %add3A_795 = arith.addi %add3A_38, %mul3A_794 : i32
        %dma_start3A_796 = arith.constant 0 : i32
        %dma_start3A_797 = arith.constant 0 : i32
        %dma_start3A_798 = tpu.memref_slice %arg5[%add3A_795, %dma_start3A_796, %dma_start3A_797] : memref<6272x16x384xf32, #tpu.memory_space<hbm>> -> memref<1x16x384xf32, #tpu.memory_space<hbm>>
        %dma_start3A_799 = arith.constant 0 : i32
        %dma_start3A_800 = arith.constant 0 : i32
        %dma_start3A_801 = tpu.memref_slice %arg5[%add3A_795, %dma_start3A_799, %dma_start3A_800] : memref<6272x16x384xf32, #tpu.memory_space<hbm>> -> memref<1x16x384xf32, #tpu.memory_space<hbm>>
        tpu.enqueue_dma source(%arg13 : memref<1x16x384xf32, #tpu.memory_space<vmem>>) target(%dma_start3A_801 : memref<1x16x384xf32, #tpu.memory_space<hbm>>) target_semaphore(%arg27 : memref<!tpu.dma_semaphore, #tpu.memory_space<semaphore_mem>>)
      }
      %while3A_731 = arith.constant 1 : i32
      scf.for %while3A_786 = %while3A_729 to %while3A_725 step %while3A_731  : i32 {
        %add3A_787 = arith.addi %squeeze3A_686, %while3A_786 : i32
        %get3A_788 = arith.index_cast %add3A_787 : i32 to index
        %get3A_789 = tpu.vector_load %arg6[%get3A_788] {strides = array<i32>} : memref<224xi32, #tpu.memory_space<vmem>>, vector<16xi32>,
        %get3A_790 = vector.shape_cast %get3A_789 : vector<16xi32> to vector<16xi32>
        %slice3A_791 = vector.extract_strided_slice %get3A_790 {offsets = [0], sizes = [1], strides = [1]} : vector<16xi32> to vector<1xi32>
        %squeeze3A_792 = vector.extract %slice3A_791[0] : i32 from vector<1xi32>
        %mul3A_793 = arith.constant 4 : i32
        %mul3A_794 = arith.muli %squeeze3A_792, %mul3A_793 : i32
        %add3A_795 = arith.addi %add3A_38, %mul3A_794 : i32
        %dma_start3A_796 = arith.constant 0 : i32
        %dma_start3A_797 = arith.constant 0 : i32
        %dma_start3A_798 = tpu.memref_slice %arg5[%add3A_795, %dma_start3A_796, %dma_start3A_797] : memref<6272x16x384xf32, #tpu.memory_space<hbm>> -> memref<1x16x384xf32, #tpu.memory_space<hbm>>
        %dma_start3A_799 = arith.constant 0 : i32
        %dma_start3A_800 = arith.constant 0 : i32
        %dma_start3A_801 = tpu.memref_slice %arg5[%add3A_795, %dma_start3A_799, %dma_start3A_800] : memref<6272x16x384xf32, #tpu.memory_space<hbm>> -> memref<1x16x384xf32, #tpu.memory_space<hbm>>
        tpu.enqueue_dma source(%arg13 : memref<1x16x384xf32, #tpu.memory_space<vmem>>) target(%dma_start3A_801 : memref<1x16x384xf32, #tpu.memory_space<hbm>>) target_semaphore(%arg27 : memref<!tpu.dma_semaphore, #tpu.memory_space<semaphore_mem>>)
      }
      %mul3A_732 = arith.constant 7 : i32
      %mul3A_733 = arith.muli %mul3A_732, %scan3A_400 : i32
      %add3A_734 = arith.constant 6 : i32
      %add3A_735 = arith.addi %mul3A_733, %add3A_734 : i32
      %get3A_736 = arith.index_cast %add3A_735 : i32 to index
      %get3A_737 = tpu.vector_load %arg7[%get3A_736] {strides = array<i32>} : memref<80xi32, #tpu.memory_space<vmem>>, vector<16xi32>,
      %get3A_738 = vector.shape_cast %get3A_737 : vector<16xi32> to vector<16xi32>
      %slice3A_739 = vector.extract_strided_slice %get3A_738 {offsets = [0], sizes = [1], strides = [1]} : vector<16xi32> to vector<1xi32>
      %squeeze3A_740 = vector.extract %slice3A_739[0] : i32 from vector<1xi32>
      %add3A_741 = arith.constant 1 : i32
      %add3A_742 = arith.addi %add3A_735, %add3A_741 : i32
      %get3A_743 = arith.index_cast %add3A_742 : i32 to index
      %get3A_744 = tpu.vector_load %arg7[%get3A_743] {strides = array<i32>} : memref<80xi32, #tpu.memory_space<vmem>>, vector<16xi32>,
      %get3A_745 = vector.shape_cast %get3A_744 : vector<16xi32> to vector<16xi32>
      %slice3A_746 = vector.extract_strided_slice %get3A_745 {offsets = [0], sizes = [1], strides = [1]} : vector<16xi32> to vector<1xi32>
      %squeeze3A_747 = vector.extract %slice3A_746[0] : i32 from vector<1xi32>
      %sub3A_748 = arith.subi %squeeze3A_747, %squeeze3A_740 : i32
      %dma_wait3A_749 = arith.constant 0 : i32
      %dma_wait3A_750 = arith.constant 0 : i32
      %dma_wait3A_751 = tpu.memref_slice %arg4[%add3A_33, %dma_wait3A_749, %dma_wait3A_750] : memref<1568x16x384xf32, #tpu.memory_space<hbm>> -> memref<1x16x384xf32, #tpu.memory_space<hbm>>
      %dma_wait3A_752 = arith.constant 0 : i32
      %dma_wait3A_753 = arith.constant 0 : i32
      %dma_wait3A_754 = tpu.memref_slice %arg4[%add3A_33, %dma_wait3A_752, %dma_wait3A_753] : memref<1568x16x384xf32, #tpu.memory_space<hbm>> -> memref<1x16x384xf32, #tpu.memory_space<hbm>>
      tpu.wait_dma2 semaphore(%arg21 : memref<!tpu.dma_semaphore, #tpu.memory_space<semaphore_mem>>) src(%dma_wait3A_754 : memref<1x16x384xf32, #tpu.memory_space<hbm>>) dst(%arg14 : memref<1x16x384xf32, #tpu.memory_space<vmem>>)
      %while3A_755 = arith.constant 0 : i32
      %while3A_756 = arith.constant 0 : i32
      %while3A_757 = arith.subi %sub3A_532, %while3A_756 : i32
      %while3A_758 = arith.addi %while3A_756, %while3A_757 : i32
      %while3A_759 = arith.constant 1 : i32
      %while3A_760 = arith.divsi %while3A_757, %while3A_759 : i32
      %while3A_761 = arith.muli %while3A_760, %while3A_759 : i32
      %while3A_762 = arith.addi %while3A_756, %while3A_761 : i32
      %while3A_763 = arith.constant 1 : i32
      scf.for %while3A_786 = %while3A_756 to %while3A_762 step %while3A_763  : i32 {
        %dma_wait3A_787 = arith.constant 0 : i32
        %dma_wait3A_788 = arith.constant 0 : i32
        %dma_wait3A_789 = arith.constant 0 : i32
        %dma_wait3A_790 = tpu.memref_slice %arg5[%dma_wait3A_787, %dma_wait3A_788, %dma_wait3A_789] : memref<6272x16x384xf32, #tpu.memory_space<hbm>> -> memref<1x16x384xf32, #tpu.memory_space<hbm>>
        %dma_wait3A_791 = arith.constant 0 : i32
        %dma_wait3A_792 = arith.constant 0 : i32
        %dma_wait3A_793 = arith.constant 0 : i32
        %dma_wait3A_794 = tpu.memref_slice %arg5[%dma_wait3A_791, %dma_wait3A_792, %dma_wait3A_793] : memref<6272x16x384xf32, #tpu.memory_space<hbm>> -> memref<1x16x384xf32, #tpu.memory_space<hbm>>
        tpu.wait_dma2 semaphore(%arg24 : memref<!tpu.dma_semaphore, #tpu.memory_space<semaphore_mem>>) src(%arg10 : memref<1x16x384xf32, #tpu.memory_space<vmem>>) dst(%dma_wait3A_794 : memref<1x16x384xf32, #tpu.memory_space<hbm>>)
      }
      %while3A_764 = arith.constant 1 : i32
      scf.for %while3A_786 = %while3A_762 to %while3A_758 step %while3A_764  : i32 {
        %dma_wait3A_787 = arith.constant 0 : i32
        %dma_wait3A_788 = arith.constant 0 : i32
        %dma_wait3A_789 = arith.constant 0 : i32
        %dma_wait3A_790 = tpu.memref_slice %arg5[%dma_wait3A_787, %dma_wait3A_788, %dma_wait3A_789] : memref<6272x16x384xf32, #tpu.memory_space<hbm>> -> memref<1x16x384xf32, #tpu.memory_space<hbm>>
        %dma_wait3A_791 = arith.constant 0 : i32
        %dma_wait3A_792 = arith.constant 0 : i32
        %dma_wait3A_793 = arith.constant 0 : i32
        %dma_wait3A_794 = tpu.memref_slice %arg5[%dma_wait3A_791, %dma_wait3A_792, %dma_wait3A_793] : memref<6272x16x384xf32, #tpu.memory_space<hbm>> -> memref<1x16x384xf32, #tpu.memory_space<hbm>>
        tpu.wait_dma2 semaphore(%arg24 : memref<!tpu.dma_semaphore, #tpu.memory_space<semaphore_mem>>) src(%arg10 : memref<1x16x384xf32, #tpu.memory_space<vmem>>) dst(%dma_wait3A_794 : memref<1x16x384xf32, #tpu.memory_space<hbm>>)
      }
      %add3A_765 = arith.constant 3 : i32
      %add3A_766 = arith.addi %add3A_735, %add3A_765 : i32
      %mul3A_767 = arith.constant 4 : i32
      %mul3A_768 = arith.muli %add3A_766, %mul3A_767 : i32
      %add3A_769 = arith.addi %add3A_33, %mul3A_768 : i32
      %dma_start3A_770 = arith.constant 0 : i32
      %dma_start3A_771 = arith.constant 0 : i32
      %dma_start3A_772 = tpu.memref_slice %arg4[%add3A_769, %dma_start3A_770, %dma_start3A_771] : memref<1568x16x384xf32, #tpu.memory_space<hbm>> -> memref<1x16x384xf32, #tpu.memory_space<hbm>>
      %dma_start3A_773 = arith.constant 0 : i32
      %dma_start3A_774 = arith.constant 0 : i32
      %dma_start3A_775 = tpu.memref_slice %arg4[%add3A_769, %dma_start3A_773, %dma_start3A_774] : memref<1568x16x384xf32, #tpu.memory_space<hbm>> -> memref<1x16x384xf32, #tpu.memory_space<hbm>>
      tpu.enqueue_dma source(%dma_start3A_775 : memref<1x16x384xf32, #tpu.memory_space<hbm>>) target(%arg10 : memref<1x16x384xf32, #tpu.memory_space<vmem>>) target_semaphore(%arg17 : memref<!tpu.dma_semaphore, #tpu.memory_space<semaphore_mem>>)
      %while3A_776 = arith.constant 0 : i32
      %while3A_777 = arith.constant 0 : i32
      %while3A_778 = arith.subi %sub3A_748, %while3A_777 : i32
      %while3A_779 = arith.addi %while3A_777, %while3A_778 : i32
      %while3A_780 = arith.constant 1 : i32
      %while3A_781 = arith.divsi %while3A_778, %while3A_780 : i32
      %while3A_782 = arith.muli %while3A_781, %while3A_780 : i32
      %while3A_783 = arith.addi %while3A_777, %while3A_782 : i32
      %while3A_784 = arith.constant 1 : i32
      scf.for %while3A_786 = %while3A_777 to %while3A_783 step %while3A_784  : i32 {
        %add3A_787 = arith.addi %squeeze3A_740, %while3A_786 : i32
        %get3A_788 = arith.index_cast %add3A_787 : i32 to index
        %get3A_789 = tpu.vector_load %arg6[%get3A_788] {strides = array<i32>} : memref<224xi32, #tpu.memory_space<vmem>>, vector<16xi32>,
        %get3A_790 = vector.shape_cast %get3A_789 : vector<16xi32> to vector<16xi32>
        %slice3A_791 = vector.extract_strided_slice %get3A_790 {offsets = [0], sizes = [1], strides = [1]} : vector<16xi32> to vector<1xi32>
        %squeeze3A_792 = vector.extract %slice3A_791[0] : i32 from vector<1xi32>
        %mul3A_793 = arith.constant 4 : i32
        %mul3A_794 = arith.muli %squeeze3A_792, %mul3A_793 : i32
        %add3A_795 = arith.addi %add3A_38, %mul3A_794 : i32
        %dma_start3A_796 = arith.constant 0 : i32
        %dma_start3A_797 = arith.constant 0 : i32
        %dma_start3A_798 = tpu.memref_slice %arg5[%add3A_795, %dma_start3A_796, %dma_start3A_797] : memref<6272x16x384xf32, #tpu.memory_space<hbm>> -> memref<1x16x384xf32, #tpu.memory_space<hbm>>
        %dma_start3A_799 = arith.constant 0 : i32
        %dma_start3A_800 = arith.constant 0 : i32
        %dma_start3A_801 = tpu.memref_slice %arg5[%add3A_795, %dma_start3A_799, %dma_start3A_800] : memref<6272x16x384xf32, #tpu.memory_space<hbm>> -> memref<1x16x384xf32, #tpu.memory_space<hbm>>
        tpu.enqueue_dma source(%arg14 : memref<1x16x384xf32, #tpu.memory_space<vmem>>) target(%dma_start3A_801 : memref<1x16x384xf32, #tpu.memory_space<hbm>>) target_semaphore(%arg28 : memref<!tpu.dma_semaphore, #tpu.memory_space<semaphore_mem>>)
      }
      %while3A_785 = arith.constant 1 : i32
      scf.for %while3A_786 = %while3A_783 to %while3A_779 step %while3A_785  : i32 {
        %add3A_787 = arith.addi %squeeze3A_740, %while3A_786 : i32
        %get3A_788 = arith.index_cast %add3A_787 : i32 to index
        %get3A_789 = tpu.vector_load %arg6[%get3A_788] {strides = array<i32>} : memref<224xi32, #tpu.memory_space<vmem>>, vector<16xi32>,
        %get3A_790 = vector.shape_cast %get3A_789 : vector<16xi32> to vector<16xi32>
        %slice3A_791 = vector.extract_strided_slice %get3A_790 {offsets = [0], sizes = [1], strides = [1]} : vector<16xi32> to vector<1xi32>
        %squeeze3A_792 = vector.extract %slice3A_791[0] : i32 from vector<1xi32>
        %mul3A_793 = arith.constant 4 : i32
        %mul3A_794 = arith.muli %squeeze3A_792, %mul3A_793 : i32
        %add3A_795 = arith.addi %add3A_38, %mul3A_794 : i32
        %dma_start3A_796 = arith.constant 0 : i32
        %dma_start3A_797 = arith.constant 0 : i32
        %dma_start3A_798 = tpu.memref_slice %arg5[%add3A_795, %dma_start3A_796, %dma_start3A_797] : memref<6272x16x384xf32, #tpu.memory_space<hbm>> -> memref<1x16x384xf32, #tpu.memory_space<hbm>>
        %dma_start3A_799 = arith.constant 0 : i32
        %dma_start3A_800 = arith.constant 0 : i32
        %dma_start3A_801 = tpu.memref_slice %arg5[%add3A_795, %dma_start3A_799, %dma_start3A_800] : memref<6272x16x384xf32, #tpu.memory_space<hbm>> -> memref<1x16x384xf32, #tpu.memory_space<hbm>>
        tpu.enqueue_dma source(%arg14 : memref<1x16x384xf32, #tpu.memory_space<vmem>>) target(%dma_start3A_801 : memref<1x16x384xf32, #tpu.memory_space<hbm>>) target_semaphore(%arg28 : memref<!tpu.dma_semaphore, #tpu.memory_space<semaphore_mem>>)
      }
      scf.yield %sub3A_424, %sub3A_478, %sub3A_532, %sub3A_586, %sub3A_640, %sub3A_694, %sub3A_748 : i32, i32, i32, i32, i32, i32, i32
    }
    %scan3A_73 = arith.constant 6 : i32
    %get3A = arith.constant 42 : index
    %get3A_74 = tpu.vector_load %arg7[%get3A] {strides = array<i32>} : memref<80xi32, #tpu.memory_space<vmem>>, vector<16xi32>,
    %get3A_75 = vector.shape_cast %get3A_74 : vector<16xi32> to vector<16xi32>
    %slice3A = vector.extract_strided_slice %get3A_75 {offsets = [0], sizes = [1], strides = [1]} : vector<16xi32> to vector<1xi32>
    %squeeze3A = vector.extract %slice3A[0] : i32 from vector<1xi32>
    %get3A_76 = arith.constant 43 : index
    %get3A_77 = tpu.vector_load %arg7[%get3A_76] {strides = array<i32>} : memref<80xi32, #tpu.memory_space<vmem>>, vector<16xi32>,
    %get3A_78 = vector.shape_cast %get3A_77 : vector<16xi32> to vector<16xi32>
    %slice3A_79 = vector.extract_strided_slice %get3A_78 {offsets = [0], sizes = [1], strides = [1]} : vector<16xi32> to vector<1xi32>
    %squeeze3A_80 = vector.extract %slice3A_79[0] : i32 from vector<1xi32>
    %sub3A_81 = arith.subi %squeeze3A_80, %squeeze3A : i32
    %dma_wait3A = arith.constant 0 : i32
    %dma_wait3A_82 = arith.constant 0 : i32
    %dma_wait3A_83 = tpu.memref_slice %arg4[%add3A_33, %dma_wait3A, %dma_wait3A_82] : memref<1568x16x384xf32, #tpu.memory_space<hbm>> -> memref<1x16x384xf32, #tpu.memory_space<hbm>>
    %dma_wait3A_84 = arith.constant 0 : i32
    %dma_wait3A_85 = arith.constant 0 : i32
    %dma_wait3A_86 = tpu.memref_slice %arg4[%add3A_33, %dma_wait3A_84, %dma_wait3A_85] : memref<1568x16x384xf32, #tpu.memory_space<hbm>> -> memref<1x16x384xf32, #tpu.memory_space<hbm>>
    tpu.wait_dma2 semaphore(%arg15 : memref<!tpu.dma_semaphore, #tpu.memory_space<semaphore_mem>>) src(%dma_wait3A_86 : memref<1x16x384xf32, #tpu.memory_space<hbm>>) dst(%arg8 : memref<1x16x384xf32, #tpu.memory_space<vmem>>)
    %while3A = arith.constant 0 : i32
    %while3A_87 = arith.constant 0 : i32
    %while3A_88 = arith.subi %scan3A_72#3, %while3A_87 : i32
    %while3A_89 = arith.addi %while3A_87, %while3A_88 : i32
    %while3A_90 = arith.constant 1 : i32
    %while3A_91 = arith.divsi %while3A_88, %while3A_90 : i32
    %while3A_92 = arith.muli %while3A_91, %while3A_90 : i32
    %while3A_93 = arith.addi %while3A_87, %while3A_92 : i32
    %while3A_94 = arith.constant 1 : i32
    scf.for %while3A_400 = %while3A_87 to %while3A_93 step %while3A_94  : i32 {
      %dma_wait3A_401 = arith.constant 0 : i32
      %dma_wait3A_402 = arith.constant 0 : i32
      %dma_wait3A_403 = arith.constant 0 : i32
      %dma_wait3A_404 = tpu.memref_slice %arg5[%dma_wait3A_401, %dma_wait3A_402, %dma_wait3A_403] : memref<6272x16x384xf32, #tpu.memory_space<hbm>> -> memref<1x16x384xf32, #tpu.memory_space<hbm>>
      %dma_wait3A_405 = arith.constant 0 : i32
      %dma_wait3A_406 = arith.constant 0 : i32
      %dma_wait3A_407 = arith.constant 0 : i32
      %dma_wait3A_408 = tpu.memref_slice %arg5[%dma_wait3A_405, %dma_wait3A_406, %dma_wait3A_407] : memref<6272x16x384xf32, #tpu.memory_space<hbm>> -> memref<1x16x384xf32, #tpu.memory_space<hbm>>
      tpu.wait_dma2 semaphore(%arg25 : memref<!tpu.dma_semaphore, #tpu.memory_space<semaphore_mem>>) src(%arg11 : memref<1x16x384xf32, #tpu.memory_space<vmem>>) dst(%dma_wait3A_408 : memref<1x16x384xf32, #tpu.memory_space<hbm>>)
    }
    %while3A_95 = arith.constant 1 : i32
    scf.for %while3A_400 = %while3A_93 to %while3A_89 step %while3A_95  : i32 {
      %dma_wait3A_401 = arith.constant 0 : i32
      %dma_wait3A_402 = arith.constant 0 : i32
      %dma_wait3A_403 = arith.constant 0 : i32
      %dma_wait3A_404 = tpu.memref_slice %arg5[%dma_wait3A_401, %dma_wait3A_402, %dma_wait3A_403] : memref<6272x16x384xf32, #tpu.memory_space<hbm>> -> memref<1x16x384xf32, #tpu.memory_space<hbm>>
      %dma_wait3A_405 = arith.constant 0 : i32
      %dma_wait3A_406 = arith.constant 0 : i32
      %dma_wait3A_407 = arith.constant 0 : i32
      %dma_wait3A_408 = tpu.memref_slice %arg5[%dma_wait3A_405, %dma_wait3A_406, %dma_wait3A_407] : memref<6272x16x384xf32, #tpu.memory_space<hbm>> -> memref<1x16x384xf32, #tpu.memory_space<hbm>>
      tpu.wait_dma2 semaphore(%arg25 : memref<!tpu.dma_semaphore, #tpu.memory_space<semaphore_mem>>) src(%arg11 : memref<1x16x384xf32, #tpu.memory_space<vmem>>) dst(%dma_wait3A_408 : memref<1x16x384xf32, #tpu.memory_space<hbm>>)
    }
    %add3A_96 = arith.constant 180 : i32
    %add3A_97 = arith.addi %add3A_33, %add3A_96 : i32
    %dma_start3A_98 = arith.constant 0 : i32
    %dma_start3A_99 = arith.constant 0 : i32
    %dma_start3A_100 = tpu.memref_slice %arg4[%add3A_97, %dma_start3A_98, %dma_start3A_99] : memref<1568x16x384xf32, #tpu.memory_space<hbm>> -> memref<1x16x384xf32, #tpu.memory_space<hbm>>
    %dma_start3A_101 = arith.constant 0 : i32
    %dma_start3A_102 = arith.constant 0 : i32
    %dma_start3A_103 = tpu.memref_slice %arg4[%add3A_97, %dma_start3A_101, %dma_start3A_102] : memref<1568x16x384xf32, #tpu.memory_space<hbm>> -> memref<1x16x384xf32, #tpu.memory_space<hbm>>
    tpu.enqueue_dma source(%dma_start3A_103 : memref<1x16x384xf32, #tpu.memory_space<hbm>>) target(%arg11 : memref<1x16x384xf32, #tpu.memory_space<vmem>>) target_semaphore(%arg18 : memref<!tpu.dma_semaphore, #tpu.memory_space<semaphore_mem>>)
    %while3A_104 = arith.constant 0 : i32
    %while3A_105 = arith.constant 0 : i32
    %while3A_106 = arith.subi %sub3A_81, %while3A_105 : i32
    %while3A_107 = arith.addi %while3A_105, %while3A_106 : i32
    %while3A_108 = arith.constant 1 : i32
    %while3A_109 = arith.divsi %while3A_106, %while3A_108 : i32
    %while3A_110 = arith.muli %while3A_109, %while3A_108 : i32
    %while3A_111 = arith.addi %while3A_105, %while3A_110 : i32
    %while3A_112 = arith.constant 1 : i32
    scf.for %while3A_400 = %while3A_105 to %while3A_111 step %while3A_112  : i32 {
      %add3A_401 = arith.addi %squeeze3A, %while3A_400 : i32
      %get3A_402 = arith.index_cast %add3A_401 : i32 to index
      %get3A_403 = tpu.vector_load %arg6[%get3A_402] {strides = array<i32>} : memref<224xi32, #tpu.memory_space<vmem>>, vector<16xi32>,
      %get3A_404 = vector.shape_cast %get3A_403 : vector<16xi32> to vector<16xi32>
      %slice3A_405 = vector.extract_strided_slice %get3A_404 {offsets = [0], sizes = [1], strides = [1]} : vector<16xi32> to vector<1xi32>
      %squeeze3A_406 = vector.extract %slice3A_405[0] : i32 from vector<1xi32>
      %mul3A_407 = arith.constant 4 : i32
      %mul3A_408 = arith.muli %squeeze3A_406, %mul3A_407 : i32
      %add3A_409 = arith.addi %add3A_38, %mul3A_408 : i32
      %dma_start3A_410 = arith.constant 0 : i32
      %dma_start3A_411 = arith.constant 0 : i32
      %dma_start3A_412 = tpu.memref_slice %arg5[%add3A_409, %dma_start3A_410, %dma_start3A_411] : memref<6272x16x384xf32, #tpu.memory_space<hbm>> -> memref<1x16x384xf32, #tpu.memory_space<hbm>>
      %dma_start3A_413 = arith.constant 0 : i32
      %dma_start3A_414 = arith.constant 0 : i32
      %dma_start3A_415 = tpu.memref_slice %arg5[%add3A_409, %dma_start3A_413, %dma_start3A_414] : memref<6272x16x384xf32, #tpu.memory_space<hbm>> -> memref<1x16x384xf32, #tpu.memory_space<hbm>>
      tpu.enqueue_dma source(%arg8 : memref<1x16x384xf32, #tpu.memory_space<vmem>>) target(%dma_start3A_415 : memref<1x16x384xf32, #tpu.memory_space<hbm>>) target_semaphore(%arg22 : memref<!tpu.dma_semaphore, #tpu.memory_space<semaphore_mem>>)
    }
    %while3A_113 = arith.constant 1 : i32
    scf.for %while3A_400 = %while3A_111 to %while3A_107 step %while3A_113  : i32 {
      %add3A_401 = arith.addi %squeeze3A, %while3A_400 : i32
      %get3A_402 = arith.index_cast %add3A_401 : i32 to index
      %get3A_403 = tpu.vector_load %arg6[%get3A_402] {strides = array<i32>} : memref<224xi32, #tpu.memory_space<vmem>>, vector<16xi32>,
      %get3A_404 = vector.shape_cast %get3A_403 : vector<16xi32> to vector<16xi32>
      %slice3A_405 = vector.extract_strided_slice %get3A_404 {offsets = [0], sizes = [1], strides = [1]} : vector<16xi32> to vector<1xi32>
      %squeeze3A_406 = vector.extract %slice3A_405[0] : i32 from vector<1xi32>
      %mul3A_407 = arith.constant 4 : i32
      %mul3A_408 = arith.muli %squeeze3A_406, %mul3A_407 : i32
      %add3A_409 = arith.addi %add3A_38, %mul3A_408 : i32
      %dma_start3A_410 = arith.constant 0 : i32
      %dma_start3A_411 = arith.constant 0 : i32
      %dma_start3A_412 = tpu.memref_slice %arg5[%add3A_409, %dma_start3A_410, %dma_start3A_411] : memref<6272x16x384xf32, #tpu.memory_space<hbm>> -> memref<1x16x384xf32, #tpu.memory_space<hbm>>
      %dma_start3A_413 = arith.constant 0 : i32
      %dma_start3A_414 = arith.constant 0 : i32
      %dma_start3A_415 = tpu.memref_slice %arg5[%add3A_409, %dma_start3A_413, %dma_start3A_414] : memref<6272x16x384xf32, #tpu.memory_space<hbm>> -> memref<1x16x384xf32, #tpu.memory_space<hbm>>
      tpu.enqueue_dma source(%arg8 : memref<1x16x384xf32, #tpu.memory_space<vmem>>) target(%dma_start3A_415 : memref<1x16x384xf32, #tpu.memory_space<hbm>>) target_semaphore(%arg22 : memref<!tpu.dma_semaphore, #tpu.memory_space<semaphore_mem>>)
    }
    %get3A_114 = arith.constant 43 : index
    %get3A_115 = tpu.vector_load %arg7[%get3A_114] {strides = array<i32>} : memref<80xi32, #tpu.memory_space<vmem>>, vector<16xi32>,
    %get3A_116 = vector.shape_cast %get3A_115 : vector<16xi32> to vector<16xi32>
    %slice3A_117 = vector.extract_strided_slice %get3A_116 {offsets = [0], sizes = [1], strides = [1]} : vector<16xi32> to vector<1xi32>
    %squeeze3A_118 = vector.extract %slice3A_117[0] : i32 from vector<1xi32>
    %get3A_119 = arith.constant 44 : index
    %get3A_120 = tpu.vector_load %arg7[%get3A_119] {strides = array<i32>} : memref<80xi32, #tpu.memory_space<vmem>>, vector<16xi32>,
    %get3A_121 = vector.shape_cast %get3A_120 : vector<16xi32> to vector<16xi32>
    %slice3A_122 = vector.extract_strided_slice %get3A_121 {offsets = [0], sizes = [1], strides = [1]} : vector<16xi32> to vector<1xi32>
    %squeeze3A_123 = vector.extract %slice3A_122[0] : i32 from vector<1xi32>
    %sub3A_124 = arith.subi %squeeze3A_123, %squeeze3A_118 : i32
    %dma_wait3A_125 = arith.constant 0 : i32
    %dma_wait3A_126 = arith.constant 0 : i32
    %dma_wait3A_127 = tpu.memref_slice %arg4[%add3A_33, %dma_wait3A_125, %dma_wait3A_126] : memref<1568x16x384xf32, #tpu.memory_space<hbm>> -> memref<1x16x384xf32, #tpu.memory_space<hbm>>
    %dma_wait3A_128 = arith.constant 0 : i32
    %dma_wait3A_129 = arith.constant 0 : i32
    %dma_wait3A_130 = tpu.memref_slice %arg4[%add3A_33, %dma_wait3A_128, %dma_wait3A_129] : memref<1568x16x384xf32, #tpu.memory_space<hbm>> -> memref<1x16x384xf32, #tpu.memory_space<hbm>>
    tpu.wait_dma2 semaphore(%arg16 : memref<!tpu.dma_semaphore, #tpu.memory_space<semaphore_mem>>) src(%dma_wait3A_130 : memref<1x16x384xf32, #tpu.memory_space<hbm>>) dst(%arg9 : memref<1x16x384xf32, #tpu.memory_space<vmem>>)
    %while3A_131 = arith.constant 0 : i32
    %while3A_132 = arith.constant 0 : i32
    %while3A_133 = arith.subi %scan3A_72#4, %while3A_132 : i32
    %while3A_134 = arith.addi %while3A_132, %while3A_133 : i32
    %while3A_135 = arith.constant 1 : i32
    %while3A_136 = arith.divsi %while3A_133, %while3A_135 : i32
    %while3A_137 = arith.muli %while3A_136, %while3A_135 : i32
    %while3A_138 = arith.addi %while3A_132, %while3A_137 : i32
    %while3A_139 = arith.constant 1 : i32
    scf.for %while3A_400 = %while3A_132 to %while3A_138 step %while3A_139  : i32 {
      %dma_wait3A_401 = arith.constant 0 : i32
      %dma_wait3A_402 = arith.constant 0 : i32
      %dma_wait3A_403 = arith.constant 0 : i32
      %dma_wait3A_404 = tpu.memref_slice %arg5[%dma_wait3A_401, %dma_wait3A_402, %dma_wait3A_403] : memref<6272x16x384xf32, #tpu.memory_space<hbm>> -> memref<1x16x384xf32, #tpu.memory_space<hbm>>
      %dma_wait3A_405 = arith.constant 0 : i32
      %dma_wait3A_406 = arith.constant 0 : i32
      %dma_wait3A_407 = arith.constant 0 : i32
      %dma_wait3A_408 = tpu.memref_slice %arg5[%dma_wait3A_405, %dma_wait3A_406, %dma_wait3A_407] : memref<6272x16x384xf32, #tpu.memory_space<hbm>> -> memref<1x16x384xf32, #tpu.memory_space<hbm>>
      tpu.wait_dma2 semaphore(%arg26 : memref<!tpu.dma_semaphore, #tpu.memory_space<semaphore_mem>>) src(%arg12 : memref<1x16x384xf32, #tpu.memory_space<vmem>>) dst(%dma_wait3A_408 : memref<1x16x384xf32, #tpu.memory_space<hbm>>)
    }
    %while3A_140 = arith.constant 1 : i32
    scf.for %while3A_400 = %while3A_138 to %while3A_134 step %while3A_140  : i32 {
      %dma_wait3A_401 = arith.constant 0 : i32
      %dma_wait3A_402 = arith.constant 0 : i32
      %dma_wait3A_403 = arith.constant 0 : i32
      %dma_wait3A_404 = tpu.memref_slice %arg5[%dma_wait3A_401, %dma_wait3A_402, %dma_wait3A_403] : memref<6272x16x384xf32, #tpu.memory_space<hbm>> -> memref<1x16x384xf32, #tpu.memory_space<hbm>>
      %dma_wait3A_405 = arith.constant 0 : i32
      %dma_wait3A_406 = arith.constant 0 : i32
      %dma_wait3A_407 = arith.constant 0 : i32
      %dma_wait3A_408 = tpu.memref_slice %arg5[%dma_wait3A_405, %dma_wait3A_406, %dma_wait3A_407] : memref<6272x16x384xf32, #tpu.memory_space<hbm>> -> memref<1x16x384xf32, #tpu.memory_space<hbm>>
      tpu.wait_dma2 semaphore(%arg26 : memref<!tpu.dma_semaphore, #tpu.memory_space<semaphore_mem>>) src(%arg12 : memref<1x16x384xf32, #tpu.memory_space<vmem>>) dst(%dma_wait3A_408 : memref<1x16x384xf32, #tpu.memory_space<hbm>>)
    }
    %add3A_141 = arith.constant 184 : i32
    %add3A_142 = arith.addi %add3A_33, %add3A_141 : i32
    %dma_start3A_143 = arith.constant 0 : i32
    %dma_start3A_144 = arith.constant 0 : i32
    %dma_start3A_145 = tpu.memref_slice %arg4[%add3A_142, %dma_start3A_143, %dma_start3A_144] : memref<1568x16x384xf32, #tpu.memory_space<hbm>> -> memref<1x16x384xf32, #tpu.memory_space<hbm>>
    %dma_start3A_146 = arith.constant 0 : i32
    %dma_start3A_147 = arith.constant 0 : i32
    %dma_start3A_148 = tpu.memref_slice %arg4[%add3A_142, %dma_start3A_146, %dma_start3A_147] : memref<1568x16x384xf32, #tpu.memory_space<hbm>> -> memref<1x16x384xf32, #tpu.memory_space<hbm>>
    tpu.enqueue_dma source(%dma_start3A_148 : memref<1x16x384xf32, #tpu.memory_space<hbm>>) target(%arg12 : memref<1x16x384xf32, #tpu.memory_space<vmem>>) target_semaphore(%arg19 : memref<!tpu.dma_semaphore, #tpu.memory_space<semaphore_mem>>)
    %while3A_149 = arith.constant 0 : i32
    %while3A_150 = arith.constant 0 : i32
    %while3A_151 = arith.subi %sub3A_124, %while3A_150 : i32
    %while3A_152 = arith.addi %while3A_150, %while3A_151 : i32
    %while3A_153 = arith.constant 1 : i32
    %while3A_154 = arith.divsi %while3A_151, %while3A_153 : i32
    %while3A_155 = arith.muli %while3A_154, %while3A_153 : i32
    %while3A_156 = arith.addi %while3A_150, %while3A_155 : i32
    %while3A_157 = arith.constant 1 : i32
    scf.for %while3A_400 = %while3A_150 to %while3A_156 step %while3A_157  : i32 {
      %add3A_401 = arith.addi %squeeze3A_118, %while3A_400 : i32
      %get3A_402 = arith.index_cast %add3A_401 : i32 to index
      %get3A_403 = tpu.vector_load %arg6[%get3A_402] {strides = array<i32>} : memref<224xi32, #tpu.memory_space<vmem>>, vector<16xi32>,
      %get3A_404 = vector.shape_cast %get3A_403 : vector<16xi32> to vector<16xi32>
      %slice3A_405 = vector.extract_strided_slice %get3A_404 {offsets = [0], sizes = [1], strides = [1]} : vector<16xi32> to vector<1xi32>
      %squeeze3A_406 = vector.extract %slice3A_405[0] : i32 from vector<1xi32>
      %mul3A_407 = arith.constant 4 : i32
      %mul3A_408 = arith.muli %squeeze3A_406, %mul3A_407 : i32
      %add3A_409 = arith.addi %add3A_38, %mul3A_408 : i32
      %dma_start3A_410 = arith.constant 0 : i32
      %dma_start3A_411 = arith.constant 0 : i32
      %dma_start3A_412 = tpu.memref_slice %arg5[%add3A_409, %dma_start3A_410, %dma_start3A_411] : memref<6272x16x384xf32, #tpu.memory_space<hbm>> -> memref<1x16x384xf32, #tpu.memory_space<hbm>>
      %dma_start3A_413 = arith.constant 0 : i32
      %dma_start3A_414 = arith.constant 0 : i32
      %dma_start3A_415 = tpu.memref_slice %arg5[%add3A_409, %dma_start3A_413, %dma_start3A_414] : memref<6272x16x384xf32, #tpu.memory_space<hbm>> -> memref<1x16x384xf32, #tpu.memory_space<hbm>>
      tpu.enqueue_dma source(%arg9 : memref<1x16x384xf32, #tpu.memory_space<vmem>>) target(%dma_start3A_415 : memref<1x16x384xf32, #tpu.memory_space<hbm>>) target_semaphore(%arg23 : memref<!tpu.dma_semaphore, #tpu.memory_space<semaphore_mem>>)
    }
    %while3A_158 = arith.constant 1 : i32
    scf.for %while3A_400 = %while3A_156 to %while3A_152 step %while3A_158  : i32 {
      %add3A_401 = arith.addi %squeeze3A_118, %while3A_400 : i32
      %get3A_402 = arith.index_cast %add3A_401 : i32 to index
      %get3A_403 = tpu.vector_load %arg6[%get3A_402] {strides = array<i32>} : memref<224xi32, #tpu.memory_space<vmem>>, vector<16xi32>,
      %get3A_404 = vector.shape_cast %get3A_403 : vector<16xi32> to vector<16xi32>
      %slice3A_405 = vector.extract_strided_slice %get3A_404 {offsets = [0], sizes = [1], strides = [1]} : vector<16xi32> to vector<1xi32>
      %squeeze3A_406 = vector.extract %slice3A_405[0] : i32 from vector<1xi32>
      %mul3A_407 = arith.constant 4 : i32
      %mul3A_408 = arith.muli %squeeze3A_406, %mul3A_407 : i32
      %add3A_409 = arith.addi %add3A_38, %mul3A_408 : i32
      %dma_start3A_410 = arith.constant 0 : i32
      %dma_start3A_411 = arith.constant 0 : i32
      %dma_start3A_412 = tpu.memref_slice %arg5[%add3A_409, %dma_start3A_410, %dma_start3A_411] : memref<6272x16x384xf32, #tpu.memory_space<hbm>> -> memref<1x16x384xf32, #tpu.memory_space<hbm>>
      %dma_start3A_413 = arith.constant 0 : i32
      %dma_start3A_414 = arith.constant 0 : i32
      %dma_start3A_415 = tpu.memref_slice %arg5[%add3A_409, %dma_start3A_413, %dma_start3A_414] : memref<6272x16x384xf32, #tpu.memory_space<hbm>> -> memref<1x16x384xf32, #tpu.memory_space<hbm>>
      tpu.enqueue_dma source(%arg9 : memref<1x16x384xf32, #tpu.memory_space<vmem>>) target(%dma_start3A_415 : memref<1x16x384xf32, #tpu.memory_space<hbm>>) target_semaphore(%arg23 : memref<!tpu.dma_semaphore, #tpu.memory_space<semaphore_mem>>)
    }
    %get3A_159 = arith.constant 44 : index
    %get3A_160 = tpu.vector_load %arg7[%get3A_159] {strides = array<i32>} : memref<80xi32, #tpu.memory_space<vmem>>, vector<16xi32>,
    %get3A_161 = vector.shape_cast %get3A_160 : vector<16xi32> to vector<16xi32>
    %slice3A_162 = vector.extract_strided_slice %get3A_161 {offsets = [0], sizes = [1], strides = [1]} : vector<16xi32> to vector<1xi32>
    %squeeze3A_163 = vector.extract %slice3A_162[0] : i32 from vector<1xi32>
    %get3A_164 = arith.constant 45 : index
    %get3A_165 = tpu.vector_load %arg7[%get3A_164] {strides = array<i32>} : memref<80xi32, #tpu.memory_space<vmem>>, vector<16xi32>,
    %get3A_166 = vector.shape_cast %get3A_165 : vector<16xi32> to vector<16xi32>
    %slice3A_167 = vector.extract_strided_slice %get3A_166 {offsets = [0], sizes = [1], strides = [1]} : vector<16xi32> to vector<1xi32>
    %squeeze3A_168 = vector.extract %slice3A_167[0] : i32 from vector<1xi32>
    %sub3A_169 = arith.subi %squeeze3A_168, %squeeze3A_163 : i32
    %dma_wait3A_170 = arith.constant 0 : i32
    %dma_wait3A_171 = arith.constant 0 : i32
    %dma_wait3A_172 = tpu.memref_slice %arg4[%add3A_33, %dma_wait3A_170, %dma_wait3A_171] : memref<1568x16x384xf32, #tpu.memory_space<hbm>> -> memref<1x16x384xf32, #tpu.memory_space<hbm>>
    %dma_wait3A_173 = arith.constant 0 : i32
    %dma_wait3A_174 = arith.constant 0 : i32
    %dma_wait3A_175 = tpu.memref_slice %arg4[%add3A_33, %dma_wait3A_173, %dma_wait3A_174] : memref<1568x16x384xf32, #tpu.memory_space<hbm>> -> memref<1x16x384xf32, #tpu.memory_space<hbm>>
    tpu.wait_dma2 semaphore(%arg17 : memref<!tpu.dma_semaphore, #tpu.memory_space<semaphore_mem>>) src(%dma_wait3A_175 : memref<1x16x384xf32, #tpu.memory_space<hbm>>) dst(%arg10 : memref<1x16x384xf32, #tpu.memory_space<vmem>>)
    %while3A_176 = arith.constant 0 : i32
    %while3A_177 = arith.constant 0 : i32
    %while3A_178 = arith.subi %scan3A_72#5, %while3A_177 : i32
    %while3A_179 = arith.addi %while3A_177, %while3A_178 : i32
    %while3A_180 = arith.constant 1 : i32
    %while3A_181 = arith.divsi %while3A_178, %while3A_180 : i32
    %while3A_182 = arith.muli %while3A_181, %while3A_180 : i32
    %while3A_183 = arith.addi %while3A_177, %while3A_182 : i32
    %while3A_184 = arith.constant 1 : i32
    scf.for %while3A_400 = %while3A_177 to %while3A_183 step %while3A_184  : i32 {
      %dma_wait3A_401 = arith.constant 0 : i32
      %dma_wait3A_402 = arith.constant 0 : i32
      %dma_wait3A_403 = arith.constant 0 : i32
      %dma_wait3A_404 = tpu.memref_slice %arg5[%dma_wait3A_401, %dma_wait3A_402, %dma_wait3A_403] : memref<6272x16x384xf32, #tpu.memory_space<hbm>> -> memref<1x16x384xf32, #tpu.memory_space<hbm>>
      %dma_wait3A_405 = arith.constant 0 : i32
      %dma_wait3A_406 = arith.constant 0 : i32
      %dma_wait3A_407 = arith.constant 0 : i32
      %dma_wait3A_408 = tpu.memref_slice %arg5[%dma_wait3A_405, %dma_wait3A_406, %dma_wait3A_407] : memref<6272x16x384xf32, #tpu.memory_space<hbm>> -> memref<1x16x384xf32, #tpu.memory_space<hbm>>
      tpu.wait_dma2 semaphore(%arg27 : memref<!tpu.dma_semaphore, #tpu.memory_space<semaphore_mem>>) src(%arg13 : memref<1x16x384xf32, #tpu.memory_space<vmem>>) dst(%dma_wait3A_408 : memref<1x16x384xf32, #tpu.memory_space<hbm>>)
    }
    %while3A_185 = arith.constant 1 : i32
    scf.for %while3A_400 = %while3A_183 to %while3A_179 step %while3A_185  : i32 {
      %dma_wait3A_401 = arith.constant 0 : i32
      %dma_wait3A_402 = arith.constant 0 : i32
      %dma_wait3A_403 = arith.constant 0 : i32
      %dma_wait3A_404 = tpu.memref_slice %arg5[%dma_wait3A_401, %dma_wait3A_402, %dma_wait3A_403] : memref<6272x16x384xf32, #tpu.memory_space<hbm>> -> memref<1x16x384xf32, #tpu.memory_space<hbm>>
      %dma_wait3A_405 = arith.constant 0 : i32
      %dma_wait3A_406 = arith.constant 0 : i32
      %dma_wait3A_407 = arith.constant 0 : i32
      %dma_wait3A_408 = tpu.memref_slice %arg5[%dma_wait3A_405, %dma_wait3A_406, %dma_wait3A_407] : memref<6272x16x384xf32, #tpu.memory_space<hbm>> -> memref<1x16x384xf32, #tpu.memory_space<hbm>>
      tpu.wait_dma2 semaphore(%arg27 : memref<!tpu.dma_semaphore, #tpu.memory_space<semaphore_mem>>) src(%arg13 : memref<1x16x384xf32, #tpu.memory_space<vmem>>) dst(%dma_wait3A_408 : memref<1x16x384xf32, #tpu.memory_space<hbm>>)
    }
    %add3A_186 = arith.constant 188 : i32
    %add3A_187 = arith.addi %add3A_33, %add3A_186 : i32
    %dma_start3A_188 = arith.constant 0 : i32
    %dma_start3A_189 = arith.constant 0 : i32
    %dma_start3A_190 = tpu.memref_slice %arg4[%add3A_187, %dma_start3A_188, %dma_start3A_189] : memref<1568x16x384xf32, #tpu.memory_space<hbm>> -> memref<1x16x384xf32, #tpu.memory_space<hbm>>
    %dma_start3A_191 = arith.constant 0 : i32
    %dma_start3A_192 = arith.constant 0 : i32
    %dma_start3A_193 = tpu.memref_slice %arg4[%add3A_187, %dma_start3A_191, %dma_start3A_192] : memref<1568x16x384xf32, #tpu.memory_space<hbm>> -> memref<1x16x384xf32, #tpu.memory_space<hbm>>
    tpu.enqueue_dma source(%dma_start3A_193 : memref<1x16x384xf32, #tpu.memory_space<hbm>>) target(%arg13 : memref<1x16x384xf32, #tpu.memory_space<vmem>>) target_semaphore(%arg20 : memref<!tpu.dma_semaphore, #tpu.memory_space<semaphore_mem>>)
    %while3A_194 = arith.constant 0 : i32
    %while3A_195 = arith.constant 0 : i32
    %while3A_196 = arith.subi %sub3A_169, %while3A_195 : i32
    %while3A_197 = arith.addi %while3A_195, %while3A_196 : i32
    %while3A_198 = arith.constant 1 : i32
    %while3A_199 = arith.divsi %while3A_196, %while3A_198 : i32
    %while3A_200 = arith.muli %while3A_199, %while3A_198 : i32
    %while3A_201 = arith.addi %while3A_195, %while3A_200 : i32
    %while3A_202 = arith.constant 1 : i32
    scf.for %while3A_400 = %while3A_195 to %while3A_201 step %while3A_202  : i32 {
      %add3A_401 = arith.addi %squeeze3A_163, %while3A_400 : i32
      %get3A_402 = arith.index_cast %add3A_401 : i32 to index
      %get3A_403 = tpu.vector_load %arg6[%get3A_402] {strides = array<i32>} : memref<224xi32, #tpu.memory_space<vmem>>, vector<16xi32>,
      %get3A_404 = vector.shape_cast %get3A_403 : vector<16xi32> to vector<16xi32>
      %slice3A_405 = vector.extract_strided_slice %get3A_404 {offsets = [0], sizes = [1], strides = [1]} : vector<16xi32> to vector<1xi32>
      %squeeze3A_406 = vector.extract %slice3A_405[0] : i32 from vector<1xi32>
      %mul3A_407 = arith.constant 4 : i32
      %mul3A_408 = arith.muli %squeeze3A_406, %mul3A_407 : i32
      %add3A_409 = arith.addi %add3A_38, %mul3A_408 : i32
      %dma_start3A_410 = arith.constant 0 : i32
      %dma_start3A_411 = arith.constant 0 : i32
      %dma_start3A_412 = tpu.memref_slice %arg5[%add3A_409, %dma_start3A_410, %dma_start3A_411] : memref<6272x16x384xf32, #tpu.memory_space<hbm>> -> memref<1x16x384xf32, #tpu.memory_space<hbm>>
      %dma_start3A_413 = arith.constant 0 : i32
      %dma_start3A_414 = arith.constant 0 : i32
      %dma_start3A_415 = tpu.memref_slice %arg5[%add3A_409, %dma_start3A_413, %dma_start3A_414] : memref<6272x16x384xf32, #tpu.memory_space<hbm>> -> memref<1x16x384xf32, #tpu.memory_space<hbm>>
      tpu.enqueue_dma source(%arg10 : memref<1x16x384xf32, #tpu.memory_space<vmem>>) target(%dma_start3A_415 : memref<1x16x384xf32, #tpu.memory_space<hbm>>) target_semaphore(%arg24 : memref<!tpu.dma_semaphore, #tpu.memory_space<semaphore_mem>>)
    }
    %while3A_203 = arith.constant 1 : i32
    scf.for %while3A_400 = %while3A_201 to %while3A_197 step %while3A_203  : i32 {
      %add3A_401 = arith.addi %squeeze3A_163, %while3A_400 : i32
      %get3A_402 = arith.index_cast %add3A_401 : i32 to index
      %get3A_403 = tpu.vector_load %arg6[%get3A_402] {strides = array<i32>} : memref<224xi32, #tpu.memory_space<vmem>>, vector<16xi32>,
      %get3A_404 = vector.shape_cast %get3A_403 : vector<16xi32> to vector<16xi32>
      %slice3A_405 = vector.extract_strided_slice %get3A_404 {offsets = [0], sizes = [1], strides = [1]} : vector<16xi32> to vector<1xi32>
      %squeeze3A_406 = vector.extract %slice3A_405[0] : i32 from vector<1xi32>
      %mul3A_407 = arith.constant 4 : i32
      %mul3A_408 = arith.muli %squeeze3A_406, %mul3A_407 : i32
      %add3A_409 = arith.addi %add3A_38, %mul3A_408 : i32
      %dma_start3A_410 = arith.constant 0 : i32
      %dma_start3A_411 = arith.constant 0 : i32
      %dma_start3A_412 = tpu.memref_slice %arg5[%add3A_409, %dma_start3A_410, %dma_start3A_411] : memref<6272x16x384xf32, #tpu.memory_space<hbm>> -> memref<1x16x384xf32, #tpu.memory_space<hbm>>
      %dma_start3A_413 = arith.constant 0 : i32
      %dma_start3A_414 = arith.constant 0 : i32
      %dma_start3A_415 = tpu.memref_slice %arg5[%add3A_409, %dma_start3A_413, %dma_start3A_414] : memref<6272x16x384xf32, #tpu.memory_space<hbm>> -> memref<1x16x384xf32, #tpu.memory_space<hbm>>
      tpu.enqueue_dma source(%arg10 : memref<1x16x384xf32, #tpu.memory_space<vmem>>) target(%dma_start3A_415 : memref<1x16x384xf32, #tpu.memory_space<hbm>>) target_semaphore(%arg24 : memref<!tpu.dma_semaphore, #tpu.memory_space<semaphore_mem>>)
    }
    %get3A_204 = arith.constant 45 : index
    %get3A_205 = tpu.vector_load %arg7[%get3A_204] {strides = array<i32>} : memref<80xi32, #tpu.memory_space<vmem>>, vector<16xi32>,
    %get3A_206 = vector.shape_cast %get3A_205 : vector<16xi32> to vector<16xi32>
    %slice3A_207 = vector.extract_strided_slice %get3A_206 {offsets = [0], sizes = [1], strides = [1]} : vector<16xi32> to vector<1xi32>
    %squeeze3A_208 = vector.extract %slice3A_207[0] : i32 from vector<1xi32>
    %get3A_209 = arith.constant 46 : index
    %get3A_210 = tpu.vector_load %arg7[%get3A_209] {strides = array<i32>} : memref<80xi32, #tpu.memory_space<vmem>>, vector<16xi32>,
    %get3A_211 = vector.shape_cast %get3A_210 : vector<16xi32> to vector<16xi32>
    %slice3A_212 = vector.extract_strided_slice %get3A_211 {offsets = [0], sizes = [1], strides = [1]} : vector<16xi32> to vector<1xi32>
    %squeeze3A_213 = vector.extract %slice3A_212[0] : i32 from vector<1xi32>
    %sub3A_214 = arith.subi %squeeze3A_213, %squeeze3A_208 : i32
    %dma_wait3A_215 = arith.constant 0 : i32
    %dma_wait3A_216 = arith.constant 0 : i32
    %dma_wait3A_217 = tpu.memref_slice %arg4[%add3A_33, %dma_wait3A_215, %dma_wait3A_216] : memref<1568x16x384xf32, #tpu.memory_space<hbm>> -> memref<1x16x384xf32, #tpu.memory_space<hbm>>
    %dma_wait3A_218 = arith.constant 0 : i32
    %dma_wait3A_219 = arith.constant 0 : i32
    %dma_wait3A_220 = tpu.memref_slice %arg4[%add3A_33, %dma_wait3A_218, %dma_wait3A_219] : memref<1568x16x384xf32, #tpu.memory_space<hbm>> -> memref<1x16x384xf32, #tpu.memory_space<hbm>>
    tpu.wait_dma2 semaphore(%arg18 : memref<!tpu.dma_semaphore, #tpu.memory_space<semaphore_mem>>) src(%dma_wait3A_220 : memref<1x16x384xf32, #tpu.memory_space<hbm>>) dst(%arg11 : memref<1x16x384xf32, #tpu.memory_space<vmem>>)
    %while3A_221 = arith.constant 0 : i32
    %while3A_222 = arith.constant 0 : i32
    %while3A_223 = arith.subi %scan3A_72#6, %while3A_222 : i32
    %while3A_224 = arith.addi %while3A_222, %while3A_223 : i32
    %while3A_225 = arith.constant 1 : i32
    %while3A_226 = arith.divsi %while3A_223, %while3A_225 : i32
    %while3A_227 = arith.muli %while3A_226, %while3A_225 : i32
    %while3A_228 = arith.addi %while3A_222, %while3A_227 : i32
    %while3A_229 = arith.constant 1 : i32
    scf.for %while3A_400 = %while3A_222 to %while3A_228 step %while3A_229  : i32 {
      %dma_wait3A_401 = arith.constant 0 : i32
      %dma_wait3A_402 = arith.constant 0 : i32
      %dma_wait3A_403 = arith.constant 0 : i32
      %dma_wait3A_404 = tpu.memref_slice %arg5[%dma_wait3A_401, %dma_wait3A_402, %dma_wait3A_403] : memref<6272x16x384xf32, #tpu.memory_space<hbm>> -> memref<1x16x384xf32, #tpu.memory_space<hbm>>
      %dma_wait3A_405 = arith.constant 0 : i32
      %dma_wait3A_406 = arith.constant 0 : i32
      %dma_wait3A_407 = arith.constant 0 : i32
      %dma_wait3A_408 = tpu.memref_slice %arg5[%dma_wait3A_405, %dma_wait3A_406, %dma_wait3A_407] : memref<6272x16x384xf32, #tpu.memory_space<hbm>> -> memref<1x16x384xf32, #tpu.memory_space<hbm>>
      tpu.wait_dma2 semaphore(%arg28 : memref<!tpu.dma_semaphore, #tpu.memory_space<semaphore_mem>>) src(%arg14 : memref<1x16x384xf32, #tpu.memory_space<vmem>>) dst(%dma_wait3A_408 : memref<1x16x384xf32, #tpu.memory_space<hbm>>)
    }
    %while3A_230 = arith.constant 1 : i32
    scf.for %while3A_400 = %while3A_228 to %while3A_224 step %while3A_230  : i32 {
      %dma_wait3A_401 = arith.constant 0 : i32
      %dma_wait3A_402 = arith.constant 0 : i32
      %dma_wait3A_403 = arith.constant 0 : i32
      %dma_wait3A_404 = tpu.memref_slice %arg5[%dma_wait3A_401, %dma_wait3A_402, %dma_wait3A_403] : memref<6272x16x384xf32, #tpu.memory_space<hbm>> -> memref<1x16x384xf32, #tpu.memory_space<hbm>>
      %dma_wait3A_405 = arith.constant 0 : i32
      %dma_wait3A_406 = arith.constant 0 : i32
      %dma_wait3A_407 = arith.constant 0 : i32
      %dma_wait3A_408 = tpu.memref_slice %arg5[%dma_wait3A_405, %dma_wait3A_406, %dma_wait3A_407] : memref<6272x16x384xf32, #tpu.memory_space<hbm>> -> memref<1x16x384xf32, #tpu.memory_space<hbm>>
      tpu.wait_dma2 semaphore(%arg28 : memref<!tpu.dma_semaphore, #tpu.memory_space<semaphore_mem>>) src(%arg14 : memref<1x16x384xf32, #tpu.memory_space<vmem>>) dst(%dma_wait3A_408 : memref<1x16x384xf32, #tpu.memory_space<hbm>>)
    }
    %add3A_231 = arith.constant 192 : i32
    %add3A_232 = arith.addi %add3A_33, %add3A_231 : i32
    %dma_start3A_233 = arith.constant 0 : i32
    %dma_start3A_234 = arith.constant 0 : i32
    %dma_start3A_235 = tpu.memref_slice %arg4[%add3A_232, %dma_start3A_233, %dma_start3A_234] : memref<1568x16x384xf32, #tpu.memory_space<hbm>> -> memref<1x16x384xf32, #tpu.memory_space<hbm>>
    %dma_start3A_236 = arith.constant 0 : i32
    %dma_start3A_237 = arith.constant 0 : i32
    %dma_start3A_238 = tpu.memref_slice %arg4[%add3A_232, %dma_start3A_236, %dma_start3A_237] : memref<1568x16x384xf32, #tpu.memory_space<hbm>> -> memref<1x16x384xf32, #tpu.memory_space<hbm>>
    tpu.enqueue_dma source(%dma_start3A_238 : memref<1x16x384xf32, #tpu.memory_space<hbm>>) target(%arg14 : memref<1x16x384xf32, #tpu.memory_space<vmem>>) target_semaphore(%arg21 : memref<!tpu.dma_semaphore, #tpu.memory_space<semaphore_mem>>)
    %while3A_239 = arith.constant 0 : i32
    %while3A_240 = arith.constant 0 : i32
    %while3A_241 = arith.subi %sub3A_214, %while3A_240 : i32
    %while3A_242 = arith.addi %while3A_240, %while3A_241 : i32
    %while3A_243 = arith.constant 1 : i32
    %while3A_244 = arith.divsi %while3A_241, %while3A_243 : i32
    %while3A_245 = arith.muli %while3A_244, %while3A_243 : i32
    %while3A_246 = arith.addi %while3A_240, %while3A_245 : i32
    %while3A_247 = arith.constant 1 : i32
    scf.for %while3A_400 = %while3A_240 to %while3A_246 step %while3A_247  : i32 {
      %add3A_401 = arith.addi %squeeze3A_208, %while3A_400 : i32
      %get3A_402 = arith.index_cast %add3A_401 : i32 to index
      %get3A_403 = tpu.vector_load %arg6[%get3A_402] {strides = array<i32>} : memref<224xi32, #tpu.memory_space<vmem>>, vector<16xi32>,
      %get3A_404 = vector.shape_cast %get3A_403 : vector<16xi32> to vector<16xi32>
      %slice3A_405 = vector.extract_strided_slice %get3A_404 {offsets = [0], sizes = [1], strides = [1]} : vector<16xi32> to vector<1xi32>
      %squeeze3A_406 = vector.extract %slice3A_405[0] : i32 from vector<1xi32>
      %mul3A_407 = arith.constant 4 : i32
      %mul3A_408 = arith.muli %squeeze3A_406, %mul3A_407 : i32
      %add3A_409 = arith.addi %add3A_38, %mul3A_408 : i32
      %dma_start3A_410 = arith.constant 0 : i32
      %dma_start3A_411 = arith.constant 0 : i32
      %dma_start3A_412 = tpu.memref_slice %arg5[%add3A_409, %dma_start3A_410, %dma_start3A_411] : memref<6272x16x384xf32, #tpu.memory_space<hbm>> -> memref<1x16x384xf32, #tpu.memory_space<hbm>>
      %dma_start3A_413 = arith.constant 0 : i32
      %dma_start3A_414 = arith.constant 0 : i32
      %dma_start3A_415 = tpu.memref_slice %arg5[%add3A_409, %dma_start3A_413, %dma_start3A_414] : memref<6272x16x384xf32, #tpu.memory_space<hbm>> -> memref<1x16x384xf32, #tpu.memory_space<hbm>>
      tpu.enqueue_dma source(%arg11 : memref<1x16x384xf32, #tpu.memory_space<vmem>>) target(%dma_start3A_415 : memref<1x16x384xf32, #tpu.memory_space<hbm>>) target_semaphore(%arg25 : memref<!tpu.dma_semaphore, #tpu.memory_space<semaphore_mem>>)
    }
    %while3A_248 = arith.constant 1 : i32
    scf.for %while3A_400 = %while3A_246 to %while3A_242 step %while3A_248  : i32 {
      %add3A_401 = arith.addi %squeeze3A_208, %while3A_400 : i32
      %get3A_402 = arith.index_cast %add3A_401 : i32 to index
      %get3A_403 = tpu.vector_load %arg6[%get3A_402] {strides = array<i32>} : memref<224xi32, #tpu.memory_space<vmem>>, vector<16xi32>,
      %get3A_404 = vector.shape_cast %get3A_403 : vector<16xi32> to vector<16xi32>
      %slice3A_405 = vector.extract_strided_slice %get3A_404 {offsets = [0], sizes = [1], strides = [1]} : vector<16xi32> to vector<1xi32>
      %squeeze3A_406 = vector.extract %slice3A_405[0] : i32 from vector<1xi32>
      %mul3A_407 = arith.constant 4 : i32
      %mul3A_408 = arith.muli %squeeze3A_406, %mul3A_407 : i32
      %add3A_409 = arith.addi %add3A_38, %mul3A_408 : i32
      %dma_start3A_410 = arith.constant 0 : i32
      %dma_start3A_411 = arith.constant 0 : i32
      %dma_start3A_412 = tpu.memref_slice %arg5[%add3A_409, %dma_start3A_410, %dma_start3A_411] : memref<6272x16x384xf32, #tpu.memory_space<hbm>> -> memref<1x16x384xf32, #tpu.memory_space<hbm>>
      %dma_start3A_413 = arith.constant 0 : i32
      %dma_start3A_414 = arith.constant 0 : i32
      %dma_start3A_415 = tpu.memref_slice %arg5[%add3A_409, %dma_start3A_413, %dma_start3A_414] : memref<6272x16x384xf32, #tpu.memory_space<hbm>> -> memref<1x16x384xf32, #tpu.memory_space<hbm>>
      tpu.enqueue_dma source(%arg11 : memref<1x16x384xf32, #tpu.memory_space<vmem>>) target(%dma_start3A_415 : memref<1x16x384xf32, #tpu.memory_space<hbm>>) target_semaphore(%arg25 : memref<!tpu.dma_semaphore, #tpu.memory_space<semaphore_mem>>)
    }
    %get3A_249 = arith.constant 46 : index
    %get3A_250 = tpu.vector_load %arg7[%get3A_249] {strides = array<i32>} : memref<80xi32, #tpu.memory_space<vmem>>, vector<16xi32>,
    %get3A_251 = vector.shape_cast %get3A_250 : vector<16xi32> to vector<16xi32>
    %slice3A_252 = vector.extract_strided_slice %get3A_251 {offsets = [0], sizes = [1], strides = [1]} : vector<16xi32> to vector<1xi32>
    %squeeze3A_253 = vector.extract %slice3A_252[0] : i32 from vector<1xi32>
    %get3A_254 = arith.constant 47 : index
    %get3A_255 = tpu.vector_load %arg7[%get3A_254] {strides = array<i32>} : memref<80xi32, #tpu.memory_space<vmem>>, vector<16xi32>,
    %get3A_256 = vector.shape_cast %get3A_255 : vector<16xi32> to vector<16xi32>
    %slice3A_257 = vector.extract_strided_slice %get3A_256 {offsets = [0], sizes = [1], strides = [1]} : vector<16xi32> to vector<1xi32>
    %squeeze3A_258 = vector.extract %slice3A_257[0] : i32 from vector<1xi32>
    %sub3A_259 = arith.subi %squeeze3A_258, %squeeze3A_253 : i32
    %dma_wait3A_260 = arith.constant 0 : i32
    %dma_wait3A_261 = arith.constant 0 : i32
    %dma_wait3A_262 = tpu.memref_slice %arg4[%add3A_33, %dma_wait3A_260, %dma_wait3A_261] : memref<1568x16x384xf32, #tpu.memory_space<hbm>> -> memref<1x16x384xf32, #tpu.memory_space<hbm>>
    %dma_wait3A_263 = arith.constant 0 : i32
    %dma_wait3A_264 = arith.constant 0 : i32
    %dma_wait3A_265 = tpu.memref_slice %arg4[%add3A_33, %dma_wait3A_263, %dma_wait3A_264] : memref<1568x16x384xf32, #tpu.memory_space<hbm>> -> memref<1x16x384xf32, #tpu.memory_space<hbm>>
    tpu.wait_dma2 semaphore(%arg19 : memref<!tpu.dma_semaphore, #tpu.memory_space<semaphore_mem>>) src(%dma_wait3A_265 : memref<1x16x384xf32, #tpu.memory_space<hbm>>) dst(%arg12 : memref<1x16x384xf32, #tpu.memory_space<vmem>>)
    %while3A_266 = arith.constant 0 : i32
    %while3A_267 = arith.constant 0 : i32
    %while3A_268 = arith.subi %sub3A_259, %while3A_267 : i32
    %while3A_269 = arith.addi %while3A_267, %while3A_268 : i32
    %while3A_270 = arith.constant 1 : i32
    %while3A_271 = arith.divsi %while3A_268, %while3A_270 : i32
    %while3A_272 = arith.muli %while3A_271, %while3A_270 : i32
    %while3A_273 = arith.addi %while3A_267, %while3A_272 : i32
    %while3A_274 = arith.constant 1 : i32
    scf.for %while3A_400 = %while3A_267 to %while3A_273 step %while3A_274  : i32 {
      %add3A_401 = arith.addi %squeeze3A_253, %while3A_400 : i32
      %get3A_402 = arith.index_cast %add3A_401 : i32 to index
      %get3A_403 = tpu.vector_load %arg6[%get3A_402] {strides = array<i32>} : memref<224xi32, #tpu.memory_space<vmem>>, vector<16xi32>,
      %get3A_404 = vector.shape_cast %get3A_403 : vector<16xi32> to vector<16xi32>
      %slice3A_405 = vector.extract_strided_slice %get3A_404 {offsets = [0], sizes = [1], strides = [1]} : vector<16xi32> to vector<1xi32>
      %squeeze3A_406 = vector.extract %slice3A_405[0] : i32 from vector<1xi32>
      %mul3A_407 = arith.constant 4 : i32
      %mul3A_408 = arith.muli %squeeze3A_406, %mul3A_407 : i32
      %add3A_409 = arith.addi %add3A_38, %mul3A_408 : i32
      %dma_start3A_410 = arith.constant 0 : i32
      %dma_start3A_411 = arith.constant 0 : i32
      %dma_start3A_412 = tpu.memref_slice %arg5[%add3A_409, %dma_start3A_410, %dma_start3A_411] : memref<6272x16x384xf32, #tpu.memory_space<hbm>> -> memref<1x16x384xf32, #tpu.memory_space<hbm>>
      %dma_start3A_413 = arith.constant 0 : i32
      %dma_start3A_414 = arith.constant 0 : i32
      %dma_start3A_415 = tpu.memref_slice %arg5[%add3A_409, %dma_start3A_413, %dma_start3A_414] : memref<6272x16x384xf32, #tpu.memory_space<hbm>> -> memref<1x16x384xf32, #tpu.memory_space<hbm>>
      tpu.enqueue_dma source(%arg12 : memref<1x16x384xf32, #tpu.memory_space<vmem>>) target(%dma_start3A_415 : memref<1x16x384xf32, #tpu.memory_space<hbm>>) target_semaphore(%arg26 : memref<!tpu.dma_semaphore, #tpu.memory_space<semaphore_mem>>)
    }
    %while3A_275 = arith.constant 1 : i32
    scf.for %while3A_400 = %while3A_273 to %while3A_269 step %while3A_275  : i32 {
      %add3A_401 = arith.addi %squeeze3A_253, %while3A_400 : i32
      %get3A_402 = arith.index_cast %add3A_401 : i32 to index
      %get3A_403 = tpu.vector_load %arg6[%get3A_402] {strides = array<i32>} : memref<224xi32, #tpu.memory_space<vmem>>, vector<16xi32>,
      %get3A_404 = vector.shape_cast %get3A_403 : vector<16xi32> to vector<16xi32>
      %slice3A_405 = vector.extract_strided_slice %get3A_404 {offsets = [0], sizes = [1], strides = [1]} : vector<16xi32> to vector<1xi32>
      %squeeze3A_406 = vector.extract %slice3A_405[0] : i32 from vector<1xi32>
      %mul3A_407 = arith.constant 4 : i32
      %mul3A_408 = arith.muli %squeeze3A_406, %mul3A_407 : i32
      %add3A_409 = arith.addi %add3A_38, %mul3A_408 : i32
      %dma_start3A_410 = arith.constant 0 : i32
      %dma_start3A_411 = arith.constant 0 : i32
      %dma_start3A_412 = tpu.memref_slice %arg5[%add3A_409, %dma_start3A_410, %dma_start3A_411] : memref<6272x16x384xf32, #tpu.memory_space<hbm>> -> memref<1x16x384xf32, #tpu.memory_space<hbm>>
      %dma_start3A_413 = arith.constant 0 : i32
      %dma_start3A_414 = arith.constant 0 : i32
      %dma_start3A_415 = tpu.memref_slice %arg5[%add3A_409, %dma_start3A_413, %dma_start3A_414] : memref<6272x16x384xf32, #tpu.memory_space<hbm>> -> memref<1x16x384xf32, #tpu.memory_space<hbm>>
      tpu.enqueue_dma source(%arg12 : memref<1x16x384xf32, #tpu.memory_space<vmem>>) target(%dma_start3A_415 : memref<1x16x384xf32, #tpu.memory_space<hbm>>) target_semaphore(%arg26 : memref<!tpu.dma_semaphore, #tpu.memory_space<semaphore_mem>>)
    }
    %get3A_276 = arith.constant 47 : index
    %get3A_277 = tpu.vector_load %arg7[%get3A_276] {strides = array<i32>} : memref<80xi32, #tpu.memory_space<vmem>>, vector<16xi32>,
    %get3A_278 = vector.shape_cast %get3A_277 : vector<16xi32> to vector<16xi32>
    %slice3A_279 = vector.extract_strided_slice %get3A_278 {offsets = [0], sizes = [1], strides = [1]} : vector<16xi32> to vector<1xi32>
    %squeeze3A_280 = vector.extract %slice3A_279[0] : i32 from vector<1xi32>
    %get3A_281 = arith.constant 48 : index
    %get3A_282 = tpu.vector_load %arg7[%get3A_281] {strides = array<i32>} : memref<80xi32, #tpu.memory_space<vmem>>, vector<16xi32>,
    %get3A_283 = vector.shape_cast %get3A_282 : vector<16xi32> to vector<16xi32>
    %slice3A_284 = vector.extract_strided_slice %get3A_283 {offsets = [0], sizes = [1], strides = [1]} : vector<16xi32> to vector<1xi32>
    %squeeze3A_285 = vector.extract %slice3A_284[0] : i32 from vector<1xi32>
    %sub3A_286 = arith.subi %squeeze3A_285, %squeeze3A_280 : i32
    %dma_wait3A_287 = arith.constant 0 : i32
    %dma_wait3A_288 = arith.constant 0 : i32
    %dma_wait3A_289 = tpu.memref_slice %arg4[%add3A_33, %dma_wait3A_287, %dma_wait3A_288] : memref<1568x16x384xf32, #tpu.memory_space<hbm>> -> memref<1x16x384xf32, #tpu.memory_space<hbm>>
    %dma_wait3A_290 = arith.constant 0 : i32
    %dma_wait3A_291 = arith.constant 0 : i32
    %dma_wait3A_292 = tpu.memref_slice %arg4[%add3A_33, %dma_wait3A_290, %dma_wait3A_291] : memref<1568x16x384xf32, #tpu.memory_space<hbm>> -> memref<1x16x384xf32, #tpu.memory_space<hbm>>
    tpu.wait_dma2 semaphore(%arg20 : memref<!tpu.dma_semaphore, #tpu.memory_space<semaphore_mem>>) src(%dma_wait3A_292 : memref<1x16x384xf32, #tpu.memory_space<hbm>>) dst(%arg13 : memref<1x16x384xf32, #tpu.memory_space<vmem>>)
    %while3A_293 = arith.constant 0 : i32
    %while3A_294 = arith.constant 0 : i32
    %while3A_295 = arith.subi %sub3A_286, %while3A_294 : i32
    %while3A_296 = arith.addi %while3A_294, %while3A_295 : i32
    %while3A_297 = arith.constant 1 : i32
    %while3A_298 = arith.divsi %while3A_295, %while3A_297 : i32
    %while3A_299 = arith.muli %while3A_298, %while3A_297 : i32
    %while3A_300 = arith.addi %while3A_294, %while3A_299 : i32
    %while3A_301 = arith.constant 1 : i32
    scf.for %while3A_400 = %while3A_294 to %while3A_300 step %while3A_301  : i32 {
      %add3A_401 = arith.addi %squeeze3A_280, %while3A_400 : i32
      %get3A_402 = arith.index_cast %add3A_401 : i32 to index
      %get3A_403 = tpu.vector_load %arg6[%get3A_402] {strides = array<i32>} : memref<224xi32, #tpu.memory_space<vmem>>, vector<16xi32>,
      %get3A_404 = vector.shape_cast %get3A_403 : vector<16xi32> to vector<16xi32>
      %slice3A_405 = vector.extract_strided_slice %get3A_404 {offsets = [0], sizes = [1], strides = [1]} : vector<16xi32> to vector<1xi32>
      %squeeze3A_406 = vector.extract %slice3A_405[0] : i32 from vector<1xi32>
      %mul3A_407 = arith.constant 4 : i32
      %mul3A_408 = arith.muli %squeeze3A_406, %mul3A_407 : i32
      %add3A_409 = arith.addi %add3A_38, %mul3A_408 : i32
      %dma_start3A_410 = arith.constant 0 : i32
      %dma_start3A_411 = arith.constant 0 : i32
      %dma_start3A_412 = tpu.memref_slice %arg5[%add3A_409, %dma_start3A_410, %dma_start3A_411] : memref<6272x16x384xf32, #tpu.memory_space<hbm>> -> memref<1x16x384xf32, #tpu.memory_space<hbm>>
      %dma_start3A_413 = arith.constant 0 : i32
      %dma_start3A_414 = arith.constant 0 : i32
      %dma_start3A_415 = tpu.memref_slice %arg5[%add3A_409, %dma_start3A_413, %dma_start3A_414] : memref<6272x16x384xf32, #tpu.memory_space<hbm>> -> memref<1x16x384xf32, #tpu.memory_space<hbm>>
      tpu.enqueue_dma source(%arg13 : memref<1x16x384xf32, #tpu.memory_space<vmem>>) target(%dma_start3A_415 : memref<1x16x384xf32, #tpu.memory_space<hbm>>) target_semaphore(%arg27 : memref<!tpu.dma_semaphore, #tpu.memory_space<semaphore_mem>>)
    }
    %while3A_302 = arith.constant 1 : i32
    scf.for %while3A_400 = %while3A_300 to %while3A_296 step %while3A_302  : i32 {
      %add3A_401 = arith.addi %squeeze3A_280, %while3A_400 : i32
      %get3A_402 = arith.index_cast %add3A_401 : i32 to index
      %get3A_403 = tpu.vector_load %arg6[%get3A_402] {strides = array<i32>} : memref<224xi32, #tpu.memory_space<vmem>>, vector<16xi32>,
      %get3A_404 = vector.shape_cast %get3A_403 : vector<16xi32> to vector<16xi32>
      %slice3A_405 = vector.extract_strided_slice %get3A_404 {offsets = [0], sizes = [1], strides = [1]} : vector<16xi32> to vector<1xi32>
      %squeeze3A_406 = vector.extract %slice3A_405[0] : i32 from vector<1xi32>
      %mul3A_407 = arith.constant 4 : i32
      %mul3A_408 = arith.muli %squeeze3A_406, %mul3A_407 : i32
      %add3A_409 = arith.addi %add3A_38, %mul3A_408 : i32
      %dma_start3A_410 = arith.constant 0 : i32
      %dma_start3A_411 = arith.constant 0 : i32
      %dma_start3A_412 = tpu.memref_slice %arg5[%add3A_409, %dma_start3A_410, %dma_start3A_411] : memref<6272x16x384xf32, #tpu.memory_space<hbm>> -> memref<1x16x384xf32, #tpu.memory_space<hbm>>
      %dma_start3A_413 = arith.constant 0 : i32
      %dma_start3A_414 = arith.constant 0 : i32
      %dma_start3A_415 = tpu.memref_slice %arg5[%add3A_409, %dma_start3A_413, %dma_start3A_414] : memref<6272x16x384xf32, #tpu.memory_space<hbm>> -> memref<1x16x384xf32, #tpu.memory_space<hbm>>
      tpu.enqueue_dma source(%arg13 : memref<1x16x384xf32, #tpu.memory_space<vmem>>) target(%dma_start3A_415 : memref<1x16x384xf32, #tpu.memory_space<hbm>>) target_semaphore(%arg27 : memref<!tpu.dma_semaphore, #tpu.memory_space<semaphore_mem>>)
    }
    %get3A_303 = arith.constant 48 : index
    %get3A_304 = tpu.vector_load %arg7[%get3A_303] {strides = array<i32>} : memref<80xi32, #tpu.memory_space<vmem>>, vector<16xi32>,
    %get3A_305 = vector.shape_cast %get3A_304 : vector<16xi32> to vector<16xi32>
    %slice3A_306 = vector.extract_strided_slice %get3A_305 {offsets = [0], sizes = [1], strides = [1]} : vector<16xi32> to vector<1xi32>
    %squeeze3A_307 = vector.extract %slice3A_306[0] : i32 from vector<1xi32>
    %get3A_308 = arith.constant 49 : index
    %get3A_309 = tpu.vector_load %arg7[%get3A_308] {strides = array<i32>} : memref<80xi32, #tpu.memory_space<vmem>>, vector<16xi32>,
    %get3A_310 = vector.shape_cast %get3A_309 : vector<16xi32> to vector<16xi32>
    %slice3A_311 = vector.extract_strided_slice %get3A_310 {offsets = [0], sizes = [1], strides = [1]} : vector<16xi32> to vector<1xi32>
    %squeeze3A_312 = vector.extract %slice3A_311[0] : i32 from vector<1xi32>
    %sub3A_313 = arith.subi %squeeze3A_312, %squeeze3A_307 : i32
    %dma_wait3A_314 = arith.constant 0 : i32
    %dma_wait3A_315 = arith.constant 0 : i32
    %dma_wait3A_316 = tpu.memref_slice %arg4[%add3A_33, %dma_wait3A_314, %dma_wait3A_315] : memref<1568x16x384xf32, #tpu.memory_space<hbm>> -> memref<1x16x384xf32, #tpu.memory_space<hbm>>
    %dma_wait3A_317 = arith.constant 0 : i32
    %dma_wait3A_318 = arith.constant 0 : i32
    %dma_wait3A_319 = tpu.memref_slice %arg4[%add3A_33, %dma_wait3A_317, %dma_wait3A_318] : memref<1568x16x384xf32, #tpu.memory_space<hbm>> -> memref<1x16x384xf32, #tpu.memory_space<hbm>>
    tpu.wait_dma2 semaphore(%arg21 : memref<!tpu.dma_semaphore, #tpu.memory_space<semaphore_mem>>) src(%dma_wait3A_319 : memref<1x16x384xf32, #tpu.memory_space<hbm>>) dst(%arg14 : memref<1x16x384xf32, #tpu.memory_space<vmem>>)
    %while3A_320 = arith.constant 0 : i32
    %while3A_321 = arith.constant 0 : i32
    %while3A_322 = arith.subi %sub3A_313, %while3A_321 : i32
    %while3A_323 = arith.addi %while3A_321, %while3A_322 : i32
    %while3A_324 = arith.constant 1 : i32
    %while3A_325 = arith.divsi %while3A_322, %while3A_324 : i32
    %while3A_326 = arith.muli %while3A_325, %while3A_324 : i32
    %while3A_327 = arith.addi %while3A_321, %while3A_326 : i32
    %while3A_328 = arith.constant 1 : i32
    scf.for %while3A_400 = %while3A_321 to %while3A_327 step %while3A_328  : i32 {
      %add3A_401 = arith.addi %squeeze3A_307, %while3A_400 : i32
      %get3A_402 = arith.index_cast %add3A_401 : i32 to index
      %get3A_403 = tpu.vector_load %arg6[%get3A_402] {strides = array<i32>} : memref<224xi32, #tpu.memory_space<vmem>>, vector<16xi32>,
      %get3A_404 = vector.shape_cast %get3A_403 : vector<16xi32> to vector<16xi32>
      %slice3A_405 = vector.extract_strided_slice %get3A_404 {offsets = [0], sizes = [1], strides = [1]} : vector<16xi32> to vector<1xi32>
      %squeeze3A_406 = vector.extract %slice3A_405[0] : i32 from vector<1xi32>
      %mul3A_407 = arith.constant 4 : i32
      %mul3A_408 = arith.muli %squeeze3A_406, %mul3A_407 : i32
      %add3A_409 = arith.addi %add3A_38, %mul3A_408 : i32
      %dma_start3A_410 = arith.constant 0 : i32
      %dma_start3A_411 = arith.constant 0 : i32
      %dma_start3A_412 = tpu.memref_slice %arg5[%add3A_409, %dma_start3A_410, %dma_start3A_411] : memref<6272x16x384xf32, #tpu.memory_space<hbm>> -> memref<1x16x384xf32, #tpu.memory_space<hbm>>
      %dma_start3A_413 = arith.constant 0 : i32
      %dma_start3A_414 = arith.constant 0 : i32
      %dma_start3A_415 = tpu.memref_slice %arg5[%add3A_409, %dma_start3A_413, %dma_start3A_414] : memref<6272x16x384xf32, #tpu.memory_space<hbm>> -> memref<1x16x384xf32, #tpu.memory_space<hbm>>
      tpu.enqueue_dma source(%arg14 : memref<1x16x384xf32, #tpu.memory_space<vmem>>) target(%dma_start3A_415 : memref<1x16x384xf32, #tpu.memory_space<hbm>>) target_semaphore(%arg28 : memref<!tpu.dma_semaphore, #tpu.memory_space<semaphore_mem>>)
    }
    %while3A_329 = arith.constant 1 : i32
    scf.for %while3A_400 = %while3A_327 to %while3A_323 step %while3A_329  : i32 {
      %add3A_401 = arith.addi %squeeze3A_307, %while3A_400 : i32
      %get3A_402 = arith.index_cast %add3A_401 : i32 to index
      %get3A_403 = tpu.vector_load %arg6[%get3A_402] {strides = array<i32>} : memref<224xi32, #tpu.memory_space<vmem>>, vector<16xi32>,
      %get3A_404 = vector.shape_cast %get3A_403 : vector<16xi32> to vector<16xi32>
      %slice3A_405 = vector.extract_strided_slice %get3A_404 {offsets = [0], sizes = [1], strides = [1]} : vector<16xi32> to vector<1xi32>
      %squeeze3A_406 = vector.extract %slice3A_405[0] : i32 from vector<1xi32>
      %mul3A_407 = arith.constant 4 : i32
      %mul3A_408 = arith.muli %squeeze3A_406, %mul3A_407 : i32
      %add3A_409 = arith.addi %add3A_38, %mul3A_408 : i32
      %dma_start3A_410 = arith.constant 0 : i32
      %dma_start3A_411 = arith.constant 0 : i32
      %dma_start3A_412 = tpu.memref_slice %arg5[%add3A_409, %dma_start3A_410, %dma_start3A_411] : memref<6272x16x384xf32, #tpu.memory_space<hbm>> -> memref<1x16x384xf32, #tpu.memory_space<hbm>>
      %dma_start3A_413 = arith.constant 0 : i32
      %dma_start3A_414 = arith.constant 0 : i32
      %dma_start3A_415 = tpu.memref_slice %arg5[%add3A_409, %dma_start3A_413, %dma_start3A_414] : memref<6272x16x384xf32, #tpu.memory_space<hbm>> -> memref<1x16x384xf32, #tpu.memory_space<hbm>>
      tpu.enqueue_dma source(%arg14 : memref<1x16x384xf32, #tpu.memory_space<vmem>>) target(%dma_start3A_415 : memref<1x16x384xf32, #tpu.memory_space<hbm>>) target_semaphore(%arg28 : memref<!tpu.dma_semaphore, #tpu.memory_space<semaphore_mem>>)
    }
    %while3A_330 = arith.constant 0 : i32
    %while3A_331 = arith.constant 0 : i32
    %while3A_332 = arith.subi %sub3A_81, %while3A_331 : i32
    %while3A_333 = arith.addi %while3A_331, %while3A_332 : i32
    %while3A_334 = arith.constant 1 : i32
    %while3A_335 = arith.divsi %while3A_332, %while3A_334 : i32
    %while3A_336 = arith.muli %while3A_335, %while3A_334 : i32
    %while3A_337 = arith.addi %while3A_331, %while3A_336 : i32
    %while3A_338 = arith.constant 1 : i32
    scf.for %while3A_400 = %while3A_331 to %while3A_337 step %while3A_338  : i32 {
      %dma_wait3A_401 = arith.constant 0 : i32
      %dma_wait3A_402 = arith.constant 0 : i32
      %dma_wait3A_403 = arith.constant 0 : i32
      %dma_wait3A_404 = tpu.memref_slice %arg5[%dma_wait3A_401, %dma_wait3A_402, %dma_wait3A_403] : memref<6272x16x384xf32, #tpu.memory_space<hbm>> -> memref<1x16x384xf32, #tpu.memory_space<hbm>>
      %dma_wait3A_405 = arith.constant 0 : i32
      %dma_wait3A_406 = arith.constant 0 : i32
      %dma_wait3A_407 = arith.constant 0 : i32
      %dma_wait3A_408 = tpu.memref_slice %arg5[%dma_wait3A_405, %dma_wait3A_406, %dma_wait3A_407] : memref<6272x16x384xf32, #tpu.memory_space<hbm>> -> memref<1x16x384xf32, #tpu.memory_space<hbm>>
      tpu.wait_dma2 semaphore(%arg22 : memref<!tpu.dma_semaphore, #tpu.memory_space<semaphore_mem>>) src(%arg8 : memref<1x16x384xf32, #tpu.memory_space<vmem>>) dst(%dma_wait3A_408 : memref<1x16x384xf32, #tpu.memory_space<hbm>>)
    }
    %while3A_339 = arith.constant 1 : i32
    scf.for %while3A_400 = %while3A_337 to %while3A_333 step %while3A_339  : i32 {
      %dma_wait3A_401 = arith.constant 0 : i32
      %dma_wait3A_402 = arith.constant 0 : i32
      %dma_wait3A_403 = arith.constant 0 : i32
      %dma_wait3A_404 = tpu.memref_slice %arg5[%dma_wait3A_401, %dma_wait3A_402, %dma_wait3A_403] : memref<6272x16x384xf32, #tpu.memory_space<hbm>> -> memref<1x16x384xf32, #tpu.memory_space<hbm>>
      %dma_wait3A_405 = arith.constant 0 : i32
      %dma_wait3A_406 = arith.constant 0 : i32
      %dma_wait3A_407 = arith.constant 0 : i32
      %dma_wait3A_408 = tpu.memref_slice %arg5[%dma_wait3A_405, %dma_wait3A_406, %dma_wait3A_407] : memref<6272x16x384xf32, #tpu.memory_space<hbm>> -> memref<1x16x384xf32, #tpu.memory_space<hbm>>
      tpu.wait_dma2 semaphore(%arg22 : memref<!tpu.dma_semaphore, #tpu.memory_space<semaphore_mem>>) src(%arg8 : memref<1x16x384xf32, #tpu.memory_space<vmem>>) dst(%dma_wait3A_408 : memref<1x16x384xf32, #tpu.memory_space<hbm>>)
    }
    %while3A_340 = arith.constant 0 : i32
    %while3A_341 = arith.constant 0 : i32
    %while3A_342 = arith.subi %sub3A_124, %while3A_341 : i32
    %while3A_343 = arith.addi %while3A_341, %while3A_342 : i32
    %while3A_344 = arith.constant 1 : i32
    %while3A_345 = arith.divsi %while3A_342, %while3A_344 : i32
    %while3A_346 = arith.muli %while3A_345, %while3A_344 : i32
    %while3A_347 = arith.addi %while3A_341, %while3A_346 : i32
    %while3A_348 = arith.constant 1 : i32
    scf.for %while3A_400 = %while3A_341 to %while3A_347 step %while3A_348  : i32 {
      %dma_wait3A_401 = arith.constant 0 : i32
      %dma_wait3A_402 = arith.constant 0 : i32
      %dma_wait3A_403 = arith.constant 0 : i32
      %dma_wait3A_404 = tpu.memref_slice %arg5[%dma_wait3A_401, %dma_wait3A_402, %dma_wait3A_403] : memref<6272x16x384xf32, #tpu.memory_space<hbm>> -> memref<1x16x384xf32, #tpu.memory_space<hbm>>
      %dma_wait3A_405 = arith.constant 0 : i32
      %dma_wait3A_406 = arith.constant 0 : i32
      %dma_wait3A_407 = arith.constant 0 : i32
      %dma_wait3A_408 = tpu.memref_slice %arg5[%dma_wait3A_405, %dma_wait3A_406, %dma_wait3A_407] : memref<6272x16x384xf32, #tpu.memory_space<hbm>> -> memref<1x16x384xf32, #tpu.memory_space<hbm>>
      tpu.wait_dma2 semaphore(%arg23 : memref<!tpu.dma_semaphore, #tpu.memory_space<semaphore_mem>>) src(%arg9 : memref<1x16x384xf32, #tpu.memory_space<vmem>>) dst(%dma_wait3A_408 : memref<1x16x384xf32, #tpu.memory_space<hbm>>)
    }
    %while3A_349 = arith.constant 1 : i32
    scf.for %while3A_400 = %while3A_347 to %while3A_343 step %while3A_349  : i32 {
      %dma_wait3A_401 = arith.constant 0 : i32
      %dma_wait3A_402 = arith.constant 0 : i32
      %dma_wait3A_403 = arith.constant 0 : i32
      %dma_wait3A_404 = tpu.memref_slice %arg5[%dma_wait3A_401, %dma_wait3A_402, %dma_wait3A_403] : memref<6272x16x384xf32, #tpu.memory_space<hbm>> -> memref<1x16x384xf32, #tpu.memory_space<hbm>>
      %dma_wait3A_405 = arith.constant 0 : i32
      %dma_wait3A_406 = arith.constant 0 : i32
      %dma_wait3A_407 = arith.constant 0 : i32
      %dma_wait3A_408 = tpu.memref_slice %arg5[%dma_wait3A_405, %dma_wait3A_406, %dma_wait3A_407] : memref<6272x16x384xf32, #tpu.memory_space<hbm>> -> memref<1x16x384xf32, #tpu.memory_space<hbm>>
      tpu.wait_dma2 semaphore(%arg23 : memref<!tpu.dma_semaphore, #tpu.memory_space<semaphore_mem>>) src(%arg9 : memref<1x16x384xf32, #tpu.memory_space<vmem>>) dst(%dma_wait3A_408 : memref<1x16x384xf32, #tpu.memory_space<hbm>>)
    }
    %while3A_350 = arith.constant 0 : i32
    %while3A_351 = arith.constant 0 : i32
    %while3A_352 = arith.subi %sub3A_169, %while3A_351 : i32
    %while3A_353 = arith.addi %while3A_351, %while3A_352 : i32
    %while3A_354 = arith.constant 1 : i32
    %while3A_355 = arith.divsi %while3A_352, %while3A_354 : i32
    %while3A_356 = arith.muli %while3A_355, %while3A_354 : i32
    %while3A_357 = arith.addi %while3A_351, %while3A_356 : i32
    %while3A_358 = arith.constant 1 : i32
    scf.for %while3A_400 = %while3A_351 to %while3A_357 step %while3A_358  : i32 {
      %dma_wait3A_401 = arith.constant 0 : i32
      %dma_wait3A_402 = arith.constant 0 : i32
      %dma_wait3A_403 = arith.constant 0 : i32
      %dma_wait3A_404 = tpu.memref_slice %arg5[%dma_wait3A_401, %dma_wait3A_402, %dma_wait3A_403] : memref<6272x16x384xf32, #tpu.memory_space<hbm>> -> memref<1x16x384xf32, #tpu.memory_space<hbm>>
      %dma_wait3A_405 = arith.constant 0 : i32
      %dma_wait3A_406 = arith.constant 0 : i32
      %dma_wait3A_407 = arith.constant 0 : i32
      %dma_wait3A_408 = tpu.memref_slice %arg5[%dma_wait3A_405, %dma_wait3A_406, %dma_wait3A_407] : memref<6272x16x384xf32, #tpu.memory_space<hbm>> -> memref<1x16x384xf32, #tpu.memory_space<hbm>>
      tpu.wait_dma2 semaphore(%arg24 : memref<!tpu.dma_semaphore, #tpu.memory_space<semaphore_mem>>) src(%arg10 : memref<1x16x384xf32, #tpu.memory_space<vmem>>) dst(%dma_wait3A_408 : memref<1x16x384xf32, #tpu.memory_space<hbm>>)
    }
    %while3A_359 = arith.constant 1 : i32
    scf.for %while3A_400 = %while3A_357 to %while3A_353 step %while3A_359  : i32 {
      %dma_wait3A_401 = arith.constant 0 : i32
      %dma_wait3A_402 = arith.constant 0 : i32
      %dma_wait3A_403 = arith.constant 0 : i32
      %dma_wait3A_404 = tpu.memref_slice %arg5[%dma_wait3A_401, %dma_wait3A_402, %dma_wait3A_403] : memref<6272x16x384xf32, #tpu.memory_space<hbm>> -> memref<1x16x384xf32, #tpu.memory_space<hbm>>
      %dma_wait3A_405 = arith.constant 0 : i32
      %dma_wait3A_406 = arith.constant 0 : i32
      %dma_wait3A_407 = arith.constant 0 : i32
      %dma_wait3A_408 = tpu.memref_slice %arg5[%dma_wait3A_405, %dma_wait3A_406, %dma_wait3A_407] : memref<6272x16x384xf32, #tpu.memory_space<hbm>> -> memref<1x16x384xf32, #tpu.memory_space<hbm>>
      tpu.wait_dma2 semaphore(%arg24 : memref<!tpu.dma_semaphore, #tpu.memory_space<semaphore_mem>>) src(%arg10 : memref<1x16x384xf32, #tpu.memory_space<vmem>>) dst(%dma_wait3A_408 : memref<1x16x384xf32, #tpu.memory_space<hbm>>)
    }
    %while3A_360 = arith.constant 0 : i32
    %while3A_361 = arith.constant 0 : i32
    %while3A_362 = arith.subi %sub3A_214, %while3A_361 : i32
    %while3A_363 = arith.addi %while3A_361, %while3A_362 : i32
    %while3A_364 = arith.constant 1 : i32
    %while3A_365 = arith.divsi %while3A_362, %while3A_364 : i32
    %while3A_366 = arith.muli %while3A_365, %while3A_364 : i32
    %while3A_367 = arith.addi %while3A_361, %while3A_366 : i32
    %while3A_368 = arith.constant 1 : i32
    scf.for %while3A_400 = %while3A_361 to %while3A_367 step %while3A_368  : i32 {
      %dma_wait3A_401 = arith.constant 0 : i32
      %dma_wait3A_402 = arith.constant 0 : i32
      %dma_wait3A_403 = arith.constant 0 : i32
      %dma_wait3A_404 = tpu.memref_slice %arg5[%dma_wait3A_401, %dma_wait3A_402, %dma_wait3A_403] : memref<6272x16x384xf32, #tpu.memory_space<hbm>> -> memref<1x16x384xf32, #tpu.memory_space<hbm>>
      %dma_wait3A_405 = arith.constant 0 : i32
      %dma_wait3A_406 = arith.constant 0 : i32
      %dma_wait3A_407 = arith.constant 0 : i32
      %dma_wait3A_408 = tpu.memref_slice %arg5[%dma_wait3A_405, %dma_wait3A_406, %dma_wait3A_407] : memref<6272x16x384xf32, #tpu.memory_space<hbm>> -> memref<1x16x384xf32, #tpu.memory_space<hbm>>
      tpu.wait_dma2 semaphore(%arg25 : memref<!tpu.dma_semaphore, #tpu.memory_space<semaphore_mem>>) src(%arg11 : memref<1x16x384xf32, #tpu.memory_space<vmem>>) dst(%dma_wait3A_408 : memref<1x16x384xf32, #tpu.memory_space<hbm>>)
    }
    %while3A_369 = arith.constant 1 : i32
    scf.for %while3A_400 = %while3A_367 to %while3A_363 step %while3A_369  : i32 {
      %dma_wait3A_401 = arith.constant 0 : i32
      %dma_wait3A_402 = arith.constant 0 : i32
      %dma_wait3A_403 = arith.constant 0 : i32
      %dma_wait3A_404 = tpu.memref_slice %arg5[%dma_wait3A_401, %dma_wait3A_402, %dma_wait3A_403] : memref<6272x16x384xf32, #tpu.memory_space<hbm>> -> memref<1x16x384xf32, #tpu.memory_space<hbm>>
      %dma_wait3A_405 = arith.constant 0 : i32
      %dma_wait3A_406 = arith.constant 0 : i32
      %dma_wait3A_407 = arith.constant 0 : i32
      %dma_wait3A_408 = tpu.memref_slice %arg5[%dma_wait3A_405, %dma_wait3A_406, %dma_wait3A_407] : memref<6272x16x384xf32, #tpu.memory_space<hbm>> -> memref<1x16x384xf32, #tpu.memory_space<hbm>>
      tpu.wait_dma2 semaphore(%arg25 : memref<!tpu.dma_semaphore, #tpu.memory_space<semaphore_mem>>) src(%arg11 : memref<1x16x384xf32, #tpu.memory_space<vmem>>) dst(%dma_wait3A_408 : memref<1x16x384xf32, #tpu.memory_space<hbm>>)
    }
    %while3A_370 = arith.constant 0 : i32
    %while3A_371 = arith.constant 0 : i32
    %while3A_372 = arith.subi %sub3A_259, %while3A_371 : i32
    %while3A_373 = arith.addi %while3A_371, %while3A_372 : i32
    %while3A_374 = arith.constant 1 : i32
    %while3A_375 = arith.divsi %while3A_372, %while3A_374 : i32
    %while3A_376 = arith.muli %while3A_375, %while3A_374 : i32
    %while3A_377 = arith.addi %while3A_371, %while3A_376 : i32
    %while3A_378 = arith.constant 1 : i32
    scf.for %while3A_400 = %while3A_371 to %while3A_377 step %while3A_378  : i32 {
      %dma_wait3A_401 = arith.constant 0 : i32
      %dma_wait3A_402 = arith.constant 0 : i32
      %dma_wait3A_403 = arith.constant 0 : i32
      %dma_wait3A_404 = tpu.memref_slice %arg5[%dma_wait3A_401, %dma_wait3A_402, %dma_wait3A_403] : memref<6272x16x384xf32, #tpu.memory_space<hbm>> -> memref<1x16x384xf32, #tpu.memory_space<hbm>>
      %dma_wait3A_405 = arith.constant 0 : i32
      %dma_wait3A_406 = arith.constant 0 : i32
      %dma_wait3A_407 = arith.constant 0 : i32
      %dma_wait3A_408 = tpu.memref_slice %arg5[%dma_wait3A_405, %dma_wait3A_406, %dma_wait3A_407] : memref<6272x16x384xf32, #tpu.memory_space<hbm>> -> memref<1x16x384xf32, #tpu.memory_space<hbm>>
      tpu.wait_dma2 semaphore(%arg26 : memref<!tpu.dma_semaphore, #tpu.memory_space<semaphore_mem>>) src(%arg12 : memref<1x16x384xf32, #tpu.memory_space<vmem>>) dst(%dma_wait3A_408 : memref<1x16x384xf32, #tpu.memory_space<hbm>>)
    }
    %while3A_379 = arith.constant 1 : i32
    scf.for %while3A_400 = %while3A_377 to %while3A_373 step %while3A_379  : i32 {
      %dma_wait3A_401 = arith.constant 0 : i32
      %dma_wait3A_402 = arith.constant 0 : i32
      %dma_wait3A_403 = arith.constant 0 : i32
      %dma_wait3A_404 = tpu.memref_slice %arg5[%dma_wait3A_401, %dma_wait3A_402, %dma_wait3A_403] : memref<6272x16x384xf32, #tpu.memory_space<hbm>> -> memref<1x16x384xf32, #tpu.memory_space<hbm>>
      %dma_wait3A_405 = arith.constant 0 : i32
      %dma_wait3A_406 = arith.constant 0 : i32
      %dma_wait3A_407 = arith.constant 0 : i32
      %dma_wait3A_408 = tpu.memref_slice %arg5[%dma_wait3A_405, %dma_wait3A_406, %dma_wait3A_407] : memref<6272x16x384xf32, #tpu.memory_space<hbm>> -> memref<1x16x384xf32, #tpu.memory_space<hbm>>
      tpu.wait_dma2 semaphore(%arg26 : memref<!tpu.dma_semaphore, #tpu.memory_space<semaphore_mem>>) src(%arg12 : memref<1x16x384xf32, #tpu.memory_space<vmem>>) dst(%dma_wait3A_408 : memref<1x16x384xf32, #tpu.memory_space<hbm>>)
    }
    %while3A_380 = arith.constant 0 : i32
    %while3A_381 = arith.constant 0 : i32
    %while3A_382 = arith.subi %sub3A_286, %while3A_381 : i32
    %while3A_383 = arith.addi %while3A_381, %while3A_382 : i32
    %while3A_384 = arith.constant 1 : i32
    %while3A_385 = arith.divsi %while3A_382, %while3A_384 : i32
    %while3A_386 = arith.muli %while3A_385, %while3A_384 : i32
    %while3A_387 = arith.addi %while3A_381, %while3A_386 : i32
    %while3A_388 = arith.constant 1 : i32
    scf.for %while3A_400 = %while3A_381 to %while3A_387 step %while3A_388  : i32 {
      %dma_wait3A_401 = arith.constant 0 : i32
      %dma_wait3A_402 = arith.constant 0 : i32
      %dma_wait3A_403 = arith.constant 0 : i32
      %dma_wait3A_404 = tpu.memref_slice %arg5[%dma_wait3A_401, %dma_wait3A_402, %dma_wait3A_403] : memref<6272x16x384xf32, #tpu.memory_space<hbm>> -> memref<1x16x384xf32, #tpu.memory_space<hbm>>
      %dma_wait3A_405 = arith.constant 0 : i32
      %dma_wait3A_406 = arith.constant 0 : i32
      %dma_wait3A_407 = arith.constant 0 : i32
      %dma_wait3A_408 = tpu.memref_slice %arg5[%dma_wait3A_405, %dma_wait3A_406, %dma_wait3A_407] : memref<6272x16x384xf32, #tpu.memory_space<hbm>> -> memref<1x16x384xf32, #tpu.memory_space<hbm>>
      tpu.wait_dma2 semaphore(%arg27 : memref<!tpu.dma_semaphore, #tpu.memory_space<semaphore_mem>>) src(%arg13 : memref<1x16x384xf32, #tpu.memory_space<vmem>>) dst(%dma_wait3A_408 : memref<1x16x384xf32, #tpu.memory_space<hbm>>)
    }
    %while3A_389 = arith.constant 1 : i32
    scf.for %while3A_400 = %while3A_387 to %while3A_383 step %while3A_389  : i32 {
      %dma_wait3A_401 = arith.constant 0 : i32
      %dma_wait3A_402 = arith.constant 0 : i32
      %dma_wait3A_403 = arith.constant 0 : i32
      %dma_wait3A_404 = tpu.memref_slice %arg5[%dma_wait3A_401, %dma_wait3A_402, %dma_wait3A_403] : memref<6272x16x384xf32, #tpu.memory_space<hbm>> -> memref<1x16x384xf32, #tpu.memory_space<hbm>>
      %dma_wait3A_405 = arith.constant 0 : i32
      %dma_wait3A_406 = arith.constant 0 : i32
      %dma_wait3A_407 = arith.constant 0 : i32
      %dma_wait3A_408 = tpu.memref_slice %arg5[%dma_wait3A_405, %dma_wait3A_406, %dma_wait3A_407] : memref<6272x16x384xf32, #tpu.memory_space<hbm>> -> memref<1x16x384xf32, #tpu.memory_space<hbm>>
      tpu.wait_dma2 semaphore(%arg27 : memref<!tpu.dma_semaphore, #tpu.memory_space<semaphore_mem>>) src(%arg13 : memref<1x16x384xf32, #tpu.memory_space<vmem>>) dst(%dma_wait3A_408 : memref<1x16x384xf32, #tpu.memory_space<hbm>>)
    }
    %while3A_390 = arith.constant 0 : i32
    %while3A_391 = arith.constant 0 : i32
    %while3A_392 = arith.subi %sub3A_313, %while3A_391 : i32
    %while3A_393 = arith.addi %while3A_391, %while3A_392 : i32
    %while3A_394 = arith.constant 1 : i32
    %while3A_395 = arith.divsi %while3A_392, %while3A_394 : i32
    %while3A_396 = arith.muli %while3A_395, %while3A_394 : i32
    %while3A_397 = arith.addi %while3A_391, %while3A_396 : i32
    %while3A_398 = arith.constant 1 : i32
    scf.for %while3A_400 = %while3A_391 to %while3A_397 step %while3A_398  : i32 {
      %dma_wait3A_401 = arith.constant 0 : i32
      %dma_wait3A_402 = arith.constant 0 : i32
      %dma_wait3A_403 = arith.constant 0 : i32
      %dma_wait3A_404 = tpu.memref_slice %arg5[%dma_wait3A_401, %dma_wait3A_402, %dma_wait3A_403] : memref<6272x16x384xf32, #tpu.memory_space<hbm>> -> memref<1x16x384xf32, #tpu.memory_space<hbm>>
      %dma_wait3A_405 = arith.constant 0 : i32
      %dma_wait3A_406 = arith.constant 0 : i32
      %dma_wait3A_407 = arith.constant 0 : i32
      %dma_wait3A_408 = tpu.memref_slice %arg5[%dma_wait3A_405, %dma_wait3A_406, %dma_wait3A_407] : memref<6272x16x384xf32, #tpu.memory_space<hbm>> -> memref<1x16x384xf32, #tpu.memory_space<hbm>>
      tpu.wait_dma2 semaphore(%arg28 : memref<!tpu.dma_semaphore, #tpu.memory_space<semaphore_mem>>) src(%arg14 : memref<1x16x384xf32, #tpu.memory_space<vmem>>) dst(%dma_wait3A_408 : memref<1x16x384xf32, #tpu.memory_space<hbm>>)
    }
    %while3A_399 = arith.constant 1 : i32
    scf.for %while3A_400 = %while3A_397 to %while3A_393 step %while3A_399  : i32 {
      %dma_wait3A_401 = arith.constant 0 : i32
      %dma_wait3A_402 = arith.constant 0 : i32
      %dma_wait3A_403 = arith.constant 0 : i32
      %dma_wait3A_404 = tpu.memref_slice %arg5[%dma_wait3A_401, %dma_wait3A_402, %dma_wait3A_403] : memref<6272x16x384xf32, #tpu.memory_space<hbm>> -> memref<1x16x384xf32, #tpu.memory_space<hbm>>
      %dma_wait3A_405 = arith.constant 0 : i32
      %dma_wait3A_406 = arith.constant 0 : i32
      %dma_wait3A_407 = arith.constant 0 : i32
      %dma_wait3A_408 = tpu.memref_slice %arg5[%dma_wait3A_405, %dma_wait3A_406, %dma_wait3A_407] : memref<6272x16x384xf32, #tpu.memory_space<hbm>> -> memref<1x16x384xf32, #tpu.memory_space<hbm>>
      tpu.wait_dma2 semaphore(%arg28 : memref<!tpu.dma_semaphore, #tpu.memory_space<semaphore_mem>>) src(%arg14 : memref<1x16x384xf32, #tpu.memory_space<vmem>>) dst(%dma_wait3A_408 : memref<1x16x384xf32, #tpu.memory_space<hbm>>)
    }
    return
  }
}

</mosaic_0001>

<sc_bundles>
// kernel: kernel.3.cloned.1.call-start
scs
__scs_entry_jumppad:
0x0: {  	(pc) =	sbr.rel $0x88, $3  }
0x1: {  	(tag) =	ssettag $0x0;
	lr =	simm.s32 $0x1  }
0x2: {  	[smem:$0x3F9F] =	sst lr;
	_ =	strace $0xD0000000  }
0x3: {  	_ = 	snop  }
0x4: {  	_ = 	snop  }
0x5: {  	_ = 	snop  }
0x6: {  	_ = 	snop  }
0x7: {  	_ = 	snop  }
__scs_overlays_trampoline_lowered:
0x8: {  	[smem:$0x3FAE] =	sst s0  }
0x9: {  	[smem:$0x3FAF] =	sst s1  }
0xa: {  	[smem:$0x3FB0] =	sst s2  }
0xb: {  	[smem:$0x3FB1] =	sst s3  }
0xc: {  	[smem:$0x3FB2] =	sst s4  }
0xd: {  	[smem:$0x3FB3] =	sst s5  }
0xe: {  	[smem:$0x3FB4] =	sst s6  }
0xf: {  	[smem:$0x3FB5] =	sst s7  }
0x10: {  	[smem:$0x3FB6] =	sst s8  }
0x11: {  	[smem:$0x3FB7] =	sst s9;
	s0 =	simm.s32 @!p0 $0x0  }
0x12: {  	s1 =	sld [smem:$0x3F9D];
	s0 =	simm.s32 @p0 $0x1  }
0x13: {  	[smem:$0x3FB8] =	sst s0;
	s0 =	simm.s32 @!p1 $0x0  }
0x14: {  	s2 =	sld [smem:$0x3F9C];
	s0 =	simm.s32 @p1 $0x1  }
0x15: {  	[smem:$0x3FB9] =	sst s0;
	s0 =	simm.s32 @!p2 $0x0  }
0x16: {  	s3 =	sld [smem:$0x3FDB];
	s0 =	simm.s32 @p2 $0x1  }
0x17: {  	s4 =	simm.s32 $0x1BF5;
	[smem:$0x3FBB] =	sst s0  }
0x18: {  	s0 =	sld [smem:$0x3F9E];
	_ =	swait.ge [sflag:s4], $0x0  }
0x19: {  	s7 =	sld [smem:$0x3F9F]  }
0x1a: {  	s8 =	sadd.s32 $0xFFFFE003, lr  }
0x1b: {  	s9 =	sadd.s32 $0xFFFFFEF7, lr;
	s5 =	simm.s32 $0xFFFFFFFF;
	p2 =	slt.u32 s8, $0xFFFFF086  }
0x1c: {  	p1 =	slt.u32 s9, $0xF7A;
	s5 =	simm.s32 @!p2 $0x0  }
0x1d: {  	s5 =	simm.s32 @p1 $0x1;
	p0 =	seq.s32 s7, s2  }
0x1e: {  	s7 =	smul.u32 @!p0 $0xF7A, s2;
	p2 =	seq.s32 @!p0 s5, $0x0  }
0x1f: {  	s9 =	smul.u32 $0xF7A, s1;
	s8 =	simm.s32 @!p0 $0x1BF5;
	p2 =	por !p2, p0  }
0x20: {  	[sflag:s8] =	ssyncset.s32 @!p0 $0xFFFFF086;
	s6 =	sadd.s32 @!p0 s3, s7;
	s7 =	simm.s32 @!p0 $0x108  }
0x21: {  	s3 =	sadd.s32 s3, s9;
	s6 =	sadd.s32 @!p0 $0x88, s6;
	s7 =	simm.s32 @p2 $0x1082  }
0x22: {  	[simem:s7], [sflag:s8] =	dma.local @!p0 [hbm:s6], $0xF7A  }
0x23: {  	s9 =	sor.u32 $0xD0000000, s2;
	s6 =	simm.s32 $0x108;
	_ =	swait.ge @!p0 [sflag:s8], $0x0  }
0x24: {  	s3 =	sadd.s32 $0x88, s3;
	s6 =	simm.s32 @!p1 $0x1082;
	[sflag:s4] =	ssyncset.s32 $0xFFFFF086  }
0x25: {  	[simem:s6], [sflag:s4] =	dma.local [hbm:s3], $0xF7A  }
0x26: {  	[smem:$0x3F9F] =	sst s1;
	(tag) =	ssettag s2;
	_ =	strace s9  }
0x27: {  	s1 =	sld [smem:$0x3FAF]  }
0x28: {  	s2 =	sld [smem:$0x3FB0]  }
0x29: {  	s4 =	sld [smem:$0x3FB2]  }
0x2a: {  	p0 =	seq.s32 s5, $0x0;
	s5 =	sld [smem:$0x3FB3]  }
0x2b: {  	s6 =	sld [smem:$0x3FB4]  }
0x2c: {  	s7 =	sld [smem:$0x3FB5]  }
0x2d: {  	s3 =	simm.s32 $0x108;
	s8 =	sld [smem:$0x3FB6]  }
0x2e: {  	s3 =	simm.s32 @!p0 $0x1082;
	s9 =	sld [smem:$0x3FB7]  }
0x2f: {  	lr =	sadd.s32 s0, s3;
	s0 =	sld [smem:$0x3FAE]  }
0x30: {  	s3 =	sld [smem:$0x3FB1]  }
0x31: {  	[smem:$0x3FBA] =	sst s10  }
0x32: {  	s10 =	sld [smem:$0x3FB8];
	_ =	sdelay $0x3  }
0x33: {  	p0 =	seq.s32 s10, $0x1;
	s10 =	sld [smem:$0x3FBA];
	_ =	sdelay $0x3  }
0x34: {  	[smem:$0x3FBA] =	sst s10  }
0x35: {  	s10 =	sld [smem:$0x3FB9];
	_ =	sdelay $0x3  }
0x36: {  	p1 =	seq.s32 s10, $0x1;
	s10 =	sld [smem:$0x3FBA];
	_ =	sdelay $0x3  }
0x37: {  	[smem:$0x3FBA] =	sst s10  }
0x38: {  	s10 =	sld [smem:$0x3FBB]  }
0x39: {  	_ = 	snop;
	(pc) =	sbr.ind lr, $3  }
0x3a: {  	_ = 	snop  }
0x3b: {  	_ = 	snop  }
0x3c: {  	p2 =	seq.s32 s10, $0x1;
	s10 =	sld [smem:$0x3FBA]  }
0x3d: {  	_ =	shalt  }
0x3e: {  	_ =	shalt  }
0x3f: {  	_ =	shalt  }
0x40: {  	_ =	shalt  }
0x41: {  	_ =	shalt  }
0x42: {  	_ =	shalt  }
0x43: {  	_ =	shalt  }
0x44: {  	_ =	shalt  }
0x45: {  	_ =	shalt  }
0x46: {  	_ =	shalt  }
0x47: {  	_ =	shalt  }
0x48: {  	_ =	shalt  }
0x49: {  	_ =	shalt  }
0x4a: {  	_ =	shalt  }
0x4b: {  	_ =	shalt  }
0x4c: {  	_ =	shalt  }
0x4d: {  	_ =	shalt  }
0x4e: {  	_ =	shalt  }
0x4f: {  	_ =	shalt  }
0x50: {  	_ =	shalt  }
0x51: {  	_ =	shalt  }
0x52: {  	_ =	shalt  }
0x53: {  	_ =	shalt  }
0x54: {  	_ =	shalt  }
0x55: {  	_ =	shalt  }
0x56: {  	_ =	shalt  }
0x57: {  	_ =	shalt  }
0x58: {  	_ =	shalt  }
0x59: {  	_ =	shalt  }
0x5a: {  	_ =	shalt  }
0x5b: {  	_ =	shalt  }
0x5c: {  	_ =	shalt  }
0x5d: {  	_ =	shalt  }
0x5e: {  	_ =	shalt  }
0x5f: {  	_ =	shalt  }
0x60: {  	_ =	shalt  }
0x61: {  	_ =	shalt  }
0x62: {  	_ =	shalt  }
0x63: {  	_ =	shalt  }
0x64: {  	_ =	shalt  }
0x65: {  	_ =	shalt  }
0x66: {  	_ =	shalt  }
0x67: {  	_ =	shalt  }
0x68: {  	_ =	shalt  }
0x69: {  	_ =	shalt  }
0x6a: {  	_ =	shalt  }
0x6b: {  	_ =	shalt  }
0x6c: {  	_ =	shalt  }
0x6d: {  	_ =	shalt  }
0x6e: {  	_ =	shalt  }
0x6f: {  	_ =	shalt  }
0x70: {  	_ =	shalt  }
0x71: {  	_ =	shalt  }
0x72: {  	_ =	shalt  }
0x73: {  	_ =	shalt  }
0x74: {  	_ =	shalt  }
0x75: {  	_ =	shalt  }
0x76: {  	_ =	shalt  }
0x77: {  	_ =	shalt  }
0x78: {  	_ =	shalt  }
0x79: {  	_ =	shalt  }
0x7a: {  	_ =	shalt  }
0x7b: {  	_ =	shalt  }
0x7c: {  	_ =	shalt  }
0x7d: {  	_ =	shalt  }
0x7e: {  	_ =	shalt  }
0x7f: {  	_ =	shalt  }
0x80: {  	_ =	shalt  }
0x81: {  	_ =	shalt  }
0x82: {  	_ =	shalt  }
0x83: {  	_ =	shalt  }
0x84: {  	_ =	shalt  }
0x85: {  	_ =	shalt  }
0x86: {  	_ =	shalt  }
0x87: {  	_ =	shalt  }
.Lfunc_end0:
.L_simem_size_0:
called_computation_lowered:
.L_overlay_start_0:
0x88: {  	s2 =	sld [smem:$0x3FD9]  }
0x89: {  	s3 =	sld [smem:$0x3FFE];
	_ =	sdelay $0x1  }
0x8a: {  	s1 =	srdreg.scid  }
0x8b: {  	s0 =	sand.u32 $0x1, s1  }
0x8c: {  	s17 =	sshll.u32 s0, $0xA;
	s2 =	sadd.s32 s3, s2  }
0x8d: {  	s2 =	sadd.s32 s2, s17  }
0x8e: {  	[smem:$0x3FC6] =	sst s2  }
0x8f: {  	_ = 	snop  }
0x90: {  	s2 =	sld [smem:$0x3FC8]  }
0x91: {  	s18 =	sld [smem:$0x3FD0];
	(tm) =	ssettm $0x1  }
0x92: {  	s4 =	sld [smem:$0x3FFB];
	_ =	sdelay $0x3  }
0x93: {  	_ =	strace s4  }
0x94: {  	s4 =	sld [smem:$0x3FFC];
	_ =	sdelay $0x3  }
0x95: {  	_ =	strace s4  }
0x96: {  	s4 =	sld [smem:$0x3FFD];
	_ =	sdelay $0x3  }
0x97: {  	_ =	strace s4  }
0x98: {  	_ =	strace $0x8FFFFFFF  }
0x99: {  	s19 =	sld [smem:$0x3FDB];
	_ =	sdelay $0x1  }
0x9a: {  	s5 =	simm.s32 $_scs_section_size  }
0x9b: {  	s6 =	simm.s32 $_size__tile_overlayer_lowered;
	s7 =	simm.s32 $_tile_overlayer_lowered  }
0x9c: {  	s22 =	simm.s32 $0x1BFF;
	s21 =	sshll.u32 s7, $0x1;
	s4 =	sadd.s32 s5, s19  }
0x9d: {  	s8 =	simm.s32 $0x0;
	s20 =	sshll.u32 s6, $0x1;
	s6 =	sadd.s32 s21, s4  }
0x9e: {  	[timem:s8], [sflag:s22] =	dma.local [hbm:s6], s20  }
0x9f: {  	_ =	swait.ge [sflag:s22], s20  }
0xa0: {  	s5 =	ssub.s32 $0x0, s20;
	[sflag:s22] =	ssyncset.done $0x0  }
0xa1: {  	[sflag:s22] =	ssyncadd.s32 s5;
	_ =	sdelay $0x1  }
0xa2: {  	s23 =	simm.s32 $0x1B8B  }
0xa3: {  	_ =	swait.ge [sflag:s23], $0x1  }
0xa4: {  	[sflag:s23] =	ssyncset.done $0x0  }
0xa5: {  	s25 =	simm.s32 $0x1B8E;
	s24 =	sld [smem:$0x3FFE];
	[sflag:s23] =	ssyncadd.s32 $0xFFFFFFFF  }
0xa6: {  	s26 =	simm.s32 $execute0_lowered;
	[smem:$0x3FD2] =	sst s25  }
0xa7: {  	s6 =	sshll.u32 s26, $0x1;
	_ =	strace $0x80000046;
	[dreg:$0x1] =	wrdreg $0xFFFFFFFF  }
0xa8: {  	s28 =	simm.s32 $_size_execute0_lowered;
	s4 =	sadd.s32 s4, s6;
	[dreg:$0x0] =	wrdreg $0x0  }
0xa9: {  	s6 =	sshll.u32 s28, $0x1;
	[dreg:$0x2] =	wrdreg s4  }
0xaa: {  	[dreg:$0x3] =	wrdreg s6  }
0xab: {  	[dreg:$0x4] =	wrdreg $0xC0  }
0xac: {  	_ =	task [dreg:s8], $0x5FFFF  }
0xad: {  	[dreg:$0x1] =	wrdreg $0xFFFFFFFF  }
0xae: {  	[dreg:$0x0] =	wrdreg $0x60  }
0xaf: {  	[dreg:$0x2] =	wrdreg s24  }
0xb0: {  	[dreg:$0x3] =	wrdreg s2  }
0xb1: {  	[dreg:$0x4] =	wrdreg s18  }
0xb2: {  	[dreg:$0x5] =	wrdreg $0x9  }
0xb3: {  	_ =	task.clear_ibuf [dreg:s8], $0x6FFFF;
	_ =	strace $0x90000046  }
0xb4: {  	s29 =	simm.s32 $0x9;
	_ =	strace $0x80000048  }
0xb5: {  	_ =	swait.ge [sflag:s29], $0x1  }
0xb6: {  	[sflag:s29] =	ssyncadd.s32 $0xFFFFFFFF  }
0xb7: {  	_ =	strace $0x90000048  }
0xb8: {  	_ =	sfence  }
0xb9: {  	s30 =	sld [smem:$0x0];
	_ =	sdelay $0x2  }
0xba: {  	s31 =	sshll.u32 s1, $0xD;
	s1 =	sshrl.u32 s1, $0x2  }
0xbb: {  	s3 =	sand.u32 $0x4000, s31;
	s1 =	sadd.s32 s1, s30  }
0xbc: {  	s0 =	sor.u32 s3, s0;
	s1 =	sshll.u32 s1, $0x11  }
0xbd: {  	s0 =	sor.u32 s1, s0  }
0xbe: {  	s0 =	sadd.s32 $0x8F2B, s0  }
0xbf: {  	[sflag:s0] =	ssyncadd.remote.s32 $0x1  }
0xc0: {  	_ =	sfence.sel $0xFFFF  }
0xc1: {  	[dreg:$0x0] =	wrdreg $0xFFFFFFFF;
	(pc) =	sbr.abs _section_cstart, $3  }
0xc2: {  	[dreg:$0x1] =	wrdreg $0xFFFFFFFF  }
0xc3: {  	_ =	task.clear_ibuf [dreg:s8], $0x2FFFF;
	_ =	strace $0x9FFFFFFF  }
0xc4: {  	(tm) =	ssettm $0x7FFFFFFF  }
0xc5: {  	_ =	shalt  }
tec
execute0_lowered:
.L_overlay_start_1:
0x0: {  	(tag) =	ssettag $0x1  }
0x1: {  	s0 =	rddreg [dreg:$0x0]  }
0x2: {  	s30 =	rddreg [dreg:$0x1]  }
0x3: {  	s2 =	rddreg [dreg:$0x2]  }
0x4: {  	s4 =	stileid.u32;
	s1 =	srdreg.scid;
	s28 =	simm.s32 $0xB  }
0x5: {  	s29 =	simm.s32 $0x4980;
	s31 =	simm.s32 $0xC;
	s9 =	simm.s32 $0x9180  }
0x6: {  	s11 =	simm.s32 $0x8;
	s3 =	sshll.u32 s4, $0x1;
	s5 =	sshrl.u32 s4, $0x1  }
0x7: {  	s1 =	sand.u32 $0x1, s1;
	s4 =	simm.s32 $0x0;
	s6 =	smul.u32 $0xC4, s5  }
0x8: {  	s3 =	sand.u32 $0x2, s3;
	s14 =	smul.u32 $0x310, s5;
	[smem:$0x7FF] =	sst s4  }
0x9: {  	s5 =	sshll.u32 s5, $0x4;
	s3 =	sor.u32 s1, s3;
	s1 =	ssub.s32 $0x2, s1  }
0xa: {  	_ =	strace $0x80000047;
	s0 =	sadd.s32 s0, s5;
	s18 =	sor.u32 s6, s3  }
0xb: {  	s7 =	sshrl.u32 s1, $0x1;
	[dreg:$0x6] =	wrdreg s0;
	s0 =	sadd.s32 $0x200, s0  }
0xc: {  	s6 =	sor.u32 s14, s3;
	s8 =	smul.u32 $0x1800, s18;
	[dreg:$0x9] =	wrdreg s0  }
0xd: {  	s1 =	ssub.s32 s1, s7;
	s20 =	sadd.s32 $0x20, s18;
	[dreg:$0x4] =	wrdreg s18  }
0xe: {  	s15 =	smul.u32 $0x300, s18;
	s21 =	sadd.s32 $0x24, s18;
	[dreg:$0xa] =	wrdreg s20  }
0xf: {  	[dreg:$0xb] =	wrdreg s21;
	s26 =	smax.u32 s1, $0x1;
	s16 =	sshrl.u32 s8, $0x3  }
0x10: {  	s7 =	sadd.s32 s30, s15;
	[dreg:$0x10] =	wrdreg s26;
	s3 =	sadd.s32 s30, s16  }
0x11: {  	s20 =	simm.s32 $0x1980;
	[dreg:$0x5] =	wrdreg s7;
	s17 =	sadd.s32 $0xC00, s3  }
0x12: {  	s21 =	simm.s32 $0x3180;
	s19 =	sadd.s32 $0x1800, s3;
	[dreg:$0x7] =	wrdreg s17  }
0x13: {  	s1 =	simm.s32 $0x0;
	s22 =	sadd.s32 $0x21C00, s3;
	[dreg:$0x8] =	wrdreg s19  }
.Ltmp0:
0x14: {  	s23 =	sadd.s32 $0x22800, s3;
	[dreg:$0xc] =	wrdreg s22;
	(pc) =	sbr.rel .LBB2_1-.Ltmp0, $4  }
0x15: {  	s15 =	simm.s32 $0x9;
	s24 =	sadd.s32 $0x23400, s3;
	[dreg:$0xd] =	wrdreg s23  }
0x16: {  	s7 =	simm.s32 $0xE;
	s25 =	sadd.s32 $0x24000, s3;
	[dreg:$0xe] =	wrdreg s24  }
0x17: {  	s3 =	simm.s32 $0x6180;
	[dreg:$0xf] =	wrdreg s25;
	s19 =	simm.s32 $0x180  }
0x18: {  	s22 =	simm.s32 $0xD;
	s23 =	simm.s32 $0x7980;
	s17 =	simm.s32 $0xA  }
.LBB2_109:
0x19: {  	[sflag:s7] =	ssyncadd.s32 $0xFFFFE800  }
.LBB2_110:
0x1a: {  	s1 =	sadd.s32 $0x1, s1;
	s0 =	rddreg [dreg:$0x10]  }
0x1b: {  	p0 =	sne.s32 s1, s0  }
.Ltmp1:
0x1c: {  	_ = 	snop;
	(pc) =	sbr.rel @!p0 .LBB2_111-.Ltmp1, $1  }
0x1d: {  	_ =	sdelay $0x3  }
.LBB2_1:
0x1e: {  	[dreg:$0x11] =	wrdreg s1  }
0x1f: {  	s0 =	rddreg [dreg:$0x5]  }
0x20: {  	s12 =	rddreg [dreg:$0x7]  }
0x21: {  	[tilespmem:s19], [sflag:$0x1] =	stream.linear.gather [hbm4b:s0+s4], $0x1800, $0x38;
	[tilespmem:$0xA980] =	vst v63  }
0x22: {  	s13 =	rddreg [dreg:$0x8]  }
0x23: {  	[tilespmem:s20], [sflag:$0x2] =	stream.linear.gather [hbm4b:s12+s4], $0x1800, $0x38;
	[tilespmem:$0xA980] =	vst v63  }
0x24: {  	s14 =	rddreg [dreg:$0x6]  }
0x25: {  	[tilespmem:s21], [sflag:$0x3] =	stream.linear.gather [hbm4b:s13+s4], $0x1800, $0x38;
	[tilespmem:$0xA980] =	vst v63  }
0x26: {  	s16 =	simm.s32 $0x80;
	s5 =	simm.s32 $0x400;
	s24 =	simm.s32 $0xF  }
0x27: {  	[tilespmem:s4], [sflag:$0xF] =	stream.strided.gather [hbm4b:s14+s16], $0x100, s5, s16, $0x38;
	[tilespmem:$0xA980] =	vst v63  }
0x28: {  	_ =	swait.ge [sflag:s24], $0x100  }
0x29: {  	s26 =	simm.s32 $0x100;
	[sflag:s24] =	ssyncset.done $0x0  }
.Ltmp2:
0x2a: {  	s25 =	rddreg [dreg:$0x9];
	[sflag:s24] =	ssyncadd.s32 $0xFFFFFF00;
	(pc) =	sbr.rel .LBB2_2-.Ltmp2, $4  }
0x2b: {  	[tilespmem:s26], [sflag:$0xF] =	stream.linear.gather [hbm4b:s25+s4], $0x80, $0x38;
	[tilespmem:$0xA980] =	vst v63  }
0x2c: {  	s10 =	simm.s32 $0x0;
	_ =	swait.ge [sflag:s24], $0x80  }
0x2d: {  	s1 =	simm.s32 $0x0;
	s8 =	simm.s32 $0x0;
	[sflag:s24] =	ssyncset.done $0x0  }
0x2e: {  	s14 =	simm.s32 $0x0;
	s16 =	simm.s32 $0x0;
	[sflag:s24] =	ssyncadd.s32 $0xFFFFFF80  }
.LBB2_57:
0x2f: {  	(v2sf) =	vpush v0, $0x0;
	_ =	sdelay $0xe  }
0x30: {  	s5 =	spop (v2sf)  }
0x31: {  	s5 =	sshll.u32 s5, $0x2  }
0x32: {  	s5 =	sadd.s32 s6, s5  }
0x33: {  	s5 =	smul.u32 $0x1800, s5;
	_ =	sdelay $0x1  }
0x34: {  	s5 =	sshrl.u32 s5, $0x3  }
0x35: {  	s5 =	sadd.s32 s2, s5  }
0x36: {  	[hbm4b:s5+s4] =	stream.linear.scatter [tilespmem:s9], [sflag:$0xE], $0x1800, $0x38;
	[tilespmem:$0xA980] =	vst v63  }
.LBB2_58:
0x37: {  	s8 =	sadd.s32 $0x1, s8  }
0x38: {  	p4 =	sne.s32 s8, $0x6  }
.Ltmp3:
0x39: {  	_ = 	snop;
	(pc) =	sbr.rel @!p4 .LBB2_59-.Ltmp3, $1  }
0x3a: {  	_ =	sdelay $0x3  }
.LBB2_2:
0x3b: {  	s24 =	smul.u32 $0x7, s8;
	_ =	sdelay $0x1  }
0x3c: {  	v0 =	vld [tilespmem:s24+$0x100]  }
0x3d: {  	v1 =	vld [tilespmem:s24+$0x101];
	_ =	sdelay $0x3  }
0x3e: {  	(v2sf) =	vpush v0, $0x0  }
0x3f: {  	(v2sf) =	vpush v1, $0x0;
	_ =	sdelay $0xc  }
0x40: {  	p0 =	slt.s32 s1, $0x1  }
.Ltmp4:
0x41: {  	s5 =	spop (v2sf);
	(pc) =	sbr.rel @p0 .LBB2_6-.Ltmp4, $4  }
0x42: {  	s12 =	simm.s32 $0x1;
	s0 =	spop (v2sf)  }
0x43: {  	_ =	swait.ge [sflag:s12], $0x1800  }
0x44: {  	[sflag:s12] =	ssyncset.done $0x0  }
0x45: {  	[sflag:s12] =	ssyncadd.s32 $0xFFFFE800  }
0x46: {  	p0 =	sne.s32 s1, $0x1  }
.Ltmp5:
0x47: {  	_ = 	snop;
	(pc) =	sbr.rel @!p0 .LBB2_5-.Ltmp5, $3  }
0x48: {  	_ =	sdelay $0x1  }
0x49: {  	_ =	swait.ge [sflag:s28], $0x1800  }
0x4a: {  	s1 =	sadd.s32 $0xFFFFFFFF, s1;
	[sflag:s28] =	ssyncset.done $0x0  }
.LBB2_4:
0x4b: {  	p0 =	sne.s32 s1, $0x1;
	s1 =	sadd.s32 $0xFFFFFFFF, s1;
	[sflag:s28] =	ssyncadd.s32 $0xFFFFE800  }
.Ltmp6:
0x4c: {  	(pc) =	sbr.rel @p0 .LBB2_4-.Ltmp6, $3  }
0x4d: {  	_ =	sdelay $0x1  }
0x4e: {  	_ =	swait.ge [sflag:s28], $0x1800  }
0x4f: {  	[sflag:s28] =	ssyncset.done $0x0  }
.LBB2_5:
0x50: {  	[sflag:s28] =	ssyncadd.s32 $0xFFFFE800  }
.LBB2_6:
0x51: {  	s1 =	sadd.s32 $0x3, s24;
	s0 =	ssub.s32 s0, s5  }
0x52: {  	s12 =	sshll.u32 s1, $0x2;
	p1 =	slt.s32 s0, $0x1  }
.Ltmp7:
0x53: {  	s12 =	sadd.s32 s18, s12;
	(pc) =	sbr.rel @p1 .LBB2_10-.Ltmp7, $3  }
0x54: {  	s12 =	smul.u32 $0x300, s12;
	_ =	sdelay $0x1  }
0x55: {  	s12 =	sadd.s32 s30, s12  }
0x56: {  	[tilespmem:s29], [sflag:$0x4] =	stream.linear.gather [hbm4b:s12+s4], $0x1800, $0x38;
	[tilespmem:$0xA980] =	vst v63  }
0x57: {  	p0 =	sne.s32 s0, $0x1  }
.Ltmp8:
0x58: {  	_ = 	snop;
	(pc) =	sbr.rel @!p0 .LBB2_9-.Ltmp8, $2  }
0x59: {  	_ =	sdelay $0x2  }
0x5a: {  	v0 =	vld [tilespmem:s5+$0x0];
	s12 =	sadd.s32 $0xFFFFFFFF, s0  }
.LBB2_8:
0x5b: {  	p0 =	sne.s32 s12, $0x1;
	_ =	sdelay $0x3  }
0x5c: {  	(v2sf) =	vpush v0, $0x0;
	_ =	sdelay $0xe  }
0x5d: {  	s13 =	spop (v2sf)  }
0x5e: {  	s13 =	sshll.u32 s13, $0x2  }
0x5f: {  	s13 =	sadd.s32 s6, s13  }
0x60: {  	s13 =	smul.u32 $0x1800, s13  }
.Ltmp9:
0x61: {  	(pc) =	sbr.rel @p0 .LBB2_8-.Ltmp9, $4  }
0x62: {  	s13 =	sshrl.u32 s13, $0x3  }
0x63: {  	s5 =	sadd.s32 $0x1, s5;
	s13 =	sadd.s32 s2, s13  }
0x64: {  	[hbm4b:s13+s4] =	stream.linear.scatter [tilespmem:s19], [sflag:$0x8], $0x1800, $0x38;
	[tilespmem:$0xA980] =	vst v63  }
0x65: {  	s12 =	sadd.s32 $0xFFFFFFFF, s12;
	v0 =	vld [tilespmem:s5+$0x0]  }
.LBB2_9:
0x66: {  	_ =	sdelay $0x3  }
0x67: {  	(v2sf) =	vpush v0, $0x0;
	_ =	sdelay $0xe  }
0x68: {  	s5 =	spop (v2sf)  }
0x69: {  	s5 =	sshll.u32 s5, $0x2  }
0x6a: {  	s5 =	sadd.s32 s6, s5  }
0x6b: {  	s5 =	smul.u32 $0x1800, s5;
	_ =	sdelay $0x1  }
0x6c: {  	s5 =	sshrl.u32 s5, $0x3  }
0x6d: {  	s5 =	sadd.s32 s2, s5  }
0x6e: {  	[hbm4b:s5+s4] =	stream.linear.scatter [tilespmem:s19], [sflag:$0x8], $0x1800, $0x38;
	[tilespmem:$0xA980] =	vst v63  }
.LBB2_10:
0x6f: {  	v0 =	vld [tilespmem:s24+$0x101]  }
0x70: {  	v1 =	vld [tilespmem:s24+$0x102];
	_ =	sdelay $0x3  }
0x71: {  	(v2sf) =	vpush v0, $0x0  }
0x72: {  	(v2sf) =	vpush v1, $0x0;
	_ =	sdelay $0xc  }
0x73: {  	p0 =	slt.s32 s16, $0x1  }
.Ltmp10:
0x74: {  	s5 =	spop (v2sf);
	(pc) =	sbr.rel @p0 .LBB2_14-.Ltmp10, $4  }
0x75: {  	s13 =	simm.s32 $0x2;
	s12 =	spop (v2sf)  }
0x76: {  	_ =	swait.ge [sflag:s13], $0x1800  }
0x77: {  	[sflag:s13] =	ssyncset.done $0x0  }
0x78: {  	[sflag:s13] =	ssyncadd.s32 $0xFFFFE800  }
0x79: {  	p0 =	sne.s32 s16, $0x1  }
.Ltmp11:
0x7a: {  	_ = 	snop;
	(pc) =	sbr.rel @!p0 .LBB2_13-.Ltmp11, $3  }
0x7b: {  	_ =	sdelay $0x1  }
0x7c: {  	_ =	swait.ge [sflag:s31], $0x1800  }
0x7d: {  	s13 =	sadd.s32 $0xFFFFFFFF, s16;
	[sflag:s31] =	ssyncset.done $0x0  }
.LBB2_12:
0x7e: {  	p0 =	sne.s32 s13, $0x1;
	s13 =	sadd.s32 $0xFFFFFFFF, s13;
	[sflag:s31] =	ssyncadd.s32 $0xFFFFE800  }
.Ltmp12:
0x7f: {  	(pc) =	sbr.rel @p0 .LBB2_12-.Ltmp12, $3  }
0x80: {  	_ =	sdelay $0x1  }
0x81: {  	_ =	swait.ge [sflag:s31], $0x1800  }
0x82: {  	[sflag:s31] =	ssyncset.done $0x0  }
.LBB2_13:
0x83: {  	[sflag:s31] =	ssyncadd.s32 $0xFFFFE800  }
.LBB2_14:
0x84: {  	s13 =	sadd.s32 $0x4, s24;
	s25 =	ssub.s32 s12, s5  }
0x85: {  	s16 =	sshll.u32 s13, $0x2;
	p2 =	slt.s32 s25, $0x1  }
.Ltmp13:
0x86: {  	s16 =	sadd.s32 s18, s16;
	(pc) =	sbr.rel @p2 .LBB2_18-.Ltmp13, $3  }
0x87: {  	s16 =	smul.u32 $0x300, s16;
	_ =	sdelay $0x1  }
0x88: {  	s26 =	sadd.s32 s30, s16  }
0x89: {  	[tilespmem:s3], [sflag:$0x5] =	stream.linear.gather [hbm4b:s26+s4], $0x1800, $0x38;
	[tilespmem:$0xA980] =	vst v63  }
0x8a: {  	p0 =	sne.s32 s25, $0x1  }
.Ltmp14:
0x8b: {  	_ = 	snop;
	(pc) =	sbr.rel @!p0 .LBB2_17-.Ltmp14, $2  }
0x8c: {  	_ =	sdelay $0x2  }
0x8d: {  	v0 =	vld [tilespmem:s5+$0x0];
	s12 =	sadd.s32 $0xFFFFFFFF, s25  }
.LBB2_16:
0x8e: {  	p0 =	sne.s32 s12, $0x1;
	_ =	sdelay $0x3  }
0x8f: {  	(v2sf) =	vpush v0, $0x0;
	_ =	sdelay $0xe  }
0x90: {  	s16 =	spop (v2sf)  }
0x91: {  	s16 =	sshll.u32 s16, $0x2  }
0x92: {  	s16 =	sadd.s32 s6, s16  }
0x93: {  	s16 =	smul.u32 $0x1800, s16  }
.Ltmp15:
0x94: {  	(pc) =	sbr.rel @p0 .LBB2_16-.Ltmp15, $4  }
0x95: {  	s16 =	sshrl.u32 s16, $0x3  }
0x96: {  	s5 =	sadd.s32 $0x1, s5;
	s16 =	sadd.s32 s2, s16  }
0x97: {  	[hbm4b:s16+s4] =	stream.linear.scatter [tilespmem:s20], [sflag:$0x9], $0x1800, $0x38;
	[tilespmem:$0xA980] =	vst v63  }
0x98: {  	s12 =	sadd.s32 $0xFFFFFFFF, s12;
	v0 =	vld [tilespmem:s5+$0x0]  }
.LBB2_17:
0x99: {  	_ =	sdelay $0x3  }
0x9a: {  	(v2sf) =	vpush v0, $0x0;
	_ =	sdelay $0xe  }
0x9b: {  	s5 =	spop (v2sf)  }
0x9c: {  	s5 =	sshll.u32 s5, $0x2  }
0x9d: {  	s5 =	sadd.s32 s6, s5  }
0x9e: {  	s5 =	smul.u32 $0x1800, s5;
	_ =	sdelay $0x1  }
0x9f: {  	s5 =	sshrl.u32 s5, $0x3  }
0xa0: {  	s5 =	sadd.s32 s2, s5  }
0xa1: {  	[hbm4b:s5+s4] =	stream.linear.scatter [tilespmem:s20], [sflag:$0x9], $0x1800, $0x38;
	[tilespmem:$0xA980] =	vst v63  }
.LBB2_18:
0xa2: {  	v0 =	vld [tilespmem:s24+$0x102]  }
0xa3: {  	v1 =	vld [tilespmem:s1+$0x100];
	_ =	sdelay $0x3  }
0xa4: {  	(v2sf) =	vpush v0, $0x0  }
0xa5: {  	(v2sf) =	vpush v1, $0x0;
	_ =	sdelay $0xc  }
0xa6: {  	p0 =	slt.s32 s14, $0x1  }
.Ltmp16:
0xa7: {  	s12 =	spop (v2sf);
	(pc) =	sbr.rel @p0 .LBB2_22-.Ltmp16, $4  }
0xa8: {  	s16 =	simm.s32 $0x3;
	s5 =	spop (v2sf)  }
0xa9: {  	_ =	swait.ge [sflag:s16], $0x1800  }
0xaa: {  	[sflag:s16] =	ssyncset.done $0x0  }
0xab: {  	[sflag:s16] =	ssyncadd.s32 $0xFFFFE800  }
0xac: {  	p0 =	sne.s32 s14, $0x1  }
.Ltmp17:
0xad: {  	_ = 	snop;
	(pc) =	sbr.rel @!p0 .LBB2_21-.Ltmp17, $3  }
0xae: {  	_ =	sdelay $0x1  }
0xaf: {  	_ =	swait.ge [sflag:s22], $0x1800  }
0xb0: {  	s14 =	sadd.s32 $0xFFFFFFFF, s14;
	[sflag:s22] =	ssyncset.done $0x0  }
.LBB2_20:
0xb1: {  	p0 =	sne.s32 s14, $0x1;
	s14 =	sadd.s32 $0xFFFFFFFF, s14;
	[sflag:s22] =	ssyncadd.s32 $0xFFFFE800  }
.Ltmp18:
0xb2: {  	(pc) =	sbr.rel @p0 .LBB2_20-.Ltmp18, $3  }
0xb3: {  	_ =	sdelay $0x1  }
0xb4: {  	_ =	swait.ge [sflag:s22], $0x1800  }
0xb5: {  	[sflag:s22] =	ssyncset.done $0x0  }
.LBB2_21:
0xb6: {  	[sflag:s22] =	ssyncadd.s32 $0xFFFFE800  }
.LBB2_22:
0xb7: {  	s14 =	sadd.s32 $0x5, s24;
	s5 =	ssub.s32 s5, s12  }
0xb8: {  	s16 =	sshll.u32 s14, $0x2;
	p3 =	slt.s32 s5, $0x1  }
.Ltmp19:
0xb9: {  	s16 =	sadd.s32 s18, s16;
	(pc) =	sbr.rel @p3 .LBB2_26-.Ltmp19, $3  }
0xba: {  	s16 =	smul.u32 $0x300, s16;
	_ =	sdelay $0x1  }
0xbb: {  	s16 =	sadd.s32 s30, s16  }
0xbc: {  	[tilespmem:s23], [sflag:$0x6] =	stream.linear.gather [hbm4b:s16+s4], $0x1800, $0x38;
	[tilespmem:$0xA980] =	vst v63  }
0xbd: {  	p0 =	sne.s32 s5, $0x1  }
.Ltmp20:
0xbe: {  	_ = 	snop;
	(pc) =	sbr.rel @!p0 .LBB2_25-.Ltmp20, $2  }
0xbf: {  	_ =	sdelay $0x2  }
0xc0: {  	v0 =	vld [tilespmem:s12+$0x0];
	s16 =	sadd.s32 $0xFFFFFFFF, s5  }
.LBB2_24:
0xc1: {  	p0 =	sne.s32 s16, $0x1;
	_ =	sdelay $0x3  }
0xc2: {  	(v2sf) =	vpush v0, $0x0;
	_ =	sdelay $0xe  }
0xc3: {  	s18 =	spop (v2sf)  }
0xc4: {  	s18 =	sshll.u32 s18, $0x2  }
0xc5: {  	s18 =	sadd.s32 s6, s18  }
0xc6: {  	s18 =	smul.u32 $0x1800, s18  }
.Ltmp21:
0xc7: {  	(pc) =	sbr.rel @p0 .LBB2_24-.Ltmp21, $4  }
0xc8: {  	s18 =	sshrl.u32 s18, $0x3  }
0xc9: {  	s12 =	sadd.s32 $0x1, s12;
	s18 =	sadd.s32 s2, s18  }
0xca: {  	[hbm4b:s18+s4] =	stream.linear.scatter [tilespmem:s21], [sflag:$0xA], $0x1800, $0x38;
	[tilespmem:$0xA980] =	vst v63  }
0xcb: {  	s16 =	sadd.s32 $0xFFFFFFFF, s16;
	v0 =	vld [tilespmem:s12+$0x0]  }
.LBB2_25:
0xcc: {  	_ =	sdelay $0x3  }
0xcd: {  	(v2sf) =	vpush v0, $0x0;
	_ =	sdelay $0xe  }
0xce: {  	s12 =	spop (v2sf)  }
0xcf: {  	s12 =	sshll.u32 s12, $0x2  }
0xd0: {  	s12 =	sadd.s32 s6, s12  }
0xd1: {  	s12 =	smul.u32 $0x1800, s12;
	_ =	sdelay $0x1  }
0xd2: {  	s12 =	sshrl.u32 s12, $0x3  }
0xd3: {  	s18 =	rddreg [dreg:$0x4];
	s12 =	sadd.s32 s2, s12  }
0xd4: {  	[hbm4b:s12+s4] =	stream.linear.scatter [tilespmem:s21], [sflag:$0xA], $0x1800, $0x38;
	[tilespmem:$0xA980] =	vst v63  }
.LBB2_26:
0xd5: {  	v0 =	vld [tilespmem:s1+$0x100]  }
0xd6: {  	v1 =	vld [tilespmem:s13+$0x100];
	_ =	sdelay $0x3  }
0xd7: {  	(v2sf) =	vpush v0, $0x0  }
0xd8: {  	(v2sf) =	vpush v1, $0x0;
	_ =	sdelay $0xd  }
0xd9: {  	p0 =	slt.s32 s10, $0x1;
	s16 =	spop (v2sf)  }
.Ltmp22:
0xda: {  	s12 =	spop (v2sf);
	(pc) =	sbr.rel @p0 .LBB2_30-.Ltmp22, $4  }
0xdb: {  	s26 =	simm.s32 $0x4;
	[dreg:$0x13] =	wrdreg s12  }
0xdc: {  	_ =	swait.ge [sflag:s26], $0x1800  }
0xdd: {  	[sflag:s26] =	ssyncset.done $0x0  }
0xde: {  	[sflag:s26] =	ssyncadd.s32 $0xFFFFE800  }
0xdf: {  	p0 =	sne.s32 s10, $0x1  }
.Ltmp23:
0xe0: {  	_ = 	snop;
	(pc) =	sbr.rel @!p0 .LBB2_29-.Ltmp23, $3  }
0xe1: {  	_ =	sdelay $0x1  }
0xe2: {  	_ =	swait.ge [sflag:s7], $0x1800  }
0xe3: {  	s1 =	sadd.s32 $0xFFFFFFFF, s10;
	[sflag:s7] =	ssyncset.done $0x0  }
.LBB2_28:
0xe4: {  	p0 =	sne.s32 s1, $0x1;
	s1 =	sadd.s32 $0xFFFFFFFF, s1;
	[sflag:s7] =	ssyncadd.s32 $0xFFFFE800  }
.Ltmp24:
0xe5: {  	(pc) =	sbr.rel @p0 .LBB2_28-.Ltmp24, $3  }
0xe6: {  	_ =	sdelay $0x1  }
0xe7: {  	_ =	swait.ge [sflag:s7], $0x1800  }
0xe8: {  	[sflag:s7] =	ssyncset.done $0x0  }
.LBB2_29:
0xe9: {  	[sflag:s7] =	ssyncadd.s32 $0xFFFFE800  }
.LBB2_30:
0xea: {  	s10 =	sadd.s32 $0x6, s24  }
0xeb: {  	s1 =	sshll.u32 s10, $0x2  }
0xec: {  	s26 =	rddreg [dreg:$0x13];
	s1 =	sadd.s32 s18, s1  }
0xed: {  	s12 =	smul.u32 $0x300, s1;
	s1 =	ssub.s32 s26, s16  }
0xee: {  	p0 =	slt.s32 s1, $0x1  }
.Ltmp25:
0xef: {  	_ = 	snop;
	(pc) =	sbr.rel @p0 .LBB2_34-.Ltmp25, $3  }
0xf0: {  	_ =	sdelay $0x1  }
0xf1: {  	[dreg:$0x12] =	wrdreg s16;
	s12 =	sadd.s32 s30, s12  }
0xf2: {  	[tilespmem:s9], [sflag:$0x7] =	stream.linear.gather [hbm4b:s12+s4], $0x1800, $0x38;
	[tilespmem:$0xA980] =	vst v63  }
0xf3: {  	p4 =	sne.s32 s1, $0x1  }
.Ltmp26:
0xf4: {  	_ = 	snop;
	(pc) =	sbr.rel @!p4 .LBB2_33-.Ltmp26, $2  }
0xf5: {  	_ =	sdelay $0x2  }
0xf6: {  	v0 =	vld [tilespmem:s16+$0x0];
	s12 =	sadd.s32 $0xFFFFFFFF, s1  }
.LBB2_32:
0xf7: {  	p4 =	sne.s32 s12, $0x1;
	_ =	sdelay $0x3  }
0xf8: {  	(v2sf) =	vpush v0, $0x0;
	_ =	sdelay $0xe  }
0xf9: {  	s26 =	spop (v2sf)  }
0xfa: {  	s26 =	sshll.u32 s26, $0x2  }
0xfb: {  	s26 =	sadd.s32 s6, s26  }
0xfc: {  	s26 =	smul.u32 $0x1800, s26  }
.Ltmp27:
0xfd: {  	(pc) =	sbr.rel @p4 .LBB2_32-.Ltmp27, $4  }
0xfe: {  	s26 =	sshrl.u32 s26, $0x3  }
0xff: {  	s16 =	sadd.s32 $0x1, s16;
	s26 =	sadd.s32 s2, s26  }
0x100: {  	[hbm4b:s26+s4] =	stream.linear.scatter [tilespmem:s29], [sflag:$0xB], $0x1800, $0x38;
	[tilespmem:$0xA980] =	vst v63  }
0x101: {  	s12 =	sadd.s32 $0xFFFFFFFF, s12;
	v0 =	vld [tilespmem:s16+$0x0]  }
.LBB2_33:
0x102: {  	_ =	sdelay $0x3  }
0x103: {  	(v2sf) =	vpush v0, $0x0;
	_ =	sdelay $0xe  }
0x104: {  	s12 =	spop (v2sf)  }
0x105: {  	s12 =	sshll.u32 s12, $0x2  }
0x106: {  	s12 =	sadd.s32 s6, s12  }
0x107: {  	s12 =	smul.u32 $0x1800, s12;
	_ =	sdelay $0x1  }
0x108: {  	s12 =	sshrl.u32 s12, $0x3  }
0x109: {  	s12 =	sadd.s32 s2, s12  }
0x10a: {  	[hbm4b:s12+s4] =	stream.linear.scatter [tilespmem:s29], [sflag:$0xB], $0x1800, $0x38;
	[tilespmem:$0xA980] =	vst v63  }
.LBB2_34:
0x10b: {  	v0 =	vld [tilespmem:s13+$0x100]  }
0x10c: {  	v1 =	vld [tilespmem:s14+$0x100];
	_ =	sdelay $0x3  }
0x10d: {  	(v2sf) =	vpush v0, $0x0  }
0x10e: {  	(v2sf) =	vpush v1, $0x0;
	_ =	sdelay $0xd  }
.Ltmp28:
0x10f: {  	s13 =	spop (v2sf);
	(pc) =	sbr.rel @p1 .LBB2_38-.Ltmp28, $4  }
0x110: {  	s12 =	simm.s32 $0x5;
	s16 =	spop (v2sf)  }
0x111: {  	_ =	swait.ge [sflag:s12], $0x1800  }
0x112: {  	[sflag:s12] =	ssyncset.done $0x0  }
0x113: {  	[sflag:s12] =	ssyncadd.s32 $0xFFFFE800  }
0x114: {  	p1 =	sne.s32 s0, $0x1  }
.Ltmp29:
0x115: {  	_ = 	snop;
	(pc) =	sbr.rel @!p1 .LBB2_37-.Ltmp29, $3  }
0x116: {  	_ =	sdelay $0x1  }
0x117: {  	_ =	swait.ge [sflag:s11], $0x1800  }
0x118: {  	s0 =	sadd.s32 $0xFFFFFFFF, s0;
	[sflag:s11] =	ssyncset.done $0x0  }
.LBB2_36:
0x119: {  	p1 =	sne.s32 s0, $0x1;
	s0 =	sadd.s32 $0xFFFFFFFF, s0;
	[sflag:s11] =	ssyncadd.s32 $0xFFFFE800  }
.Ltmp30:
0x11a: {  	(pc) =	sbr.rel @p1 .LBB2_36-.Ltmp30, $3  }
0x11b: {  	_ =	sdelay $0x1  }
0x11c: {  	_ =	swait.ge [sflag:s11], $0x1800  }
0x11d: {  	[sflag:s11] =	ssyncset.done $0x0  }
.LBB2_37:
0x11e: {  	[sflag:s11] =	ssyncadd.s32 $0xFFFFE800  }
.LBB2_38:
0x11f: {  	s0 =	sadd.s32 $0x7, s24;
	[dreg:$0x14] =	wrdreg s16;
	s16 =	ssub.s32 s16, s13  }
0x120: {  	s12 =	sshll.u32 s0, $0x2;
	p1 =	slt.s32 s16, $0x1  }
.Ltmp31:
0x121: {  	s12 =	sadd.s32 s18, s12;
	(pc) =	sbr.rel @p1 .LBB2_42-.Ltmp31, $3  }
0x122: {  	s12 =	smul.u32 $0x300, s12;
	_ =	sdelay $0x1  }
0x123: {  	s12 =	sadd.s32 s30, s12  }
0x124: {  	[tilespmem:s19], [sflag:$0x1] =	stream.linear.gather [hbm4b:s12+s4], $0x1800, $0x38;
	[tilespmem:$0xA980] =	vst v63  }
0x125: {  	p4 =	sne.s32 s16, $0x1  }
.Ltmp32:
0x126: {  	_ = 	snop;
	(pc) =	sbr.rel @!p4 .LBB2_41-.Ltmp32, $2  }
0x127: {  	_ =	sdelay $0x2  }
0x128: {  	v0 =	vld [tilespmem:s13+$0x0];
	s12 =	sadd.s32 $0xFFFFFFFF, s16;
	s24 =	smov.u32 s13  }
.LBB2_40:
0x129: {  	p4 =	sne.s32 s12, $0x1;
	_ =	sdelay $0x3  }
0x12a: {  	(v2sf) =	vpush v0, $0x0;
	_ =	sdelay $0xe  }
0x12b: {  	s26 =	spop (v2sf)  }
0x12c: {  	s26 =	sshll.u32 s26, $0x2  }
0x12d: {  	s26 =	sadd.s32 s6, s26  }
0x12e: {  	s26 =	smul.u32 $0x1800, s26  }
.Ltmp33:
0x12f: {  	(pc) =	sbr.rel @p4 .LBB2_40-.Ltmp33, $4  }
0x130: {  	s26 =	sshrl.u32 s26, $0x3  }
0x131: {  	s24 =	sadd.s32 $0x1, s24;
	s26 =	sadd.s32 s2, s26  }
0x132: {  	[hbm4b:s26+s4] =	stream.linear.scatter [tilespmem:s3], [sflag:$0xC], $0x1800, $0x38;
	[tilespmem:$0xA980] =	vst v63  }
0x133: {  	s12 =	sadd.s32 $0xFFFFFFFF, s12;
	v0 =	vld [tilespmem:s24+$0x0]  }
.LBB2_41:
0x134: {  	_ =	sdelay $0x3  }
0x135: {  	(v2sf) =	vpush v0, $0x0;
	_ =	sdelay $0xe  }
0x136: {  	s12 =	spop (v2sf)  }
0x137: {  	s12 =	sshll.u32 s12, $0x2  }
0x138: {  	s12 =	sadd.s32 s6, s12  }
0x139: {  	s12 =	smul.u32 $0x1800, s12;
	_ =	sdelay $0x1  }
0x13a: {  	s12 =	sshrl.u32 s12, $0x3  }
0x13b: {  	s12 =	sadd.s32 s2, s12  }
0x13c: {  	[hbm4b:s12+s4] =	stream.linear.scatter [tilespmem:s3], [sflag:$0xC], $0x1800, $0x38;
	[tilespmem:$0xA980] =	vst v63  }
.LBB2_42:
0x13d: {  	v0 =	vld [tilespmem:s14+$0x100]  }
0x13e: {  	v1 =	vld [tilespmem:s10+$0x100];
	_ =	sdelay $0x3  }
0x13f: {  	(v2sf) =	vpush v0, $0x0  }
0x140: {  	(v2sf) =	vpush v1, $0x0;
	_ =	sdelay $0xd  }
0x141: {  	s26 =	spop (v2sf)  }
.Ltmp34:
0x142: {  	s12 =	spop (v2sf);
	(pc) =	sbr.rel @p2 .LBB2_46-.Ltmp34, $4  }
0x143: {  	s24 =	simm.s32 $0x6;
	[dreg:$0x15] =	wrdreg s12  }
0x144: {  	_ =	swait.ge [sflag:s24], $0x1800  }
0x145: {  	[sflag:s24] =	ssyncset.done $0x0  }
0x146: {  	[sflag:s24] =	ssyncadd.s32 $0xFFFFE800  }
0x147: {  	p2 =	sne.s32 s25, $0x1  }
.Ltmp35:
0x148: {  	_ = 	snop;
	(pc) =	sbr.rel @!p2 .LBB2_45-.Ltmp35, $3  }
0x149: {  	_ =	sdelay $0x1  }
0x14a: {  	_ =	swait.ge [sflag:s15], $0x1800  }
0x14b: {  	s12 =	sadd.s32 $0xFFFFFFFF, s25;
	[sflag:s15] =	ssyncset.done $0x0  }
.LBB2_44:
0x14c: {  	p2 =	sne.s32 s12, $0x1;
	s12 =	sadd.s32 $0xFFFFFFFF, s12;
	[sflag:s15] =	ssyncadd.s32 $0xFFFFE800  }
.Ltmp36:
0x14d: {  	(pc) =	sbr.rel @p2 .LBB2_44-.Ltmp36, $3  }
0x14e: {  	_ =	sdelay $0x1  }
0x14f: {  	_ =	swait.ge [sflag:s15], $0x1800  }
0x150: {  	[sflag:s15] =	ssyncset.done $0x0  }
.LBB2_45:
0x151: {  	[sflag:s15] =	ssyncadd.s32 $0xFFFFE800  }
.LBB2_46:
0x152: {  	s12 =	smul.u32 $0x1C, s8  }
0x153: {  	s14 =	rddreg [dreg:$0xa]  }
0x154: {  	s25 =	rddreg [dreg:$0x15];
	s14 =	sadd.s32 s12, s14  }
0x155: {  	s24 =	smul.u32 $0x300, s14;
	s14 =	ssub.s32 s25, s26  }
0x156: {  	p2 =	slt.s32 s14, $0x1  }
.Ltmp37:
0x157: {  	_ = 	snop;
	(pc) =	sbr.rel @p2 .LBB2_50-.Ltmp37, $3  }
0x158: {  	_ =	sdelay $0x1  }
0x159: {  	s24 =	sadd.s32 s30, s24  }
0x15a: {  	[tilespmem:s20], [sflag:$0x2] =	stream.linear.gather [hbm4b:s24+s4], $0x1800, $0x38;
	[tilespmem:$0xA980] =	vst v63  }
0x15b: {  	p4 =	sne.s32 s14, $0x1  }
.Ltmp38:
0x15c: {  	_ = 	snop;
	(pc) =	sbr.rel @!p4 .LBB2_49-.Ltmp38, $2  }
0x15d: {  	_ =	sdelay $0x2  }
0x15e: {  	s18 =	smov.u32 s30;
	v0 =	vld [tilespmem:s26+$0x0];
	s25 =	sadd.s32 $0xFFFFFFFF, s14;
	s24 =	smov.u32 s26  }
.LBB2_48:
0x15f: {  	p4 =	sne.s32 s25, $0x1;
	_ =	sdelay $0x3  }
0x160: {  	(v2sf) =	vpush v0, $0x0;
	_ =	sdelay $0xe  }
0x161: {  	s30 =	spop (v2sf)  }
0x162: {  	s30 =	sshll.u32 s30, $0x2  }
0x163: {  	s30 =	sadd.s32 s6, s30  }
0x164: {  	s30 =	smul.u32 $0x1800, s30  }
.Ltmp39:
0x165: {  	(pc) =	sbr.rel @p4 .LBB2_48-.Ltmp39, $4  }
0x166: {  	s30 =	sshrl.u32 s30, $0x3  }
0x167: {  	s24 =	sadd.s32 $0x1, s24;
	s30 =	sadd.s32 s2, s30  }
0x168: {  	[hbm4b:s30+s4] =	stream.linear.scatter [tilespmem:s23], [sflag:$0xD], $0x1800, $0x38;
	[tilespmem:$0xA980] =	vst v63  }
0x169: {  	s25 =	sadd.s32 $0xFFFFFFFF, s25;
	v0 =	vld [tilespmem:s24+$0x0]  }
.LBB2_49:
0x16a: {  	_ =	sdelay $0x3  }
0x16b: {  	(v2sf) =	vpush v0, $0x0;
	_ =	sdelay $0xe  }
0x16c: {  	s24 =	spop (v2sf)  }
0x16d: {  	s24 =	sshll.u32 s24, $0x2  }
0x16e: {  	s24 =	sadd.s32 s6, s24  }
0x16f: {  	s24 =	smul.u32 $0x1800, s24;
	_ =	sdelay $0x1  }
0x170: {  	s24 =	sshrl.u32 s24, $0x3  }
0x171: {  	s30 =	smov.u32 s18;
	s24 =	sadd.s32 s2, s24  }
0x172: {  	[hbm4b:s24+s4] =	stream.linear.scatter [tilespmem:s23], [sflag:$0xD], $0x1800, $0x38;
	[tilespmem:$0xA980] =	vst v63  }
.LBB2_50:
0x173: {  	v0 =	vld [tilespmem:s10+$0x100]  }
0x174: {  	v1 =	vld [tilespmem:s0+$0x100];
	_ =	sdelay $0x3  }
0x175: {  	(v2sf) =	vpush v0, $0x0  }
0x176: {  	(v2sf) =	vpush v1, $0x0;
	_ =	sdelay $0xd  }
.Ltmp40:
0x177: {  	s0 =	spop (v2sf);
	(pc) =	sbr.rel @p3 .LBB2_54-.Ltmp40, $4  }
0x178: {  	s24 =	simm.s32 $0x7;
	s25 =	spop (v2sf)  }
0x179: {  	_ =	swait.ge [sflag:s24], $0x1800  }
0x17a: {  	[sflag:s24] =	ssyncset.done $0x0  }
0x17b: {  	[sflag:s24] =	ssyncadd.s32 $0xFFFFE800  }
0x17c: {  	p3 =	sne.s32 s5, $0x1  }
.Ltmp41:
0x17d: {  	_ = 	snop;
	(pc) =	sbr.rel @!p3 .LBB2_53-.Ltmp41, $3  }
0x17e: {  	_ =	sdelay $0x1  }
0x17f: {  	_ =	swait.ge [sflag:s17], $0x1800  }
0x180: {  	s5 =	sadd.s32 $0xFFFFFFFF, s5;
	[sflag:s17] =	ssyncset.done $0x0  }
.LBB2_52:
0x181: {  	p3 =	sne.s32 s5, $0x1;
	s5 =	sadd.s32 $0xFFFFFFFF, s5;
	[sflag:s17] =	ssyncadd.s32 $0xFFFFE800  }
.Ltmp42:
0x182: {  	(pc) =	sbr.rel @p3 .LBB2_52-.Ltmp42, $3  }
0x183: {  	_ =	sdelay $0x1  }
0x184: {  	_ =	swait.ge [sflag:s17], $0x1800  }
0x185: {  	[sflag:s17] =	ssyncset.done $0x0  }
.LBB2_53:
0x186: {  	[sflag:s17] =	ssyncadd.s32 $0xFFFFE800  }
.LBB2_54:
0x187: {  	s10 =	ssub.s32 s25, s0  }
0x188: {  	s5 =	rddreg [dreg:$0xb];
	p3 =	slt.s32 s10, $0x1  }
.Ltmp43:
0x189: {  	s5 =	sadd.s32 s12, s5;
	(pc) =	sbr.rel @p3 .LBB2_58-.Ltmp43, $3  }
0x18a: {  	s5 =	smul.u32 $0x300, s5;
	_ =	sdelay $0x1  }
0x18b: {  	s18 =	rddreg [dreg:$0x4];
	s5 =	sadd.s32 s30, s5  }
0x18c: {  	[tilespmem:s21], [sflag:$0x3] =	stream.linear.gather [hbm4b:s5+s4], $0x1800, $0x38;
	[tilespmem:$0xA980] =	vst v63  }
0x18d: {  	p4 =	sne.s32 s10, $0x1  }
.Ltmp44:
0x18e: {  	v0 =	vld [tilespmem:s0+$0x0];
	(pc) =	sbr.rel @!p4 .LBB2_57-.Ltmp44, $2  }
0x18f: {  	_ =	sdelay $0x2  }
0x190: {  	s5 =	sadd.s32 $0xFFFFFFFF, s10;
	s12 =	smov.u32 s0  }
.LBB2_56:
0x191: {  	p4 =	sne.s32 s5, $0x1;
	_ =	sdelay $0x3  }
0x192: {  	(v2sf) =	vpush v0, $0x0;
	_ =	sdelay $0xe  }
0x193: {  	s24 =	spop (v2sf)  }
0x194: {  	s24 =	sshll.u32 s24, $0x2  }
0x195: {  	s24 =	sadd.s32 s6, s24  }
0x196: {  	s24 =	smul.u32 $0x1800, s24  }
.Ltmp45:
0x197: {  	(pc) =	sbr.rel @p4 .LBB2_56-.Ltmp45, $4  }
0x198: {  	s24 =	sshrl.u32 s24, $0x3  }
0x199: {  	s12 =	sadd.s32 $0x1, s12;
	s24 =	sadd.s32 s2, s24  }
0x19a: {  	[hbm4b:s24+s4] =	stream.linear.scatter [tilespmem:s9], [sflag:$0xE], $0x1800, $0x38;
	[tilespmem:$0xA980] =	vst v63  }
0x19b: {  	s5 =	sadd.s32 $0xFFFFFFFF, s5;
	v0 =	vld [tilespmem:s12+$0x0]  }
.Ltmp46:
0x19c: {  	_ = 	snop;
	(pc) =	sbr.rel .LBB2_57-.Ltmp46, $1  }
0x19d: {  	_ =	sdelay $0x3  }
.LBB2_59:
0x19e: {  	v0 =	vld [tilespmem:$0x12A]  }
0x19f: {  	v1 =	vld [tilespmem:$0x12B];
	_ =	sdelay $0x3  }
0x1a0: {  	(v2sf) =	vpush v0, $0x0  }
0x1a1: {  	(v2sf) =	vpush v1, $0x0;
	_ =	sdelay $0xd  }
.Ltmp47:
0x1a2: {  	s1 =	spop (v2sf);
	(pc) =	sbr.rel @p0 .LBB2_63-.Ltmp47, $4  }
0x1a3: {  	s8 =	simm.s32 $0x1;
	s5 =	spop (v2sf)  }
0x1a4: {  	_ =	swait.ge [sflag:s8], $0x1800  }
0x1a5: {  	[sflag:s8] =	ssyncset.done $0x0  }
0x1a6: {  	[sflag:s8] =	ssyncadd.s32 $0xFFFFE800  }
0x1a7: {  	s8 =	rddreg [dreg:$0x12]  }
0x1a8: {  	s10 =	rddreg [dreg:$0x13]  }
0x1a9: {  	s8 =	ssub.s32 s10, s8  }
0x1aa: {  	p0 =	sne.s32 s8, $0x1  }
.Ltmp48:
0x1ab: {  	_ = 	snop;
	(pc) =	sbr.rel @!p0 .LBB2_62-.Ltmp48, $3  }
0x1ac: {  	_ =	sdelay $0x1  }
0x1ad: {  	_ =	swait.ge [sflag:s28], $0x1800  }
0x1ae: {  	[sflag:s28] =	ssyncset.done $0x0;
	s8 =	sadd.s32 $0xFFFFFFFF, s8  }
.LBB2_61:
0x1af: {  	p0 =	sne.s32 s8, $0x1;
	s8 =	sadd.s32 $0xFFFFFFFF, s8;
	[sflag:s28] =	ssyncadd.s32 $0xFFFFE800  }
.Ltmp49:
0x1b0: {  	(pc) =	sbr.rel @p0 .LBB2_61-.Ltmp49, $3  }
0x1b1: {  	_ =	sdelay $0x1  }
0x1b2: {  	_ =	swait.ge [sflag:s28], $0x1800  }
0x1b3: {  	[sflag:s28] =	ssyncset.done $0x0  }
.LBB2_62:
0x1b4: {  	[sflag:s28] =	ssyncadd.s32 $0xFFFFE800  }
.LBB2_63:
0x1b5: {  	s8 =	ssub.s32 s5, s1  }
0x1b6: {  	p0 =	slt.s32 s8, $0x1  }
.Ltmp50:
0x1b7: {  	_ = 	snop;
	(pc) =	sbr.rel @p0 .LBB2_67-.Ltmp50, $3  }
0x1b8: {  	_ =	sdelay $0x1  }
0x1b9: {  	s24 =	rddreg [dreg:$0xc]  }
0x1ba: {  	[tilespmem:s29], [sflag:$0x4] =	stream.linear.gather [hbm4b:s24+s4], $0x1800, $0x38;
	[tilespmem:$0xA980] =	vst v63  }
0x1bb: {  	p0 =	sne.s32 s8, $0x1  }
.Ltmp51:
0x1bc: {  	_ = 	snop;
	(pc) =	sbr.rel @!p0 .LBB2_66-.Ltmp51, $2  }
0x1bd: {  	_ =	sdelay $0x2  }
0x1be: {  	v0 =	vld [tilespmem:s1+$0x0];
	s5 =	sadd.s32 $0xFFFFFFFF, s8  }
.LBB2_65:
0x1bf: {  	p0 =	sne.s32 s5, $0x1;
	_ =	sdelay $0x3  }
0x1c0: {  	(v2sf) =	vpush v0, $0x0;
	_ =	sdelay $0xe  }
0x1c1: {  	s10 =	spop (v2sf)  }
0x1c2: {  	s10 =	sshll.u32 s10, $0x2  }
0x1c3: {  	s10 =	sadd.s32 s6, s10  }
0x1c4: {  	s10 =	smul.u32 $0x1800, s10  }
.Ltmp52:
0x1c5: {  	(pc) =	sbr.rel @p0 .LBB2_65-.Ltmp52, $4  }
0x1c6: {  	s10 =	sshrl.u32 s10, $0x3  }
0x1c7: {  	s1 =	sadd.s32 $0x1, s1;
	s10 =	sadd.s32 s2, s10  }
0x1c8: {  	[hbm4b:s10+s4] =	stream.linear.scatter [tilespmem:s19], [sflag:$0x8], $0x1800, $0x38;
	[tilespmem:$0xA980] =	vst v63  }
0x1c9: {  	s5 =	sadd.s32 $0xFFFFFFFF, s5;
	v0 =	vld [tilespmem:s1+$0x0]  }
.LBB2_66:
0x1ca: {  	_ =	sdelay $0x3  }
0x1cb: {  	(v2sf) =	vpush v0, $0x0;
	_ =	sdelay $0xe  }
0x1cc: {  	s1 =	spop (v2sf)  }
0x1cd: {  	s1 =	sshll.u32 s1, $0x2  }
0x1ce: {  	s1 =	sadd.s32 s6, s1  }
0x1cf: {  	s1 =	smul.u32 $0x1800, s1;
	_ =	sdelay $0x1  }
0x1d0: {  	s1 =	sshrl.u32 s1, $0x3  }
0x1d1: {  	s1 =	sadd.s32 s2, s1  }
0x1d2: {  	[hbm4b:s1+s4] =	stream.linear.scatter [tilespmem:s19], [sflag:$0x8], $0x1800, $0x38;
	[tilespmem:$0xA980] =	vst v63  }
.LBB2_67:
0x1d3: {  	v0 =	vld [tilespmem:$0x12B]  }
0x1d4: {  	v1 =	vld [tilespmem:$0x12C];
	_ =	sdelay $0x3  }
0x1d5: {  	(v2sf) =	vpush v0, $0x0  }
0x1d6: {  	(v2sf) =	vpush v1, $0x0;
	_ =	sdelay $0xd  }
.Ltmp53:
0x1d7: {  	s1 =	spop (v2sf);
	(pc) =	sbr.rel @p1 .LBB2_71-.Ltmp53, $4  }
0x1d8: {  	s10 =	simm.s32 $0x2;
	s5 =	spop (v2sf)  }
0x1d9: {  	_ =	swait.ge [sflag:s10], $0x1800  }
0x1da: {  	[sflag:s10] =	ssyncset.done $0x0  }
0x1db: {  	[sflag:s10] =	ssyncadd.s32 $0xFFFFE800  }
0x1dc: {  	s10 =	rddreg [dreg:$0x14]  }
0x1dd: {  	s10 =	ssub.s32 s10, s13  }
0x1de: {  	p0 =	sne.s32 s10, $0x1  }
.Ltmp54:
0x1df: {  	_ = 	snop;
	(pc) =	sbr.rel @!p0 .LBB2_70-.Ltmp54, $3  }
0x1e0: {  	_ =	sdelay $0x1  }
0x1e1: {  	_ =	swait.ge [sflag:s31], $0x1800  }
0x1e2: {  	[sflag:s31] =	ssyncset.done $0x0;
	s10 =	sadd.s32 $0xFFFFFFFF, s10  }
.LBB2_69:
0x1e3: {  	p0 =	sne.s32 s10, $0x1;
	s10 =	sadd.s32 $0xFFFFFFFF, s10;
	[sflag:s31] =	ssyncadd.s32 $0xFFFFE800  }
.Ltmp55:
0x1e4: {  	(pc) =	sbr.rel @p0 .LBB2_69-.Ltmp55, $3  }
0x1e5: {  	_ =	sdelay $0x1  }
0x1e6: {  	_ =	swait.ge [sflag:s31], $0x1800  }
0x1e7: {  	[sflag:s31] =	ssyncset.done $0x0  }
.LBB2_70:
0x1e8: {  	[sflag:s31] =	ssyncadd.s32 $0xFFFFE800  }
.LBB2_71:
0x1e9: {  	s12 =	ssub.s32 s5, s1  }
0x1ea: {  	p0 =	slt.s32 s12, $0x1  }
.Ltmp56:
0x1eb: {  	_ = 	snop;
	(pc) =	sbr.rel @p0 .LBB2_75-.Ltmp56, $3  }
0x1ec: {  	_ =	sdelay $0x1  }
0x1ed: {  	s24 =	rddreg [dreg:$0xd]  }
0x1ee: {  	[tilespmem:s3], [sflag:$0x5] =	stream.linear.gather [hbm4b:s24+s4], $0x1800, $0x38;
	[tilespmem:$0xA980] =	vst v63  }
0x1ef: {  	p0 =	sne.s32 s12, $0x1  }
.Ltmp57:
0x1f0: {  	_ = 	snop;
	(pc) =	sbr.rel @!p0 .LBB2_74-.Ltmp57, $2  }
0x1f1: {  	_ =	sdelay $0x2  }
0x1f2: {  	v0 =	vld [tilespmem:s1+$0x0];
	s5 =	sadd.s32 $0xFFFFFFFF, s12  }
.LBB2_73:
0x1f3: {  	p0 =	sne.s32 s5, $0x1;
	_ =	sdelay $0x3  }
0x1f4: {  	(v2sf) =	vpush v0, $0x0;
	_ =	sdelay $0xe  }
0x1f5: {  	s10 =	spop (v2sf)  }
0x1f6: {  	s10 =	sshll.u32 s10, $0x2  }
0x1f7: {  	s10 =	sadd.s32 s6, s10  }
0x1f8: {  	s10 =	smul.u32 $0x1800, s10  }
.Ltmp58:
0x1f9: {  	(pc) =	sbr.rel @p0 .LBB2_73-.Ltmp58, $4  }
0x1fa: {  	s10 =	sshrl.u32 s10, $0x3  }
0x1fb: {  	s1 =	sadd.s32 $0x1, s1;
	s10 =	sadd.s32 s2, s10  }
0x1fc: {  	[hbm4b:s10+s4] =	stream.linear.scatter [tilespmem:s20], [sflag:$0x9], $0x1800, $0x38;
	[tilespmem:$0xA980] =	vst v63  }
0x1fd: {  	s5 =	sadd.s32 $0xFFFFFFFF, s5;
	v0 =	vld [tilespmem:s1+$0x0]  }
.LBB2_74:
0x1fe: {  	_ =	sdelay $0x3  }
0x1ff: {  	(v2sf) =	vpush v0, $0x0;
	_ =	sdelay $0xe  }
0x200: {  	s1 =	spop (v2sf)  }
0x201: {  	s1 =	sshll.u32 s1, $0x2  }
0x202: {  	s1 =	sadd.s32 s6, s1  }
0x203: {  	s1 =	smul.u32 $0x1800, s1;
	_ =	sdelay $0x1  }
0x204: {  	s1 =	sshrl.u32 s1, $0x3  }
0x205: {  	s1 =	sadd.s32 s2, s1  }
0x206: {  	[hbm4b:s1+s4] =	stream.linear.scatter [tilespmem:s20], [sflag:$0x9], $0x1800, $0x38;
	[tilespmem:$0xA980] =	vst v63  }
.LBB2_75:
0x207: {  	v0 =	vld [tilespmem:$0x12C]  }
0x208: {  	v1 =	vld [tilespmem:$0x12D];
	_ =	sdelay $0x3  }
0x209: {  	(v2sf) =	vpush v0, $0x0  }
0x20a: {  	(v2sf) =	vpush v1, $0x0;
	_ =	sdelay $0xd  }
.Ltmp59:
0x20b: {  	s1 =	spop (v2sf);
	(pc) =	sbr.rel @p2 .LBB2_79-.Ltmp59, $4  }
0x20c: {  	s10 =	simm.s32 $0x3;
	s5 =	spop (v2sf)  }
0x20d: {  	_ =	swait.ge [sflag:s10], $0x1800  }
0x20e: {  	[sflag:s10] =	ssyncset.done $0x0  }
0x20f: {  	[sflag:s10] =	ssyncadd.s32 $0xFFFFE800  }
0x210: {  	s10 =	rddreg [dreg:$0x15]  }
0x211: {  	s10 =	ssub.s32 s10, s26  }
0x212: {  	p0 =	sne.s32 s10, $0x1  }
.Ltmp60:
0x213: {  	_ = 	snop;
	(pc) =	sbr.rel @!p0 .LBB2_78-.Ltmp60, $3  }
0x214: {  	_ =	sdelay $0x1  }
0x215: {  	_ =	swait.ge [sflag:s22], $0x1800  }
0x216: {  	[sflag:s22] =	ssyncset.done $0x0;
	s10 =	sadd.s32 $0xFFFFFFFF, s10  }
.LBB2_77:
0x217: {  	p0 =	sne.s32 s10, $0x1;
	s10 =	sadd.s32 $0xFFFFFFFF, s10;
	[sflag:s22] =	ssyncadd.s32 $0xFFFFE800  }
.Ltmp61:
0x218: {  	(pc) =	sbr.rel @p0 .LBB2_77-.Ltmp61, $3  }
0x219: {  	_ =	sdelay $0x1  }
0x21a: {  	_ =	swait.ge [sflag:s22], $0x1800  }
0x21b: {  	[sflag:s22] =	ssyncset.done $0x0  }
.LBB2_78:
0x21c: {  	[sflag:s22] =	ssyncadd.s32 $0xFFFFE800  }
.LBB2_79:
0x21d: {  	s18 =	ssub.s32 s5, s1  }
0x21e: {  	p0 =	slt.s32 s18, $0x1  }
.Ltmp62:
0x21f: {  	_ = 	snop;
	(pc) =	sbr.rel @p0 .LBB2_83-.Ltmp62, $3  }
0x220: {  	_ =	sdelay $0x1  }
0x221: {  	s26 =	rddreg [dreg:$0xe]  }
0x222: {  	[tilespmem:s23], [sflag:$0x6] =	stream.linear.gather [hbm4b:s26+s4], $0x1800, $0x38;
	[tilespmem:$0xA980] =	vst v63  }
0x223: {  	p0 =	sne.s32 s18, $0x1  }
.Ltmp63:
0x224: {  	_ = 	snop;
	(pc) =	sbr.rel @!p0 .LBB2_82-.Ltmp63, $2  }
0x225: {  	_ =	sdelay $0x2  }
0x226: {  	v0 =	vld [tilespmem:s1+$0x0];
	s5 =	sadd.s32 $0xFFFFFFFF, s18  }
.LBB2_81:
0x227: {  	p0 =	sne.s32 s5, $0x1;
	_ =	sdelay $0x3  }
0x228: {  	(v2sf) =	vpush v0, $0x0;
	_ =	sdelay $0xe  }
0x229: {  	s10 =	spop (v2sf)  }
0x22a: {  	s10 =	sshll.u32 s10, $0x2  }
0x22b: {  	s10 =	sadd.s32 s6, s10  }
0x22c: {  	s10 =	smul.u32 $0x1800, s10  }
.Ltmp64:
0x22d: {  	(pc) =	sbr.rel @p0 .LBB2_81-.Ltmp64, $4  }
0x22e: {  	s10 =	sshrl.u32 s10, $0x3  }
0x22f: {  	s1 =	sadd.s32 $0x1, s1;
	s10 =	sadd.s32 s2, s10  }
0x230: {  	[hbm4b:s10+s4] =	stream.linear.scatter [tilespmem:s21], [sflag:$0xA], $0x1800, $0x38;
	[tilespmem:$0xA980] =	vst v63  }
0x231: {  	s5 =	sadd.s32 $0xFFFFFFFF, s5;
	v0 =	vld [tilespmem:s1+$0x0]  }
.LBB2_82:
0x232: {  	_ =	sdelay $0x3  }
0x233: {  	(v2sf) =	vpush v0, $0x0;
	_ =	sdelay $0xe  }
0x234: {  	s1 =	spop (v2sf)  }
0x235: {  	s1 =	sshll.u32 s1, $0x2  }
0x236: {  	s1 =	sadd.s32 s6, s1  }
0x237: {  	s1 =	smul.u32 $0x1800, s1;
	_ =	sdelay $0x1  }
0x238: {  	s1 =	sshrl.u32 s1, $0x3  }
0x239: {  	s1 =	sadd.s32 s2, s1  }
0x23a: {  	[hbm4b:s1+s4] =	stream.linear.scatter [tilespmem:s21], [sflag:$0xA], $0x1800, $0x38;
	[tilespmem:$0xA980] =	vst v63  }
.LBB2_83:
0x23b: {  	v0 =	vld [tilespmem:$0x12D]  }
0x23c: {  	v1 =	vld [tilespmem:$0x12E];
	_ =	sdelay $0x3  }
0x23d: {  	(v2sf) =	vpush v0, $0x0  }
0x23e: {  	(v2sf) =	vpush v1, $0x0;
	_ =	sdelay $0xd  }
.Ltmp65:
0x23f: {  	s1 =	spop (v2sf);
	(pc) =	sbr.rel @p3 .LBB2_87-.Ltmp65, $4  }
0x240: {  	s10 =	simm.s32 $0x4;
	s5 =	spop (v2sf)  }
0x241: {  	_ =	swait.ge [sflag:s10], $0x1800  }
0x242: {  	[sflag:s10] =	ssyncset.done $0x0  }
0x243: {  	[sflag:s10] =	ssyncadd.s32 $0xFFFFE800  }
0x244: {  	s0 =	ssub.s32 s25, s0  }
0x245: {  	p0 =	sne.s32 s0, $0x1  }
.Ltmp66:
0x246: {  	_ = 	snop;
	(pc) =	sbr.rel @!p0 .LBB2_86-.Ltmp66, $3  }
0x247: {  	_ =	sdelay $0x1  }
0x248: {  	_ =	swait.ge [sflag:s7], $0x1800  }
0x249: {  	s0 =	sadd.s32 $0xFFFFFFFF, s0;
	[sflag:s7] =	ssyncset.done $0x0  }
.LBB2_85:
0x24a: {  	p0 =	sne.s32 s0, $0x1;
	s0 =	sadd.s32 $0xFFFFFFFF, s0;
	[sflag:s7] =	ssyncadd.s32 $0xFFFFE800  }
.Ltmp67:
0x24b: {  	(pc) =	sbr.rel @p0 .LBB2_85-.Ltmp67, $3  }
0x24c: {  	_ =	sdelay $0x1  }
0x24d: {  	_ =	swait.ge [sflag:s7], $0x1800  }
0x24e: {  	[sflag:s7] =	ssyncset.done $0x0  }
.LBB2_86:
0x24f: {  	[sflag:s7] =	ssyncadd.s32 $0xFFFFE800  }
.LBB2_87:
0x250: {  	s0 =	ssub.s32 s5, s1  }
0x251: {  	p0 =	slt.s32 s0, $0x1  }
.Ltmp68:
0x252: {  	_ = 	snop;
	(pc) =	sbr.rel @p0 .LBB2_91-.Ltmp68, $3  }
0x253: {  	_ =	sdelay $0x1  }
0x254: {  	s26 =	rddreg [dreg:$0xf]  }
0x255: {  	[tilespmem:s9], [sflag:$0x7] =	stream.linear.gather [hbm4b:s26+s4], $0x1800, $0x38;
	[tilespmem:$0xA980] =	vst v63  }
0x256: {  	p0 =	sne.s32 s0, $0x1  }
.Ltmp69:
0x257: {  	_ = 	snop;
	(pc) =	sbr.rel @!p0 .LBB2_90-.Ltmp69, $2  }
0x258: {  	_ =	sdelay $0x2  }
0x259: {  	v0 =	vld [tilespmem:s1+$0x0];
	s5 =	sadd.s32 $0xFFFFFFFF, s0  }
.LBB2_89:
0x25a: {  	p0 =	sne.s32 s5, $0x1;
	_ =	sdelay $0x3  }
0x25b: {  	(v2sf) =	vpush v0, $0x0;
	_ =	sdelay $0xe  }
0x25c: {  	s10 =	spop (v2sf)  }
0x25d: {  	s10 =	sshll.u32 s10, $0x2  }
0x25e: {  	s10 =	sadd.s32 s6, s10  }
0x25f: {  	s10 =	smul.u32 $0x1800, s10  }
.Ltmp70:
0x260: {  	(pc) =	sbr.rel @p0 .LBB2_89-.Ltmp70, $4  }
0x261: {  	s10 =	sshrl.u32 s10, $0x3  }
0x262: {  	s1 =	sadd.s32 $0x1, s1;
	s10 =	sadd.s32 s2, s10  }
0x263: {  	[hbm4b:s10+s4] =	stream.linear.scatter [tilespmem:s29], [sflag:$0xB], $0x1800, $0x38;
	[tilespmem:$0xA980] =	vst v63  }
0x264: {  	s5 =	sadd.s32 $0xFFFFFFFF, s5;
	v0 =	vld [tilespmem:s1+$0x0]  }
.LBB2_90:
0x265: {  	_ =	sdelay $0x3  }
0x266: {  	(v2sf) =	vpush v0, $0x0;
	_ =	sdelay $0xe  }
0x267: {  	s1 =	spop (v2sf)  }
0x268: {  	s1 =	sshll.u32 s1, $0x2  }
0x269: {  	s1 =	sadd.s32 s6, s1  }
0x26a: {  	s1 =	smul.u32 $0x1800, s1;
	_ =	sdelay $0x1  }
0x26b: {  	s1 =	sshrl.u32 s1, $0x3  }
0x26c: {  	s1 =	sadd.s32 s2, s1  }
0x26d: {  	[hbm4b:s1+s4] =	stream.linear.scatter [tilespmem:s29], [sflag:$0xB], $0x1800, $0x38;
	[tilespmem:$0xA980] =	vst v63  }
.LBB2_91:
0x26e: {  	v0 =	vld [tilespmem:$0x12E]  }
0x26f: {  	v1 =	vld [tilespmem:$0x12F];
	_ =	sdelay $0x3  }
0x270: {  	(v2sf) =	vpush v0, $0x0  }
0x271: {  	(v2sf) =	vpush v1, $0x0;
	_ =	sdelay $0xd  }
0x272: {  	s5 =	spop (v2sf)  }
0x273: {  	s1 =	spop (v2sf)  }
0x274: {  	s1 =	ssub.s32 s1, s5  }
0x275: {  	p0 =	slt.s32 s1, $0x1  }
.Ltmp71:
0x276: {  	_ = 	snop;
	(pc) =	sbr.rel @p0 .LBB2_95-.Ltmp71, $4  }
0x277: {  	s10 =	simm.s32 $0x5  }
0x278: {  	_ =	swait.ge [sflag:s10], $0x1800  }
0x279: {  	[sflag:s10] =	ssyncset.done $0x0  }
0x27a: {  	[sflag:s10] =	ssyncadd.s32 $0xFFFFE800  }
0x27b: {  	p0 =	sne.s32 s1, $0x1  }
.Ltmp72:
0x27c: {  	_ = 	snop;
	(pc) =	sbr.rel @!p0 .LBB2_94-.Ltmp72, $2  }
0x27d: {  	_ =	sdelay $0x2  }
0x27e: {  	v0 =	vld [tilespmem:s5+$0x0];
	s10 =	sadd.s32 $0xFFFFFFFF, s1  }
.LBB2_93:
0x27f: {  	p0 =	sne.s32 s10, $0x1;
	_ =	sdelay $0x3  }
0x280: {  	(v2sf) =	vpush v0, $0x0;
	_ =	sdelay $0xe  }
0x281: {  	s13 =	spop (v2sf)  }
0x282: {  	s13 =	sshll.u32 s13, $0x2  }
0x283: {  	s13 =	sadd.s32 s6, s13  }
0x284: {  	s13 =	smul.u32 $0x1800, s13  }
.Ltmp73:
0x285: {  	(pc) =	sbr.rel @p0 .LBB2_93-.Ltmp73, $4  }
0x286: {  	s13 =	sshrl.u32 s13, $0x3  }
0x287: {  	s5 =	sadd.s32 $0x1, s5;
	s13 =	sadd.s32 s2, s13  }
0x288: {  	[hbm4b:s13+s4] =	stream.linear.scatter [tilespmem:s3], [sflag:$0xC], $0x1800, $0x38;
	[tilespmem:$0xA980] =	vst v63  }
0x289: {  	s10 =	sadd.s32 $0xFFFFFFFF, s10;
	v0 =	vld [tilespmem:s5+$0x0]  }
.LBB2_94:
0x28a: {  	_ =	sdelay $0x3  }
0x28b: {  	(v2sf) =	vpush v0, $0x0;
	_ =	sdelay $0xe  }
0x28c: {  	s5 =	spop (v2sf)  }
0x28d: {  	s5 =	sshll.u32 s5, $0x2  }
0x28e: {  	s5 =	sadd.s32 s6, s5  }
0x28f: {  	s5 =	smul.u32 $0x1800, s5;
	_ =	sdelay $0x1  }
0x290: {  	s5 =	sshrl.u32 s5, $0x3  }
0x291: {  	s5 =	sadd.s32 s2, s5  }
0x292: {  	[hbm4b:s5+s4] =	stream.linear.scatter [tilespmem:s3], [sflag:$0xC], $0x1800, $0x38;
	[tilespmem:$0xA980] =	vst v63  }
.LBB2_95:
0x293: {  	v0 =	vld [tilespmem:$0x12F]  }
0x294: {  	v1 =	vld [tilespmem:$0x130];
	_ =	sdelay $0x3  }
0x295: {  	(v2sf) =	vpush v0, $0x0  }
0x296: {  	(v2sf) =	vpush v1, $0x0;
	_ =	sdelay $0xd  }
0x297: {  	s10 =	spop (v2sf)  }
0x298: {  	s5 =	spop (v2sf)  }
0x299: {  	s5 =	ssub.s32 s5, s10  }
0x29a: {  	p0 =	slt.s32 s5, $0x1  }
.Ltmp74:
0x29b: {  	_ = 	snop;
	(pc) =	sbr.rel @p0 .LBB2_99-.Ltmp74, $4  }
0x29c: {  	s13 =	simm.s32 $0x6  }
0x29d: {  	_ =	swait.ge [sflag:s13], $0x1800  }
0x29e: {  	[sflag:s13] =	ssyncset.done $0x0  }
0x29f: {  	[sflag:s13] =	ssyncadd.s32 $0xFFFFE800  }
0x2a0: {  	p0 =	sne.s32 s5, $0x1  }
.Ltmp75:
0x2a1: {  	_ = 	snop;
	(pc) =	sbr.rel @!p0 .LBB2_98-.Ltmp75, $2  }
0x2a2: {  	_ =	sdelay $0x2  }
0x2a3: {  	v0 =	vld [tilespmem:s10+$0x0];
	s13 =	sadd.s32 $0xFFFFFFFF, s5  }
.LBB2_97:
0x2a4: {  	p0 =	sne.s32 s13, $0x1;
	_ =	sdelay $0x3  }
0x2a5: {  	(v2sf) =	vpush v0, $0x0;
	_ =	sdelay $0xe  }
0x2a6: {  	s14 =	spop (v2sf)  }
0x2a7: {  	s14 =	sshll.u32 s14, $0x2  }
0x2a8: {  	s14 =	sadd.s32 s6, s14  }
0x2a9: {  	s14 =	smul.u32 $0x1800, s14  }
.Ltmp76:
0x2aa: {  	(pc) =	sbr.rel @p0 .LBB2_97-.Ltmp76, $4  }
0x2ab: {  	s14 =	sshrl.u32 s14, $0x3  }
0x2ac: {  	s10 =	sadd.s32 $0x1, s10;
	s14 =	sadd.s32 s2, s14  }
0x2ad: {  	[hbm4b:s14+s4] =	stream.linear.scatter [tilespmem:s23], [sflag:$0xD], $0x1800, $0x38;
	[tilespmem:$0xA980] =	vst v63  }
0x2ae: {  	s13 =	sadd.s32 $0xFFFFFFFF, s13;
	v0 =	vld [tilespmem:s10+$0x0]  }
.LBB2_98:
0x2af: {  	_ =	sdelay $0x3  }
0x2b0: {  	(v2sf) =	vpush v0, $0x0;
	_ =	sdelay $0xe  }
0x2b1: {  	s10 =	spop (v2sf)  }
0x2b2: {  	s10 =	sshll.u32 s10, $0x2  }
0x2b3: {  	s10 =	sadd.s32 s6, s10  }
0x2b4: {  	s10 =	smul.u32 $0x1800, s10;
	_ =	sdelay $0x1  }
0x2b5: {  	s10 =	sshrl.u32 s10, $0x3  }
0x2b6: {  	s10 =	sadd.s32 s2, s10  }
0x2b7: {  	[hbm4b:s10+s4] =	stream.linear.scatter [tilespmem:s23], [sflag:$0xD], $0x1800, $0x38;
	[tilespmem:$0xA980] =	vst v63  }
.LBB2_99:
0x2b8: {  	v0 =	vld [tilespmem:$0x130]  }
0x2b9: {  	v1 =	vld [tilespmem:$0x131];
	_ =	sdelay $0x3  }
0x2ba: {  	(v2sf) =	vpush v0, $0x0  }
0x2bb: {  	(v2sf) =	vpush v1, $0x0;
	_ =	sdelay $0xd  }
0x2bc: {  	s13 =	spop (v2sf)  }
0x2bd: {  	s10 =	spop (v2sf)  }
0x2be: {  	s10 =	ssub.s32 s10, s13  }
0x2bf: {  	p0 =	slt.s32 s10, $0x1  }
.Ltmp77:
0x2c0: {  	_ = 	snop;
	(pc) =	sbr.rel @p0 .LBB2_100-.Ltmp77, $4  }
0x2c1: {  	s14 =	simm.s32 $0x7  }
0x2c2: {  	_ =	swait.ge [sflag:s14], $0x1800  }
0x2c3: {  	[sflag:s14] =	ssyncset.done $0x0  }
0x2c4: {  	[sflag:s14] =	ssyncadd.s32 $0xFFFFE800  }
0x2c5: {  	p0 =	seq.s32 s10, $0x1  }
.Ltmp78:
0x2c6: {  	_ = 	snop;
	(pc) =	sbr.rel @p0 .LBB2_114-.Ltmp78, $2  }
0x2c7: {  	_ =	sdelay $0x2  }
0x2c8: {  	v0 =	vld [tilespmem:s13+$0x0];
	s14 =	sadd.s32 $0xFFFFFFFF, s10  }
.LBB2_113:
0x2c9: {  	p0 =	seq.s32 s14, $0x1;
	_ =	sdelay $0x3  }
0x2ca: {  	(v2sf) =	vpush v0, $0x0;
	_ =	sdelay $0xe  }
0x2cb: {  	s16 =	spop (v2sf)  }
0x2cc: {  	s16 =	sshll.u32 s16, $0x2  }
0x2cd: {  	s16 =	sadd.s32 s6, s16  }
0x2ce: {  	s16 =	smul.u32 $0x1800, s16  }
.Ltmp79:
0x2cf: {  	(pc) =	sbr.rel @!p0 .LBB2_113-.Ltmp79, $4  }
0x2d0: {  	s16 =	sshrl.u32 s16, $0x3  }
0x2d1: {  	s13 =	sadd.s32 $0x1, s13;
	s16 =	sadd.s32 s2, s16  }
0x2d2: {  	[hbm4b:s16+s4] =	stream.linear.scatter [tilespmem:s9], [sflag:$0xE], $0x1800, $0x38;
	[tilespmem:$0xA980] =	vst v63  }
0x2d3: {  	s14 =	sadd.s32 $0xFFFFFFFF, s14;
	v0 =	vld [tilespmem:s13+$0x0]  }
.LBB2_114:
0x2d4: {  	_ =	sdelay $0x3  }
0x2d5: {  	(v2sf) =	vpush v0, $0x0;
	_ =	sdelay $0xe  }
0x2d6: {  	s13 =	spop (v2sf)  }
0x2d7: {  	s13 =	sshll.u32 s13, $0x2  }
0x2d8: {  	s13 =	sadd.s32 s6, s13  }
0x2d9: {  	s13 =	smul.u32 $0x1800, s13;
	_ =	sdelay $0x1  }
0x2da: {  	s13 =	sshrl.u32 s13, $0x3  }
0x2db: {  	s13 =	sadd.s32 s2, s13  }
0x2dc: {  	[hbm4b:s13+s4] =	stream.linear.scatter [tilespmem:s9], [sflag:$0xE], $0x1800, $0x38;
	[tilespmem:$0xA980] =	vst v63  }
.LBB2_100:
0x2dd: {  	p0 =	sgt.s32 s8, $0x0  }
.Ltmp80:
0x2de: {  	_ = 	snop;
	(pc) =	sbr.rel @!p0 .LBB2_101-.Ltmp80, $1  }
0x2df: {  	_ =	sdelay $0x3  }
0x2e0: {  	p0 =	seq.s32 s8, $0x1  }
.Ltmp81:
0x2e1: {  	_ = 	snop;
	(pc) =	sbr.rel @p0 .LBB2_117-.Ltmp81, $3  }
0x2e2: {  	_ =	sdelay $0x1  }
0x2e3: {  	_ =	swait.ge [sflag:s11], $0x1800  }
0x2e4: {  	s8 =	sadd.s32 $0xFFFFFFFF, s8;
	[sflag:s11] =	ssyncset.done $0x0  }
.LBB2_116:
0x2e5: {  	p0 =	seq.s32 s8, $0x1;
	s8 =	sadd.s32 $0xFFFFFFFF, s8;
	[sflag:s11] =	ssyncadd.s32 $0xFFFFE800  }
.Ltmp82:
0x2e6: {  	(pc) =	sbr.rel @!p0 .LBB2_116-.Ltmp82, $3  }
0x2e7: {  	_ =	sdelay $0x1  }
0x2e8: {  	_ =	swait.ge [sflag:s11], $0x1800  }
0x2e9: {  	[sflag:s11] =	ssyncset.done $0x0  }
.LBB2_117:
0x2ea: {  	[sflag:s11] =	ssyncadd.s32 $0xFFFFE800  }
.LBB2_101:
0x2eb: {  	p0 =	sgt.s32 s12, $0x0  }
.Ltmp83:
0x2ec: {  	_ = 	snop;
	(pc) =	sbr.rel @!p0 .LBB2_102-.Ltmp83, $1  }
0x2ed: {  	_ =	sdelay $0x3  }
0x2ee: {  	p0 =	seq.s32 s12, $0x1  }
.Ltmp84:
0x2ef: {  	_ = 	snop;
	(pc) =	sbr.rel @p0 .LBB2_120-.Ltmp84, $3  }
0x2f0: {  	_ =	sdelay $0x1  }
0x2f1: {  	_ =	swait.ge [sflag:s15], $0x1800  }
0x2f2: {  	s8 =	sadd.s32 $0xFFFFFFFF, s12;
	[sflag:s15] =	ssyncset.done $0x0  }
.LBB2_119:
0x2f3: {  	p0 =	seq.s32 s8, $0x1;
	s8 =	sadd.s32 $0xFFFFFFFF, s8;
	[sflag:s15] =	ssyncadd.s32 $0xFFFFE800  }
.Ltmp85:
0x2f4: {  	(pc) =	sbr.rel @!p0 .LBB2_119-.Ltmp85, $3  }
0x2f5: {  	_ =	sdelay $0x1  }
0x2f6: {  	_ =	swait.ge [sflag:s15], $0x1800  }
0x2f7: {  	[sflag:s15] =	ssyncset.done $0x0  }
.LBB2_120:
0x2f8: {  	[sflag:s15] =	ssyncadd.s32 $0xFFFFE800  }
.LBB2_102:
0x2f9: {  	p0 =	sgt.s32 s18, $0x0  }
.Ltmp86:
0x2fa: {  	_ = 	snop;
	(pc) =	sbr.rel @!p0 .LBB2_103-.Ltmp86, $1  }
0x2fb: {  	_ =	sdelay $0x3  }
0x2fc: {  	p0 =	seq.s32 s18, $0x1  }
.Ltmp87:
0x2fd: {  	_ = 	snop;
	(pc) =	sbr.rel @p0 .LBB2_123-.Ltmp87, $3  }
0x2fe: {  	_ =	sdelay $0x1  }
0x2ff: {  	_ =	swait.ge [sflag:s17], $0x1800  }
0x300: {  	s8 =	sadd.s32 $0xFFFFFFFF, s18;
	[sflag:s17] =	ssyncset.done $0x0  }
.LBB2_122:
0x301: {  	p0 =	seq.s32 s8, $0x1;
	s8 =	sadd.s32 $0xFFFFFFFF, s8;
	[sflag:s17] =	ssyncadd.s32 $0xFFFFE800  }
.Ltmp88:
0x302: {  	(pc) =	sbr.rel @!p0 .LBB2_122-.Ltmp88, $3  }
0x303: {  	_ =	sdelay $0x1  }
0x304: {  	_ =	swait.ge [sflag:s17], $0x1800  }
0x305: {  	[sflag:s17] =	ssyncset.done $0x0  }
.LBB2_123:
0x306: {  	[sflag:s17] =	ssyncadd.s32 $0xFFFFE800  }
.LBB2_103:
0x307: {  	p0 =	sgt.s32 s0, $0x0  }
.Ltmp89:
0x308: {  	_ = 	snop;
	(pc) =	sbr.rel @!p0 .LBB2_104-.Ltmp89, $2  }
0x309: {  	_ =	sdelay $0x2  }
0x30a: {  	s18 =	rddreg [dreg:$0x4]  }
0x30b: {  	p0 =	seq.s32 s0, $0x1  }
.Ltmp90:
0x30c: {  	_ = 	snop;
	(pc) =	sbr.rel @p0 .LBB2_126-.Ltmp90, $3  }
0x30d: {  	_ =	sdelay $0x1  }
0x30e: {  	_ =	swait.ge [sflag:s28], $0x1800  }
0x30f: {  	s0 =	sadd.s32 $0xFFFFFFFF, s0;
	[sflag:s28] =	ssyncset.done $0x0  }
.LBB2_125:
0x310: {  	p0 =	seq.s32 s0, $0x1;
	s0 =	sadd.s32 $0xFFFFFFFF, s0;
	[sflag:s28] =	ssyncadd.s32 $0xFFFFE800  }
.Ltmp91:
0x311: {  	(pc) =	sbr.rel @!p0 .LBB2_125-.Ltmp91, $3  }
0x312: {  	_ =	sdelay $0x1  }
0x313: {  	_ =	swait.ge [sflag:s28], $0x1800  }
0x314: {  	[sflag:s28] =	ssyncset.done $0x0  }
.LBB2_126:
0x315: {  	[sflag:s28] =	ssyncadd.s32 $0xFFFFE800  }
.LBB2_104:
0x316: {  	p0 =	sgt.s32 s1, $0x0  }
.Ltmp92:
0x317: {  	_ = 	snop;
	(pc) =	sbr.rel @!p0 .LBB2_105-.Ltmp92, $1  }
0x318: {  	_ =	sdelay $0x3  }
0x319: {  	p0 =	seq.s32 s1, $0x1  }
.Ltmp93:
0x31a: {  	_ = 	snop;
	(pc) =	sbr.rel @p0 .LBB2_129-.Ltmp93, $3  }
0x31b: {  	_ =	sdelay $0x1  }
0x31c: {  	_ =	swait.ge [sflag:s31], $0x1800  }
0x31d: {  	s0 =	sadd.s32 $0xFFFFFFFF, s1;
	[sflag:s31] =	ssyncset.done $0x0  }
.LBB2_128:
0x31e: {  	p0 =	seq.s32 s0, $0x1;
	s0 =	sadd.s32 $0xFFFFFFFF, s0;
	[sflag:s31] =	ssyncadd.s32 $0xFFFFE800  }
.Ltmp94:
0x31f: {  	(pc) =	sbr.rel @!p0 .LBB2_128-.Ltmp94, $3  }
0x320: {  	_ =	sdelay $0x1  }
0x321: {  	_ =	swait.ge [sflag:s31], $0x1800  }
0x322: {  	[sflag:s31] =	ssyncset.done $0x0  }
.LBB2_129:
0x323: {  	[sflag:s31] =	ssyncadd.s32 $0xFFFFE800  }
.LBB2_105:
0x324: {  	p0 =	sgt.s32 s5, $0x0  }
.Ltmp95:
0x325: {  	_ = 	snop;
	(pc) =	sbr.rel @!p0 .LBB2_106-.Ltmp95, $2  }
0x326: {  	_ =	sdelay $0x2  }
0x327: {  	s1 =	rddreg [dreg:$0x11]  }
0x328: {  	p0 =	seq.s32 s5, $0x1  }
.Ltmp96:
0x329: {  	_ = 	snop;
	(pc) =	sbr.rel @p0 .LBB2_132-.Ltmp96, $3  }
0x32a: {  	_ =	sdelay $0x1  }
0x32b: {  	_ =	swait.ge [sflag:s22], $0x1800  }
0x32c: {  	s0 =	sadd.s32 $0xFFFFFFFF, s5;
	[sflag:s22] =	ssyncset.done $0x0  }
.LBB2_131:
0x32d: {  	p0 =	seq.s32 s0, $0x1;
	s0 =	sadd.s32 $0xFFFFFFFF, s0;
	[sflag:s22] =	ssyncadd.s32 $0xFFFFE800  }
.Ltmp97:
0x32e: {  	(pc) =	sbr.rel @!p0 .LBB2_131-.Ltmp97, $3  }
0x32f: {  	_ =	sdelay $0x1  }
0x330: {  	_ =	swait.ge [sflag:s22], $0x1800  }
0x331: {  	[sflag:s22] =	ssyncset.done $0x0  }
.LBB2_132:
0x332: {  	[sflag:s22] =	ssyncadd.s32 $0xFFFFE800  }
.LBB2_106:
0x333: {  	p0 =	sgt.s32 s10, $0x0  }
.Ltmp98:
0x334: {  	_ = 	snop;
	(pc) =	sbr.rel @!p0 .LBB2_110-.Ltmp98, $1  }
0x335: {  	_ =	sdelay $0x3  }
0x336: {  	p0 =	sne.s32 s10, $0x1  }
.Ltmp99:
0x337: {  	_ = 	snop;
	(pc) =	sbr.rel @!p0 .LBB2_109-.Ltmp99, $3  }
0x338: {  	_ =	sdelay $0x1  }
0x339: {  	_ =	swait.ge [sflag:s7], $0x1800  }
0x33a: {  	s0 =	sadd.s32 $0xFFFFFFFF, s10;
	[sflag:s7] =	ssyncset.done $0x0  }
.LBB2_108:
0x33b: {  	p0 =	sne.s32 s0, $0x1;
	s0 =	sadd.s32 $0xFFFFFFFF, s0;
	[sflag:s7] =	ssyncadd.s32 $0xFFFFE800  }
.Ltmp100:
0x33c: {  	(pc) =	sbr.rel @p0 .LBB2_108-.Ltmp100, $3  }
0x33d: {  	_ =	sdelay $0x1  }
0x33e: {  	_ =	swait.ge [sflag:s7], $0x1800  }
0x33f: {  	[sflag:s7] =	ssyncset.done $0x0  }
.Ltmp101:
0x340: {  	_ = 	snop;
	(pc) =	sbr.rel .LBB2_109-.Ltmp101, $1  }
0x341: {  	_ =	sdelay $0x3  }
.LBB2_111:
0x342: {  	_ =	sfence.sel $0x180000  }
0x343: {  	[bflag:$0x0] =	sbarrier.arrive $0xFFFF  }
0x344: {  	_ =	strace $0x90000047  }
0x345: {  	s0 =	stileid.u32;
	[bflag:$0x2] =	sbarrier.arrive $0xFFFF  }
0x346: {  	p0 =	sne.s32 s0, $0x0;
	s0 =	rddreg [dreg:$0x3]  }
0x347: {  	s0 =	sadd.s32 @!p0 $0x100000, s0  }
0x348: {  	[sflag:s0] =	ssyncadd.tile.s32 @!p0 $0x1;
	_ =	shalt  }
.Lfunc_end2:
_tile_overlayer_lowered:
.L_overlay_start_2:
0x349: {  	(tag) =	ssettag $0x2  }
0x34a: {  	s0 =	rddreg [dreg:$0x0];
	s2 =	stileid.u32  }
0x34b: {  	s1 =	rddreg [dreg:$0x1];
	p0 =	sne.s32 s2, $0x0  }
0x34c: {  	s3 =	rddreg [dreg:$0x2];
	[bflag:$0x3] =	sbarrier.arrive $0xFFFF;
	s2 =	simm.s32 @!p0 $0x1C0F  }
0x34d: {  	[timem:s3], [sflag:s2] =	dma.local @!p0 [hbm:s0], s1  }
0x34e: {  	s0 =	simm.s32 @!p0 $0xF  }
0x34f: {  	_ =	swait.ge @!p0 [sflag:s0], s1  }
0x350: {  	s1 =	ssub.s32 @!p0 $0x0, s1;
	[sflag:s0] =	ssyncset.done @!p0 $0x0  }
0x351: {  	[sflag:s0] =	ssyncadd.s32 @!p0 s1  }
0x352: {  	[bflag:$0x3] =	sbarrier.arrive $0xFFFF  }
0x353: {  	_ =	shalt  }

</sc_bundles>
